<compile_context>
chip_gen: v7x
topology: tpu7x:2x2x1
jax: 0.10.2.dev20260603
libtpu: 0.0.44.dev20260713+nightly
codegen_flags: <defaults>
</compile_context>

<pallas_src>
import functools

import jax
import jax.numpy as jnp
from jax import lax
from jax.experimental import pallas as pl
from jax.experimental.pallas import tpu as pltpu
from jax.experimental.pallas import tpu_sc as plsc

NUM_EMBEDDINGS = 1000000
EMBEDDING_DIM = 16
BATCH = 16384

NUM_CORES = 2
NUM_SUBCORES = 16
NUM_WORKERS = NUM_CORES * NUM_SUBCORES
B_PER_W = BATCH // NUM_WORKERS
LANES = 16
BLOCK = 128
SET = 8
NSETS = B_PER_W // SET
DEPTH = 4


def _sc_gather_call(x, table_t):
    mesh = plsc.VectorSubcoreMesh(core_axis_name="c", subcore_axis_name="s")

    scratch = [pltpu.VMEM((B_PER_W,), jnp.int32)]
    scratch += [pltpu.VMEM((LANES, BLOCK), jnp.float32)
                for _ in range(DEPTH * SET)]
    scratch += [pltpu.VMEM((EMBEDDING_DIM * B_PER_W,), jnp.float32)]
    scratch += [pltpu.SemaphoreType.DMA for _ in range(DEPTH)]

    @functools.partial(
        pl.kernel,
        out_type=jax.ShapeDtypeStruct((EMBEDDING_DIM, BATCH), jnp.float32),
        mesh=mesh,
        scratch_types=scratch,
        compiler_params=pltpu.CompilerParams(needs_layout_passes=False),
    )
    def sc_gather(x_hbm, table_t_hbm, out_t_hbm, idx_v, *rest):
        bufs = rest[: DEPTH * SET]
        out_flat = rest[DEPTH * SET]
        sems = rest[DEPTH * SET + 1:]
        wid = lax.axis_index("s") * NUM_CORES + lax.axis_index("c")
        base = wid * B_PER_W
        pltpu.sync_copy(x_hbm.at[pl.ds(base, B_PER_W)], idx_v)
        iota = lax.iota(jnp.int32, LANES)

        def load_half(s, half):
            v = idx_v[pl.ds((s // 2) * LANES, LANES)]
            return v, 8 * half

        def issue(s, p, half):
            v, off = load_half(s, half)
            for j in range(SET):
                xi = v[off + j]
                start = pl.multiple_of(xi - (xi & (BLOCK - 1)), BLOCK)
                pltpu.async_copy(
                    table_t_hbm.at[:, pl.ds(start, BLOCK)],
                    bufs[p * SET + j],
                    sems[p],
                )

        def consume(s, p, half):
            for j in range(SET):
                pltpu.make_async_copy(
                    table_t_hbm.at[:, pl.ds(0, BLOCK)],
                    bufs[p * SET + j],
                    sems[p],
                ).wait()
            v, off = load_half(s, half)
            i0 = s * SET
            for j in range(SET):
                xi = v[off + j]
                col = jnp.full_like(iota, xi & (BLOCK - 1))
                row = plsc.load_gather(bufs[p * SET + j], [iota, col])
                plsc.store_scatter(
                    out_flat, [iota * B_PER_W + (i0 + j)], row
                )

        for s0 in range(DEPTH - 1):
            issue(s0, s0 % DEPTH, s0 % 2)

        @pl.loop(0, NSETS // DEPTH)
        def _(h):
            for q in range(DEPTH):
                s = h * DEPTH + q
                consume(s, q, q % 2)

                @pl.when(s < NSETS - (DEPTH - 1))
                def _():
                    issue(s + DEPTH - 1, (q + DEPTH - 1) % DEPTH,
                          (q + DEPTH - 1) % 2)

        for c in range(EMBEDDING_DIM):
            pltpu.sync_copy(
                out_flat.at[pl.ds(c * B_PER_W, B_PER_W)],
                out_t_hbm.at[c, pl.ds(base, B_PER_W)],
            )

    return sc_gather(x, table_t)


def kernel(x, table):
    out_t = _sc_gather_call(x, table.T)
    return out_t.T

# --- scband reference (transcript-rebuilt; emitter-appended) ---
"""Pipeline reference for scband-user-model-55611236549347 (READ-ONLY COPY).

The authoritative reference and input builder live on the scoring server;
editing this copy changes nothing except your own understanding.
"""

import jax, jax.numpy as jnp
import numpy as np

NUM_EMBEDDINGS = 1000000
EMBEDDING_DIM = 16
BATCH = 16384

def setup_inputs(seed: int = 0) -> dict:
    key = jax.random.key(seed)
    k1, k2 = jax.random.split(key)
    x = jax.random.randint(k1, (BATCH,), 0, NUM_EMBEDDINGS, dtype=jnp.int64 if jax.config.jax_enable_x64 else jnp.int32).astype(jnp.int32)
    table = jax.random.normal(k2, (NUM_EMBEDDINGS, EMBEDDING_DIM), dtype=jnp.float32)
    return {"x": x, "table": table}

def reference(x, table):
    # The original module applies a fitted LabelEncoder.transform (a bijective
    # integer remapping into [0, num_embeddings)) followed by nn.Embedding.
    # In this harness the indices are already drawn in-range, so the label
    # encoding is the identity mapping and forward reduces to an embedding gather.
    out = jnp.take(table, x, axis=0)
    return out

if __name__ == "__main__":
    import jax
    _d = setup_inputs()
    print(jax.jit(kernel)(*tuple(_d.values())))

</pallas_src>

<mosaic_0001>
#map = affine_map<(d0, d1) -> (0)>
#map1 = affine_map<(d0, d1) -> (0, 0)>
module attributes {stable_mosaic.version = 14 : i64} {
  func.func @sc_gather(%arg0: i32, %arg1: i32, %arg2: memref<16384xi32, #tpu.memory_space<hbm>>, %arg3: memref<16x1000000xf32, #tpu.memory_space<hbm>>, %arg4: memref<16x16384xf32, #tpu.memory_space<hbm>>, %arg5: memref<512xi32, #tpu.memory_space<vmem>>, %arg6: memref<16x128xf32, #tpu.memory_space<vmem>>, %arg7: memref<16x128xf32, #tpu.memory_space<vmem>>, %arg8: memref<16x128xf32, #tpu.memory_space<vmem>>, %arg9: memref<16x128xf32, #tpu.memory_space<vmem>>, %arg10: memref<16x128xf32, #tpu.memory_space<vmem>>, %arg11: memref<16x128xf32, #tpu.memory_space<vmem>>, %arg12: memref<16x128xf32, #tpu.memory_space<vmem>>, %arg13: memref<16x128xf32, #tpu.memory_space<vmem>>, %arg14: memref<16x128xf32, #tpu.memory_space<vmem>>, %arg15: memref<16x128xf32, #tpu.memory_space<vmem>>, %arg16: memref<16x128xf32, #tpu.memory_space<vmem>>, %arg17: memref<16x128xf32, #tpu.memory_space<vmem>>, %arg18: memref<16x128xf32, #tpu.memory_space<vmem>>, %arg19: memref<16x128xf32, #tpu.memory_space<vmem>>, %arg20: memref<16x128xf32, #tpu.memory_space<vmem>>, %arg21: memref<16x128xf32, #tpu.memory_space<vmem>>, %arg22: memref<16x128xf32, #tpu.memory_space<vmem>>, %arg23: memref<16x128xf32, #tpu.memory_space<vmem>>, %arg24: memref<16x128xf32, #tpu.memory_space<vmem>>, %arg25: memref<16x128xf32, #tpu.memory_space<vmem>>, %arg26: memref<16x128xf32, #tpu.memory_space<vmem>>, %arg27: memref<16x128xf32, #tpu.memory_space<vmem>>, %arg28: memref<16x128xf32, #tpu.memory_space<vmem>>, %arg29: memref<16x128xf32, #tpu.memory_space<vmem>>, %arg30: memref<16x128xf32, #tpu.memory_space<vmem>>, %arg31: memref<16x128xf32, #tpu.memory_space<vmem>>, %arg32: memref<16x128xf32, #tpu.memory_space<vmem>>, %arg33: memref<16x128xf32, #tpu.memory_space<vmem>>, %arg34: memref<16x128xf32, #tpu.memory_space<vmem>>, %arg35: memref<16x128xf32, #tpu.memory_space<vmem>>, %arg36: memref<16x128xf32, #tpu.memory_space<vmem>>, %arg37: memref<16x128xf32, #tpu.memory_space<vmem>>, %arg38: memref<8192xf32, #tpu.memory_space<vmem>>, %arg39: memref<!tpu.dma_semaphore, #tpu.memory_space<semaphore_mem>>, %arg40: memref<!tpu.dma_semaphore, #tpu.memory_space<semaphore_mem>>, %arg41: memref<!tpu.dma_semaphore, #tpu.memory_space<semaphore_mem>>, %arg42: memref<!tpu.dma_semaphore, #tpu.memory_space<semaphore_mem>>) attributes {dimension_semantics = [#tpu.dimension_semantics<core_parallel>, #tpu.dimension_semantics<subcore_parallel>], iteration_bounds = array<i64: 2, 16>, scalar_prefetch = 0 : i64, scratch_operands = 38 : i64, tpu.core_type = #tpu.core_type<sc_vector_subcore>, window_params = [{transform_indices = #map}, {transform_indices = #map1}, {transform_indices = #map1}]} {
    %mul3A = arith.constant 2 : i32
    %mul3A_0 = arith.muli %arg1, %mul3A : i32
    %add3A = arith.addi %mul3A_0, %arg0 : i32
    %mul3A_1 = arith.constant 512 : i32
    %mul3A_2 = arith.muli %add3A, %mul3A_1 : i32
    "tpu.region"() ({
      %run_scoped3A_261 = tpu.sem_alloc : memref<!tpu.dma_semaphore, #tpu.memory_space<semaphore_mem>>
      %dma_start3A_262 = tpu.memref_slice %arg2[%mul3A_2] : memref<16384xi32, #tpu.memory_space<hbm>> -> memref<512xi32, #tpu.memory_space<hbm>>
      %dma_start3A_263 = tpu.memref_slice %arg2[%mul3A_2] : memref<16384xi32, #tpu.memory_space<hbm>> -> memref<512xi32, #tpu.memory_space<hbm>>
      tpu.enqueue_dma source(%dma_start3A_263 : memref<512xi32, #tpu.memory_space<hbm>>) target(%arg5 : memref<512xi32, #tpu.memory_space<vmem>>) target_semaphore(%run_scoped3A_261 : memref<!tpu.dma_semaphore, #tpu.memory_space<semaphore_mem>>)
      %dma_wait3A = tpu.memref_slice %arg2[%mul3A_2] : memref<16384xi32, #tpu.memory_space<hbm>> -> memref<512xi32, #tpu.memory_space<hbm>>
      %dma_wait3A_264 = tpu.memref_slice %arg2[%mul3A_2] : memref<16384xi32, #tpu.memory_space<hbm>> -> memref<512xi32, #tpu.memory_space<hbm>>
      tpu.wait_dma2 semaphore(%run_scoped3A_261 : memref<!tpu.dma_semaphore, #tpu.memory_space<semaphore_mem>>) src(%dma_wait3A_264 : memref<512xi32, #tpu.memory_space<hbm>>) dst(%arg5 : memref<512xi32, #tpu.memory_space<vmem>>)
      tpu.yield
    }) : () -> ()
    %iota3A = tpu.iota {dimensions = array<i32: 0>} : vector<16xi32>
    %get3A = arith.constant 0 : index
    %get3A_3 = tpu.vector_load %arg5[%get3A] {strides = array<i32>} : memref<512xi32, #tpu.memory_space<vmem>>, vector<16xi32>,
    %slice3A = vector.extract_strided_slice %get3A_3 {offsets = [0], sizes = [1], strides = [1]} : vector<16xi32> to vector<1xi32>
    %squeeze3A = vector.extract %slice3A[0] : i32 from vector<1xi32>
    %and3A = arith.constant 127 : i32
    %and3A_4 = arith.andi %squeeze3A, %and3A : i32
    %sub3A = arith.subi %squeeze3A, %and3A_4 : i32
    %multiple_of3A = tpu.assume_multiple %sub3A, 128 : i32
    %dma_start3A = arith.constant 0 : i32
    %dma_start3A_5 = tpu.memref_slice %arg3[%dma_start3A, %multiple_of3A] : memref<16x1000000xf32, #tpu.memory_space<hbm>> -> memref<16x128xf32, #tpu.memory_space<hbm>>
    %dma_start3A_6 = arith.constant 0 : i32
    %dma_start3A_7 = tpu.memref_slice %arg3[%dma_start3A_6, %multiple_of3A] : memref<16x1000000xf32, #tpu.memory_space<hbm>> -> memref<16x128xf32, #tpu.memory_space<hbm>>
    tpu.enqueue_dma source(%dma_start3A_7 : memref<16x128xf32, #tpu.memory_space<hbm>>) target(%arg6 : memref<16x128xf32, #tpu.memory_space<vmem>>) target_semaphore(%arg39 : memref<!tpu.dma_semaphore, #tpu.memory_space<semaphore_mem>>)
    %slice3A_8 = vector.extract_strided_slice %get3A_3 {offsets = [1], sizes = [1], strides = [1]} : vector<16xi32> to vector<1xi32>
    %squeeze3A_9 = vector.extract %slice3A_8[0] : i32 from vector<1xi32>
    %and3A_10 = arith.constant 127 : i32
    %and3A_11 = arith.andi %squeeze3A_9, %and3A_10 : i32
    %sub3A_12 = arith.subi %squeeze3A_9, %and3A_11 : i32
    %multiple_of3A_13 = tpu.assume_multiple %sub3A_12, 128 : i32
    %dma_start3A_14 = arith.constant 0 : i32
    %dma_start3A_15 = tpu.memref_slice %arg3[%dma_start3A_14, %multiple_of3A_13] : memref<16x1000000xf32, #tpu.memory_space<hbm>> -> memref<16x128xf32, #tpu.memory_space<hbm>>
    %dma_start3A_16 = arith.constant 0 : i32
    %dma_start3A_17 = tpu.memref_slice %arg3[%dma_start3A_16, %multiple_of3A_13] : memref<16x1000000xf32, #tpu.memory_space<hbm>> -> memref<16x128xf32, #tpu.memory_space<hbm>>
    tpu.enqueue_dma source(%dma_start3A_17 : memref<16x128xf32, #tpu.memory_space<hbm>>) target(%arg7 : memref<16x128xf32, #tpu.memory_space<vmem>>) target_semaphore(%arg39 : memref<!tpu.dma_semaphore, #tpu.memory_space<semaphore_mem>>)
    %slice3A_18 = vector.extract_strided_slice %get3A_3 {offsets = [2], sizes = [1], strides = [1]} : vector<16xi32> to vector<1xi32>
    %squeeze3A_19 = vector.extract %slice3A_18[0] : i32 from vector<1xi32>
    %and3A_20 = arith.constant 127 : i32
    %and3A_21 = arith.andi %squeeze3A_19, %and3A_20 : i32
    %sub3A_22 = arith.subi %squeeze3A_19, %and3A_21 : i32
    %multiple_of3A_23 = tpu.assume_multiple %sub3A_22, 128 : i32
    %dma_start3A_24 = arith.constant 0 : i32
    %dma_start3A_25 = tpu.memref_slice %arg3[%dma_start3A_24, %multiple_of3A_23] : memref<16x1000000xf32, #tpu.memory_space<hbm>> -> memref<16x128xf32, #tpu.memory_space<hbm>>
    %dma_start3A_26 = arith.constant 0 : i32
    %dma_start3A_27 = tpu.memref_slice %arg3[%dma_start3A_26, %multiple_of3A_23] : memref<16x1000000xf32, #tpu.memory_space<hbm>> -> memref<16x128xf32, #tpu.memory_space<hbm>>
    tpu.enqueue_dma source(%dma_start3A_27 : memref<16x128xf32, #tpu.memory_space<hbm>>) target(%arg8 : memref<16x128xf32, #tpu.memory_space<vmem>>) target_semaphore(%arg39 : memref<!tpu.dma_semaphore, #tpu.memory_space<semaphore_mem>>)
    %slice3A_28 = vector.extract_strided_slice %get3A_3 {offsets = [3], sizes = [1], strides = [1]} : vector<16xi32> to vector<1xi32>
    %squeeze3A_29 = vector.extract %slice3A_28[0] : i32 from vector<1xi32>
    %and3A_30 = arith.constant 127 : i32
    %and3A_31 = arith.andi %squeeze3A_29, %and3A_30 : i32
    %sub3A_32 = arith.subi %squeeze3A_29, %and3A_31 : i32
    %multiple_of3A_33 = tpu.assume_multiple %sub3A_32, 128 : i32
    %dma_start3A_34 = arith.constant 0 : i32
    %dma_start3A_35 = tpu.memref_slice %arg3[%dma_start3A_34, %multiple_of3A_33] : memref<16x1000000xf32, #tpu.memory_space<hbm>> -> memref<16x128xf32, #tpu.memory_space<hbm>>
    %dma_start3A_36 = arith.constant 0 : i32
    %dma_start3A_37 = tpu.memref_slice %arg3[%dma_start3A_36, %multiple_of3A_33] : memref<16x1000000xf32, #tpu.memory_space<hbm>> -> memref<16x128xf32, #tpu.memory_space<hbm>>
    tpu.enqueue_dma source(%dma_start3A_37 : memref<16x128xf32, #tpu.memory_space<hbm>>) target(%arg9 : memref<16x128xf32, #tpu.memory_space<vmem>>) target_semaphore(%arg39 : memref<!tpu.dma_semaphore, #tpu.memory_space<semaphore_mem>>)
    %slice3A_38 = vector.extract_strided_slice %get3A_3 {offsets = [4], sizes = [1], strides = [1]} : vector<16xi32> to vector<1xi32>
    %squeeze3A_39 = vector.extract %slice3A_38[0] : i32 from vector<1xi32>
    %and3A_40 = arith.constant 127 : i32
    %and3A_41 = arith.andi %squeeze3A_39, %and3A_40 : i32
    %sub3A_42 = arith.subi %squeeze3A_39, %and3A_41 : i32
    %multiple_of3A_43 = tpu.assume_multiple %sub3A_42, 128 : i32
    %dma_start3A_44 = arith.constant 0 : i32
    %dma_start3A_45 = tpu.memref_slice %arg3[%dma_start3A_44, %multiple_of3A_43] : memref<16x1000000xf32, #tpu.memory_space<hbm>> -> memref<16x128xf32, #tpu.memory_space<hbm>>
    %dma_start3A_46 = arith.constant 0 : i32
    %dma_start3A_47 = tpu.memref_slice %arg3[%dma_start3A_46, %multiple_of3A_43] : memref<16x1000000xf32, #tpu.memory_space<hbm>> -> memref<16x128xf32, #tpu.memory_space<hbm>>
    tpu.enqueue_dma source(%dma_start3A_47 : memref<16x128xf32, #tpu.memory_space<hbm>>) target(%arg10 : memref<16x128xf32, #tpu.memory_space<vmem>>) target_semaphore(%arg39 : memref<!tpu.dma_semaphore, #tpu.memory_space<semaphore_mem>>)
    %slice3A_48 = vector.extract_strided_slice %get3A_3 {offsets = [5], sizes = [1], strides = [1]} : vector<16xi32> to vector<1xi32>
    %squeeze3A_49 = vector.extract %slice3A_48[0] : i32 from vector<1xi32>
    %and3A_50 = arith.constant 127 : i32
    %and3A_51 = arith.andi %squeeze3A_49, %and3A_50 : i32
    %sub3A_52 = arith.subi %squeeze3A_49, %and3A_51 : i32
    %multiple_of3A_53 = tpu.assume_multiple %sub3A_52, 128 : i32
    %dma_start3A_54 = arith.constant 0 : i32
    %dma_start3A_55 = tpu.memref_slice %arg3[%dma_start3A_54, %multiple_of3A_53] : memref<16x1000000xf32, #tpu.memory_space<hbm>> -> memref<16x128xf32, #tpu.memory_space<hbm>>
    %dma_start3A_56 = arith.constant 0 : i32
    %dma_start3A_57 = tpu.memref_slice %arg3[%dma_start3A_56, %multiple_of3A_53] : memref<16x1000000xf32, #tpu.memory_space<hbm>> -> memref<16x128xf32, #tpu.memory_space<hbm>>
    tpu.enqueue_dma source(%dma_start3A_57 : memref<16x128xf32, #tpu.memory_space<hbm>>) target(%arg11 : memref<16x128xf32, #tpu.memory_space<vmem>>) target_semaphore(%arg39 : memref<!tpu.dma_semaphore, #tpu.memory_space<semaphore_mem>>)
    %slice3A_58 = vector.extract_strided_slice %get3A_3 {offsets = [6], sizes = [1], strides = [1]} : vector<16xi32> to vector<1xi32>
    %squeeze3A_59 = vector.extract %slice3A_58[0] : i32 from vector<1xi32>
    %and3A_60 = arith.constant 127 : i32
    %and3A_61 = arith.andi %squeeze3A_59, %and3A_60 : i32
    %sub3A_62 = arith.subi %squeeze3A_59, %and3A_61 : i32
    %multiple_of3A_63 = tpu.assume_multiple %sub3A_62, 128 : i32
    %dma_start3A_64 = arith.constant 0 : i32
    %dma_start3A_65 = tpu.memref_slice %arg3[%dma_start3A_64, %multiple_of3A_63] : memref<16x1000000xf32, #tpu.memory_space<hbm>> -> memref<16x128xf32, #tpu.memory_space<hbm>>
    %dma_start3A_66 = arith.constant 0 : i32
    %dma_start3A_67 = tpu.memref_slice %arg3[%dma_start3A_66, %multiple_of3A_63] : memref<16x1000000xf32, #tpu.memory_space<hbm>> -> memref<16x128xf32, #tpu.memory_space<hbm>>
    tpu.enqueue_dma source(%dma_start3A_67 : memref<16x128xf32, #tpu.memory_space<hbm>>) target(%arg12 : memref<16x128xf32, #tpu.memory_space<vmem>>) target_semaphore(%arg39 : memref<!tpu.dma_semaphore, #tpu.memory_space<semaphore_mem>>)
    %slice3A_68 = vector.extract_strided_slice %get3A_3 {offsets = [7], sizes = [1], strides = [1]} : vector<16xi32> to vector<1xi32>
    %squeeze3A_69 = vector.extract %slice3A_68[0] : i32 from vector<1xi32>
    %and3A_70 = arith.constant 127 : i32
    %and3A_71 = arith.andi %squeeze3A_69, %and3A_70 : i32
    %sub3A_72 = arith.subi %squeeze3A_69, %and3A_71 : i32
    %multiple_of3A_73 = tpu.assume_multiple %sub3A_72, 128 : i32
    %dma_start3A_74 = arith.constant 0 : i32
    %dma_start3A_75 = tpu.memref_slice %arg3[%dma_start3A_74, %multiple_of3A_73] : memref<16x1000000xf32, #tpu.memory_space<hbm>> -> memref<16x128xf32, #tpu.memory_space<hbm>>
    %dma_start3A_76 = arith.constant 0 : i32
    %dma_start3A_77 = tpu.memref_slice %arg3[%dma_start3A_76, %multiple_of3A_73] : memref<16x1000000xf32, #tpu.memory_space<hbm>> -> memref<16x128xf32, #tpu.memory_space<hbm>>
    tpu.enqueue_dma source(%dma_start3A_77 : memref<16x128xf32, #tpu.memory_space<hbm>>) target(%arg13 : memref<16x128xf32, #tpu.memory_space<vmem>>) target_semaphore(%arg39 : memref<!tpu.dma_semaphore, #tpu.memory_space<semaphore_mem>>)
    %get3A_78 = arith.constant 0 : index
    %get3A_79 = tpu.vector_load %arg5[%get3A_78] {strides = array<i32>} : memref<512xi32, #tpu.memory_space<vmem>>, vector<16xi32>,
    %slice3A_80 = vector.extract_strided_slice %get3A_79 {offsets = [8], sizes = [1], strides = [1]} : vector<16xi32> to vector<1xi32>
    %squeeze3A_81 = vector.extract %slice3A_80[0] : i32 from vector<1xi32>
    %and3A_82 = arith.constant 127 : i32
    %and3A_83 = arith.andi %squeeze3A_81, %and3A_82 : i32
    %sub3A_84 = arith.subi %squeeze3A_81, %and3A_83 : i32
    %multiple_of3A_85 = tpu.assume_multiple %sub3A_84, 128 : i32
    %dma_start3A_86 = arith.constant 0 : i32
    %dma_start3A_87 = tpu.memref_slice %arg3[%dma_start3A_86, %multiple_of3A_85] : memref<16x1000000xf32, #tpu.memory_space<hbm>> -> memref<16x128xf32, #tpu.memory_space<hbm>>
    %dma_start3A_88 = arith.constant 0 : i32
    %dma_start3A_89 = tpu.memref_slice %arg3[%dma_start3A_88, %multiple_of3A_85] : memref<16x1000000xf32, #tpu.memory_space<hbm>> -> memref<16x128xf32, #tpu.memory_space<hbm>>
    tpu.enqueue_dma source(%dma_start3A_89 : memref<16x128xf32, #tpu.memory_space<hbm>>) target(%arg14 : memref<16x128xf32, #tpu.memory_space<vmem>>) target_semaphore(%arg40 : memref<!tpu.dma_semaphore, #tpu.memory_space<semaphore_mem>>)
    %slice3A_90 = vector.extract_strided_slice %get3A_79 {offsets = [9], sizes = [1], strides = [1]} : vector<16xi32> to vector<1xi32>
    %squeeze3A_91 = vector.extract %slice3A_90[0] : i32 from vector<1xi32>
    %and3A_92 = arith.constant 127 : i32
    %and3A_93 = arith.andi %squeeze3A_91, %and3A_92 : i32
    %sub3A_94 = arith.subi %squeeze3A_91, %and3A_93 : i32
    %multiple_of3A_95 = tpu.assume_multiple %sub3A_94, 128 : i32
    %dma_start3A_96 = arith.constant 0 : i32
    %dma_start3A_97 = tpu.memref_slice %arg3[%dma_start3A_96, %multiple_of3A_95] : memref<16x1000000xf32, #tpu.memory_space<hbm>> -> memref<16x128xf32, #tpu.memory_space<hbm>>
    %dma_start3A_98 = arith.constant 0 : i32
    %dma_start3A_99 = tpu.memref_slice %arg3[%dma_start3A_98, %multiple_of3A_95] : memref<16x1000000xf32, #tpu.memory_space<hbm>> -> memref<16x128xf32, #tpu.memory_space<hbm>>
    tpu.enqueue_dma source(%dma_start3A_99 : memref<16x128xf32, #tpu.memory_space<hbm>>) target(%arg15 : memref<16x128xf32, #tpu.memory_space<vmem>>) target_semaphore(%arg40 : memref<!tpu.dma_semaphore, #tpu.memory_space<semaphore_mem>>)
    %slice3A_100 = vector.extract_strided_slice %get3A_79 {offsets = [10], sizes = [1], strides = [1]} : vector<16xi32> to vector<1xi32>
    %squeeze3A_101 = vector.extract %slice3A_100[0] : i32 from vector<1xi32>
    %and3A_102 = arith.constant 127 : i32
    %and3A_103 = arith.andi %squeeze3A_101, %and3A_102 : i32
    %sub3A_104 = arith.subi %squeeze3A_101, %and3A_103 : i32
    %multiple_of3A_105 = tpu.assume_multiple %sub3A_104, 128 : i32
    %dma_start3A_106 = arith.constant 0 : i32
    %dma_start3A_107 = tpu.memref_slice %arg3[%dma_start3A_106, %multiple_of3A_105] : memref<16x1000000xf32, #tpu.memory_space<hbm>> -> memref<16x128xf32, #tpu.memory_space<hbm>>
    %dma_start3A_108 = arith.constant 0 : i32
    %dma_start3A_109 = tpu.memref_slice %arg3[%dma_start3A_108, %multiple_of3A_105] : memref<16x1000000xf32, #tpu.memory_space<hbm>> -> memref<16x128xf32, #tpu.memory_space<hbm>>
    tpu.enqueue_dma source(%dma_start3A_109 : memref<16x128xf32, #tpu.memory_space<hbm>>) target(%arg16 : memref<16x128xf32, #tpu.memory_space<vmem>>) target_semaphore(%arg40 : memref<!tpu.dma_semaphore, #tpu.memory_space<semaphore_mem>>)
    %slice3A_110 = vector.extract_strided_slice %get3A_79 {offsets = [11], sizes = [1], strides = [1]} : vector<16xi32> to vector<1xi32>
    %squeeze3A_111 = vector.extract %slice3A_110[0] : i32 from vector<1xi32>
    %and3A_112 = arith.constant 127 : i32
    %and3A_113 = arith.andi %squeeze3A_111, %and3A_112 : i32
    %sub3A_114 = arith.subi %squeeze3A_111, %and3A_113 : i32
    %multiple_of3A_115 = tpu.assume_multiple %sub3A_114, 128 : i32
    %dma_start3A_116 = arith.constant 0 : i32
    %dma_start3A_117 = tpu.memref_slice %arg3[%dma_start3A_116, %multiple_of3A_115] : memref<16x1000000xf32, #tpu.memory_space<hbm>> -> memref<16x128xf32, #tpu.memory_space<hbm>>
    %dma_start3A_118 = arith.constant 0 : i32
    %dma_start3A_119 = tpu.memref_slice %arg3[%dma_start3A_118, %multiple_of3A_115] : memref<16x1000000xf32, #tpu.memory_space<hbm>> -> memref<16x128xf32, #tpu.memory_space<hbm>>
    tpu.enqueue_dma source(%dma_start3A_119 : memref<16x128xf32, #tpu.memory_space<hbm>>) target(%arg17 : memref<16x128xf32, #tpu.memory_space<vmem>>) target_semaphore(%arg40 : memref<!tpu.dma_semaphore, #tpu.memory_space<semaphore_mem>>)
    %slice3A_120 = vector.extract_strided_slice %get3A_79 {offsets = [12], sizes = [1], strides = [1]} : vector<16xi32> to vector<1xi32>
    %squeeze3A_121 = vector.extract %slice3A_120[0] : i32 from vector<1xi32>
    %and3A_122 = arith.constant 127 : i32
    %and3A_123 = arith.andi %squeeze3A_121, %and3A_122 : i32
    %sub3A_124 = arith.subi %squeeze3A_121, %and3A_123 : i32
    %multiple_of3A_125 = tpu.assume_multiple %sub3A_124, 128 : i32
    %dma_start3A_126 = arith.constant 0 : i32
    %dma_start3A_127 = tpu.memref_slice %arg3[%dma_start3A_126, %multiple_of3A_125] : memref<16x1000000xf32, #tpu.memory_space<hbm>> -> memref<16x128xf32, #tpu.memory_space<hbm>>
    %dma_start3A_128 = arith.constant 0 : i32
    %dma_start3A_129 = tpu.memref_slice %arg3[%dma_start3A_128, %multiple_of3A_125] : memref<16x1000000xf32, #tpu.memory_space<hbm>> -> memref<16x128xf32, #tpu.memory_space<hbm>>
    tpu.enqueue_dma source(%dma_start3A_129 : memref<16x128xf32, #tpu.memory_space<hbm>>) target(%arg18 : memref<16x128xf32, #tpu.memory_space<vmem>>) target_semaphore(%arg40 : memref<!tpu.dma_semaphore, #tpu.memory_space<semaphore_mem>>)
    %slice3A_130 = vector.extract_strided_slice %get3A_79 {offsets = [13], sizes = [1], strides = [1]} : vector<16xi32> to vector<1xi32>
    %squeeze3A_131 = vector.extract %slice3A_130[0] : i32 from vector<1xi32>
    %and3A_132 = arith.constant 127 : i32
    %and3A_133 = arith.andi %squeeze3A_131, %and3A_132 : i32
    %sub3A_134 = arith.subi %squeeze3A_131, %and3A_133 : i32
    %multiple_of3A_135 = tpu.assume_multiple %sub3A_134, 128 : i32
    %dma_start3A_136 = arith.constant 0 : i32
    %dma_start3A_137 = tpu.memref_slice %arg3[%dma_start3A_136, %multiple_of3A_135] : memref<16x1000000xf32, #tpu.memory_space<hbm>> -> memref<16x128xf32, #tpu.memory_space<hbm>>
    %dma_start3A_138 = arith.constant 0 : i32
    %dma_start3A_139 = tpu.memref_slice %arg3[%dma_start3A_138, %multiple_of3A_135] : memref<16x1000000xf32, #tpu.memory_space<hbm>> -> memref<16x128xf32, #tpu.memory_space<hbm>>
    tpu.enqueue_dma source(%dma_start3A_139 : memref<16x128xf32, #tpu.memory_space<hbm>>) target(%arg19 : memref<16x128xf32, #tpu.memory_space<vmem>>) target_semaphore(%arg40 : memref<!tpu.dma_semaphore, #tpu.memory_space<semaphore_mem>>)
    %slice3A_140 = vector.extract_strided_slice %get3A_79 {offsets = [14], sizes = [1], strides = [1]} : vector<16xi32> to vector<1xi32>
    %squeeze3A_141 = vector.extract %slice3A_140[0] : i32 from vector<1xi32>
    %and3A_142 = arith.constant 127 : i32
    %and3A_143 = arith.andi %squeeze3A_141, %and3A_142 : i32
    %sub3A_144 = arith.subi %squeeze3A_141, %and3A_143 : i32
    %multiple_of3A_145 = tpu.assume_multiple %sub3A_144, 128 : i32
    %dma_start3A_146 = arith.constant 0 : i32
    %dma_start3A_147 = tpu.memref_slice %arg3[%dma_start3A_146, %multiple_of3A_145] : memref<16x1000000xf32, #tpu.memory_space<hbm>> -> memref<16x128xf32, #tpu.memory_space<hbm>>
    %dma_start3A_148 = arith.constant 0 : i32
    %dma_start3A_149 = tpu.memref_slice %arg3[%dma_start3A_148, %multiple_of3A_145] : memref<16x1000000xf32, #tpu.memory_space<hbm>> -> memref<16x128xf32, #tpu.memory_space<hbm>>
    tpu.enqueue_dma source(%dma_start3A_149 : memref<16x128xf32, #tpu.memory_space<hbm>>) target(%arg20 : memref<16x128xf32, #tpu.memory_space<vmem>>) target_semaphore(%arg40 : memref<!tpu.dma_semaphore, #tpu.memory_space<semaphore_mem>>)
    %slice3A_150 = vector.extract_strided_slice %get3A_79 {offsets = [15], sizes = [1], strides = [1]} : vector<16xi32> to vector<1xi32>
    %squeeze3A_151 = vector.extract %slice3A_150[0] : i32 from vector<1xi32>
    %and3A_152 = arith.constant 127 : i32
    %and3A_153 = arith.andi %squeeze3A_151, %and3A_152 : i32
    %sub3A_154 = arith.subi %squeeze3A_151, %and3A_153 : i32
    %multiple_of3A_155 = tpu.assume_multiple %sub3A_154, 128 : i32
    %dma_start3A_156 = arith.constant 0 : i32
    %dma_start3A_157 = tpu.memref_slice %arg3[%dma_start3A_156, %multiple_of3A_155] : memref<16x1000000xf32, #tpu.memory_space<hbm>> -> memref<16x128xf32, #tpu.memory_space<hbm>>
    %dma_start3A_158 = arith.constant 0 : i32
    %dma_start3A_159 = tpu.memref_slice %arg3[%dma_start3A_158, %multiple_of3A_155] : memref<16x1000000xf32, #tpu.memory_space<hbm>> -> memref<16x128xf32, #tpu.memory_space<hbm>>
    tpu.enqueue_dma source(%dma_start3A_159 : memref<16x128xf32, #tpu.memory_space<hbm>>) target(%arg21 : memref<16x128xf32, #tpu.memory_space<vmem>>) target_semaphore(%arg40 : memref<!tpu.dma_semaphore, #tpu.memory_space<semaphore_mem>>)
    %get3A_160 = arith.constant 16 : index
    %get3A_161 = tpu.vector_load %arg5[%get3A_160] {strides = array<i32>} : memref<512xi32, #tpu.memory_space<vmem>>, vector<16xi32>,
    %slice3A_162 = vector.extract_strided_slice %get3A_161 {offsets = [0], sizes = [1], strides = [1]} : vector<16xi32> to vector<1xi32>
    %squeeze3A_163 = vector.extract %slice3A_162[0] : i32 from vector<1xi32>
    %and3A_164 = arith.constant 127 : i32
    %and3A_165 = arith.andi %squeeze3A_163, %and3A_164 : i32
    %sub3A_166 = arith.subi %squeeze3A_163, %and3A_165 : i32
    %multiple_of3A_167 = tpu.assume_multiple %sub3A_166, 128 : i32
    %dma_start3A_168 = arith.constant 0 : i32
    %dma_start3A_169 = tpu.memref_slice %arg3[%dma_start3A_168, %multiple_of3A_167] : memref<16x1000000xf32, #tpu.memory_space<hbm>> -> memref<16x128xf32, #tpu.memory_space<hbm>>
    %dma_start3A_170 = arith.constant 0 : i32
    %dma_start3A_171 = tpu.memref_slice %arg3[%dma_start3A_170, %multiple_of3A_167] : memref<16x1000000xf32, #tpu.memory_space<hbm>> -> memref<16x128xf32, #tpu.memory_space<hbm>>
    tpu.enqueue_dma source(%dma_start3A_171 : memref<16x128xf32, #tpu.memory_space<hbm>>) target(%arg22 : memref<16x128xf32, #tpu.memory_space<vmem>>) target_semaphore(%arg41 : memref<!tpu.dma_semaphore, #tpu.memory_space<semaphore_mem>>)
    %slice3A_172 = vector.extract_strided_slice %get3A_161 {offsets = [1], sizes = [1], strides = [1]} : vector<16xi32> to vector<1xi32>
    %squeeze3A_173 = vector.extract %slice3A_172[0] : i32 from vector<1xi32>
    %and3A_174 = arith.constant 127 : i32
    %and3A_175 = arith.andi %squeeze3A_173, %and3A_174 : i32
    %sub3A_176 = arith.subi %squeeze3A_173, %and3A_175 : i32
    %multiple_of3A_177 = tpu.assume_multiple %sub3A_176, 128 : i32
    %dma_start3A_178 = arith.constant 0 : i32
    %dma_start3A_179 = tpu.memref_slice %arg3[%dma_start3A_178, %multiple_of3A_177] : memref<16x1000000xf32, #tpu.memory_space<hbm>> -> memref<16x128xf32, #tpu.memory_space<hbm>>
    %dma_start3A_180 = arith.constant 0 : i32
    %dma_start3A_181 = tpu.memref_slice %arg3[%dma_start3A_180, %multiple_of3A_177] : memref<16x1000000xf32, #tpu.memory_space<hbm>> -> memref<16x128xf32, #tpu.memory_space<hbm>>
    tpu.enqueue_dma source(%dma_start3A_181 : memref<16x128xf32, #tpu.memory_space<hbm>>) target(%arg23 : memref<16x128xf32, #tpu.memory_space<vmem>>) target_semaphore(%arg41 : memref<!tpu.dma_semaphore, #tpu.memory_space<semaphore_mem>>)
    %slice3A_182 = vector.extract_strided_slice %get3A_161 {offsets = [2], sizes = [1], strides = [1]} : vector<16xi32> to vector<1xi32>
    %squeeze3A_183 = vector.extract %slice3A_182[0] : i32 from vector<1xi32>
    %and3A_184 = arith.constant 127 : i32
    %and3A_185 = arith.andi %squeeze3A_183, %and3A_184 : i32
    %sub3A_186 = arith.subi %squeeze3A_183, %and3A_185 : i32
    %multiple_of3A_187 = tpu.assume_multiple %sub3A_186, 128 : i32
    %dma_start3A_188 = arith.constant 0 : i32
    %dma_start3A_189 = tpu.memref_slice %arg3[%dma_start3A_188, %multiple_of3A_187] : memref<16x1000000xf32, #tpu.memory_space<hbm>> -> memref<16x128xf32, #tpu.memory_space<hbm>>
    %dma_start3A_190 = arith.constant 0 : i32
    %dma_start3A_191 = tpu.memref_slice %arg3[%dma_start3A_190, %multiple_of3A_187] : memref<16x1000000xf32, #tpu.memory_space<hbm>> -> memref<16x128xf32, #tpu.memory_space<hbm>>
    tpu.enqueue_dma source(%dma_start3A_191 : memref<16x128xf32, #tpu.memory_space<hbm>>) target(%arg24 : memref<16x128xf32, #tpu.memory_space<vmem>>) target_semaphore(%arg41 : memref<!tpu.dma_semaphore, #tpu.memory_space<semaphore_mem>>)
    %slice3A_192 = vector.extract_strided_slice %get3A_161 {offsets = [3], sizes = [1], strides = [1]} : vector<16xi32> to vector<1xi32>
    %squeeze3A_193 = vector.extract %slice3A_192[0] : i32 from vector<1xi32>
    %and3A_194 = arith.constant 127 : i32
    %and3A_195 = arith.andi %squeeze3A_193, %and3A_194 : i32
    %sub3A_196 = arith.subi %squeeze3A_193, %and3A_195 : i32
    %multiple_of3A_197 = tpu.assume_multiple %sub3A_196, 128 : i32
    %dma_start3A_198 = arith.constant 0 : i32
    %dma_start3A_199 = tpu.memref_slice %arg3[%dma_start3A_198, %multiple_of3A_197] : memref<16x1000000xf32, #tpu.memory_space<hbm>> -> memref<16x128xf32, #tpu.memory_space<hbm>>
    %dma_start3A_200 = arith.constant 0 : i32
    %dma_start3A_201 = tpu.memref_slice %arg3[%dma_start3A_200, %multiple_of3A_197] : memref<16x1000000xf32, #tpu.memory_space<hbm>> -> memref<16x128xf32, #tpu.memory_space<hbm>>
    tpu.enqueue_dma source(%dma_start3A_201 : memref<16x128xf32, #tpu.memory_space<hbm>>) target(%arg25 : memref<16x128xf32, #tpu.memory_space<vmem>>) target_semaphore(%arg41 : memref<!tpu.dma_semaphore, #tpu.memory_space<semaphore_mem>>)
    %slice3A_202 = vector.extract_strided_slice %get3A_161 {offsets = [4], sizes = [1], strides = [1]} : vector<16xi32> to vector<1xi32>
    %squeeze3A_203 = vector.extract %slice3A_202[0] : i32 from vector<1xi32>
    %and3A_204 = arith.constant 127 : i32
    %and3A_205 = arith.andi %squeeze3A_203, %and3A_204 : i32
    %sub3A_206 = arith.subi %squeeze3A_203, %and3A_205 : i32
    %multiple_of3A_207 = tpu.assume_multiple %sub3A_206, 128 : i32
    %dma_start3A_208 = arith.constant 0 : i32
    %dma_start3A_209 = tpu.memref_slice %arg3[%dma_start3A_208, %multiple_of3A_207] : memref<16x1000000xf32, #tpu.memory_space<hbm>> -> memref<16x128xf32, #tpu.memory_space<hbm>>
    %dma_start3A_210 = arith.constant 0 : i32
    %dma_start3A_211 = tpu.memref_slice %arg3[%dma_start3A_210, %multiple_of3A_207] : memref<16x1000000xf32, #tpu.memory_space<hbm>> -> memref<16x128xf32, #tpu.memory_space<hbm>>
    tpu.enqueue_dma source(%dma_start3A_211 : memref<16x128xf32, #tpu.memory_space<hbm>>) target(%arg26 : memref<16x128xf32, #tpu.memory_space<vmem>>) target_semaphore(%arg41 : memref<!tpu.dma_semaphore, #tpu.memory_space<semaphore_mem>>)
    %slice3A_212 = vector.extract_strided_slice %get3A_161 {offsets = [5], sizes = [1], strides = [1]} : vector<16xi32> to vector<1xi32>
    %squeeze3A_213 = vector.extract %slice3A_212[0] : i32 from vector<1xi32>
    %and3A_214 = arith.constant 127 : i32
    %and3A_215 = arith.andi %squeeze3A_213, %and3A_214 : i32
    %sub3A_216 = arith.subi %squeeze3A_213, %and3A_215 : i32
    %multiple_of3A_217 = tpu.assume_multiple %sub3A_216, 128 : i32
    %dma_start3A_218 = arith.constant 0 : i32
    %dma_start3A_219 = tpu.memref_slice %arg3[%dma_start3A_218, %multiple_of3A_217] : memref<16x1000000xf32, #tpu.memory_space<hbm>> -> memref<16x128xf32, #tpu.memory_space<hbm>>
    %dma_start3A_220 = arith.constant 0 : i32
    %dma_start3A_221 = tpu.memref_slice %arg3[%dma_start3A_220, %multiple_of3A_217] : memref<16x1000000xf32, #tpu.memory_space<hbm>> -> memref<16x128xf32, #tpu.memory_space<hbm>>
    tpu.enqueue_dma source(%dma_start3A_221 : memref<16x128xf32, #tpu.memory_space<hbm>>) target(%arg27 : memref<16x128xf32, #tpu.memory_space<vmem>>) target_semaphore(%arg41 : memref<!tpu.dma_semaphore, #tpu.memory_space<semaphore_mem>>)
    %slice3A_222 = vector.extract_strided_slice %get3A_161 {offsets = [6], sizes = [1], strides = [1]} : vector<16xi32> to vector<1xi32>
    %squeeze3A_223 = vector.extract %slice3A_222[0] : i32 from vector<1xi32>
    %and3A_224 = arith.constant 127 : i32
    %and3A_225 = arith.andi %squeeze3A_223, %and3A_224 : i32
    %sub3A_226 = arith.subi %squeeze3A_223, %and3A_225 : i32
    %multiple_of3A_227 = tpu.assume_multiple %sub3A_226, 128 : i32
    %dma_start3A_228 = arith.constant 0 : i32
    %dma_start3A_229 = tpu.memref_slice %arg3[%dma_start3A_228, %multiple_of3A_227] : memref<16x1000000xf32, #tpu.memory_space<hbm>> -> memref<16x128xf32, #tpu.memory_space<hbm>>
    %dma_start3A_230 = arith.constant 0 : i32
    %dma_start3A_231 = tpu.memref_slice %arg3[%dma_start3A_230, %multiple_of3A_227] : memref<16x1000000xf32, #tpu.memory_space<hbm>> -> memref<16x128xf32, #tpu.memory_space<hbm>>
    tpu.enqueue_dma source(%dma_start3A_231 : memref<16x128xf32, #tpu.memory_space<hbm>>) target(%arg28 : memref<16x128xf32, #tpu.memory_space<vmem>>) target_semaphore(%arg41 : memref<!tpu.dma_semaphore, #tpu.memory_space<semaphore_mem>>)
    %slice3A_232 = vector.extract_strided_slice %get3A_161 {offsets = [7], sizes = [1], strides = [1]} : vector<16xi32> to vector<1xi32>
    %squeeze3A_233 = vector.extract %slice3A_232[0] : i32 from vector<1xi32>
    %and3A_234 = arith.constant 127 : i32
    %and3A_235 = arith.andi %squeeze3A_233, %and3A_234 : i32
    %sub3A_236 = arith.subi %squeeze3A_233, %and3A_235 : i32
    %multiple_of3A_237 = tpu.assume_multiple %sub3A_236, 128 : i32
    %dma_start3A_238 = arith.constant 0 : i32
    %dma_start3A_239 = tpu.memref_slice %arg3[%dma_start3A_238, %multiple_of3A_237] : memref<16x1000000xf32, #tpu.memory_space<hbm>> -> memref<16x128xf32, #tpu.memory_space<hbm>>
    %dma_start3A_240 = arith.constant 0 : i32
    %dma_start3A_241 = tpu.memref_slice %arg3[%dma_start3A_240, %multiple_of3A_237] : memref<16x1000000xf32, #tpu.memory_space<hbm>> -> memref<16x128xf32, #tpu.memory_space<hbm>>
    tpu.enqueue_dma source(%dma_start3A_241 : memref<16x128xf32, #tpu.memory_space<hbm>>) target(%arg29 : memref<16x128xf32, #tpu.memory_space<vmem>>) target_semaphore(%arg41 : memref<!tpu.dma_semaphore, #tpu.memory_space<semaphore_mem>>)
    %scan3A = arith.constant 0 : i32
    %scan3A_242 = arith.constant 16 : i32
    %scan3A_243 = arith.addi %scan3A, %scan3A_242 : i32
    %scan3A_244 = arith.constant 1 : i32
    scf.for %scan3A_261 = %scan3A to %scan3A_243 step %scan3A_244  : i32 {
      %mul3A_262 = arith.constant 1 : i32
      %mul3A_263 = arith.muli %scan3A_261, %mul3A_262 : i32
      %add3A_264 = arith.constant 0 : i32
      %add3A_265 = arith.addi %add3A_264, %mul3A_263 : i32
      %mul3A_266 = arith.constant 4 : i32
      %mul3A_267 = arith.muli %add3A_265, %mul3A_266 : i32
      %add3A_268 = arith.constant 0 : i32
      %add3A_269 = arith.addi %mul3A_267, %add3A_268 : i32
      %dma_wait3A = arith.constant 0 : i32
      %dma_wait3A_270 = arith.constant 0 : i32
      %dma_wait3A_271 = tpu.memref_slice %arg3[%dma_wait3A, %dma_wait3A_270] : memref<16x1000000xf32, #tpu.memory_space<hbm>> -> memref<16x128xf32, #tpu.memory_space<hbm>>
      %dma_wait3A_272 = arith.constant 0 : i32
      %dma_wait3A_273 = arith.constant 0 : i32
      %dma_wait3A_274 = tpu.memref_slice %arg3[%dma_wait3A_272, %dma_wait3A_273] : memref<16x1000000xf32, #tpu.memory_space<hbm>> -> memref<16x128xf32, #tpu.memory_space<hbm>>
      tpu.wait_dma2 semaphore(%arg39 : memref<!tpu.dma_semaphore, #tpu.memory_space<semaphore_mem>>) src(%dma_wait3A_274 : memref<16x128xf32, #tpu.memory_space<hbm>>) dst(%arg6 : memref<16x128xf32, #tpu.memory_space<vmem>>)
      %dma_wait3A_275 = arith.constant 0 : i32
      %dma_wait3A_276 = arith.constant 0 : i32
      %dma_wait3A_277 = tpu.memref_slice %arg3[%dma_wait3A_275, %dma_wait3A_276] : memref<16x1000000xf32, #tpu.memory_space<hbm>> -> memref<16x128xf32, #tpu.memory_space<hbm>>
      %dma_wait3A_278 = arith.constant 0 : i32
      %dma_wait3A_279 = arith.constant 0 : i32
      %dma_wait3A_280 = tpu.memref_slice %arg3[%dma_wait3A_278, %dma_wait3A_279] : memref<16x1000000xf32, #tpu.memory_space<hbm>> -> memref<16x128xf32, #tpu.memory_space<hbm>>
      tpu.wait_dma2 semaphore(%arg39 : memref<!tpu.dma_semaphore, #tpu.memory_space<semaphore_mem>>) src(%dma_wait3A_280 : memref<16x128xf32, #tpu.memory_space<hbm>>) dst(%arg7 : memref<16x128xf32, #tpu.memory_space<vmem>>)
      %dma_wait3A_281 = arith.constant 0 : i32
      %dma_wait3A_282 = arith.constant 0 : i32
      %dma_wait3A_283 = tpu.memref_slice %arg3[%dma_wait3A_281, %dma_wait3A_282] : memref<16x1000000xf32, #tpu.memory_space<hbm>> -> memref<16x128xf32, #tpu.memory_space<hbm>>
      %dma_wait3A_284 = arith.constant 0 : i32
      %dma_wait3A_285 = arith.constant 0 : i32
      %dma_wait3A_286 = tpu.memref_slice %arg3[%dma_wait3A_284, %dma_wait3A_285] : memref<16x1000000xf32, #tpu.memory_space<hbm>> -> memref<16x128xf32, #tpu.memory_space<hbm>>
      tpu.wait_dma2 semaphore(%arg39 : memref<!tpu.dma_semaphore, #tpu.memory_space<semaphore_mem>>) src(%dma_wait3A_286 : memref<16x128xf32, #tpu.memory_space<hbm>>) dst(%arg8 : memref<16x128xf32, #tpu.memory_space<vmem>>)
      %dma_wait3A_287 = arith.constant 0 : i32
      %dma_wait3A_288 = arith.constant 0 : i32
      %dma_wait3A_289 = tpu.memref_slice %arg3[%dma_wait3A_287, %dma_wait3A_288] : memref<16x1000000xf32, #tpu.memory_space<hbm>> -> memref<16x128xf32, #tpu.memory_space<hbm>>
      %dma_wait3A_290 = arith.constant 0 : i32
      %dma_wait3A_291 = arith.constant 0 : i32
      %dma_wait3A_292 = tpu.memref_slice %arg3[%dma_wait3A_290, %dma_wait3A_291] : memref<16x1000000xf32, #tpu.memory_space<hbm>> -> memref<16x128xf32, #tpu.memory_space<hbm>>
      tpu.wait_dma2 semaphore(%arg39 : memref<!tpu.dma_semaphore, #tpu.memory_space<semaphore_mem>>) src(%dma_wait3A_292 : memref<16x128xf32, #tpu.memory_space<hbm>>) dst(%arg9 : memref<16x128xf32, #tpu.memory_space<vmem>>)
      %dma_wait3A_293 = arith.constant 0 : i32
      %dma_wait3A_294 = arith.constant 0 : i32
      %dma_wait3A_295 = tpu.memref_slice %arg3[%dma_wait3A_293, %dma_wait3A_294] : memref<16x1000000xf32, #tpu.memory_space<hbm>> -> memref<16x128xf32, #tpu.memory_space<hbm>>
      %dma_wait3A_296 = arith.constant 0 : i32
      %dma_wait3A_297 = arith.constant 0 : i32
      %dma_wait3A_298 = tpu.memref_slice %arg3[%dma_wait3A_296, %dma_wait3A_297] : memref<16x1000000xf32, #tpu.memory_space<hbm>> -> memref<16x128xf32, #tpu.memory_space<hbm>>
      tpu.wait_dma2 semaphore(%arg39 : memref<!tpu.dma_semaphore, #tpu.memory_space<semaphore_mem>>) src(%dma_wait3A_298 : memref<16x128xf32, #tpu.memory_space<hbm>>) dst(%arg10 : memref<16x128xf32, #tpu.memory_space<vmem>>)
      %dma_wait3A_299 = arith.constant 0 : i32
      %dma_wait3A_300 = arith.constant 0 : i32
      %dma_wait3A_301 = tpu.memref_slice %arg3[%dma_wait3A_299, %dma_wait3A_300] : memref<16x1000000xf32, #tpu.memory_space<hbm>> -> memref<16x128xf32, #tpu.memory_space<hbm>>
      %dma_wait3A_302 = arith.constant 0 : i32
      %dma_wait3A_303 = arith.constant 0 : i32
      %dma_wait3A_304 = tpu.memref_slice %arg3[%dma_wait3A_302, %dma_wait3A_303] : memref<16x1000000xf32, #tpu.memory_space<hbm>> -> memref<16x128xf32, #tpu.memory_space<hbm>>
      tpu.wait_dma2 semaphore(%arg39 : memref<!tpu.dma_semaphore, #tpu.memory_space<semaphore_mem>>) src(%dma_wait3A_304 : memref<16x128xf32, #tpu.memory_space<hbm>>) dst(%arg11 : memref<16x128xf32, #tpu.memory_space<vmem>>)
      %dma_wait3A_305 = arith.constant 0 : i32
      %dma_wait3A_306 = arith.constant 0 : i32
      %dma_wait3A_307 = tpu.memref_slice %arg3[%dma_wait3A_305, %dma_wait3A_306] : memref<16x1000000xf32, #tpu.memory_space<hbm>> -> memref<16x128xf32, #tpu.memory_space<hbm>>
      %dma_wait3A_308 = arith.constant 0 : i32
      %dma_wait3A_309 = arith.constant 0 : i32
      %dma_wait3A_310 = tpu.memref_slice %arg3[%dma_wait3A_308, %dma_wait3A_309] : memref<16x1000000xf32, #tpu.memory_space<hbm>> -> memref<16x128xf32, #tpu.memory_space<hbm>>
      tpu.wait_dma2 semaphore(%arg39 : memref<!tpu.dma_semaphore, #tpu.memory_space<semaphore_mem>>) src(%dma_wait3A_310 : memref<16x128xf32, #tpu.memory_space<hbm>>) dst(%arg12 : memref<16x128xf32, #tpu.memory_space<vmem>>)
      %dma_wait3A_311 = arith.constant 0 : i32
      %dma_wait3A_312 = arith.constant 0 : i32
      %dma_wait3A_313 = tpu.memref_slice %arg3[%dma_wait3A_311, %dma_wait3A_312] : memref<16x1000000xf32, #tpu.memory_space<hbm>> -> memref<16x128xf32, #tpu.memory_space<hbm>>
      %dma_wait3A_314 = arith.constant 0 : i32
      %dma_wait3A_315 = arith.constant 0 : i32
      %dma_wait3A_316 = tpu.memref_slice %arg3[%dma_wait3A_314, %dma_wait3A_315] : memref<16x1000000xf32, #tpu.memory_space<hbm>> -> memref<16x128xf32, #tpu.memory_space<hbm>>
      tpu.wait_dma2 semaphore(%arg39 : memref<!tpu.dma_semaphore, #tpu.memory_space<semaphore_mem>>) src(%dma_wait3A_316 : memref<16x128xf32, #tpu.memory_space<hbm>>) dst(%arg13 : memref<16x128xf32, #tpu.memory_space<vmem>>)
      %jit3A = arith.constant 2 : i32
      %div3A = arith.divsi %add3A_269, %jit3A : i32
      %sign3A = arith.constant 0 : i32
      %sign3A_317 = arith.cmpi sgt, %add3A_269, %sign3A : i32
      %sign3A_318 = arith.extui %sign3A_317 : i1 to i32
      %sign3A_319 = arith.constant 0 : i32
      %sign3A_320 = arith.cmpi slt, %add3A_269, %sign3A_319 : i32
      %sign3A_321 = arith.extui %sign3A_320 : i1 to i32
      %sign3A_322 = arith.subi %sign3A_318, %sign3A_321 : i32
      %sign3A_323 = arith.constant 0 : i32
      %sign3A_324 = arith.cmpi sgt, %jit3A, %sign3A_323 : i32
      %sign3A_325 = arith.extui %sign3A_324 : i1 to i32
      %sign3A_326 = arith.constant 0 : i32
      %sign3A_327 = arith.cmpi slt, %jit3A, %sign3A_326 : i32
      %sign3A_328 = arith.extui %sign3A_327 : i1 to i32
      %sign3A_329 = arith.subi %sign3A_325, %sign3A_328 : i32
      %ne3A = arith.cmpi ne, %sign3A_322, %sign3A_329 : i32
      %rem3A = arith.remsi %add3A_269, %jit3A : i32
      %ne3A_330 = arith.constant 0 : i32
      %ne3A_331 = arith.cmpi ne, %rem3A, %ne3A_330 : i32
      %and3A_332 = arith.andi %ne3A, %ne3A_331 : i1
      %sub3A_333 = arith.constant 1 : i32
      %sub3A_334 = arith.subi %div3A, %sub3A_333 : i32
      %select_n3A = arith.select %and3A_332, %sub3A_334, %div3A : i32
      %mul3A_335 = arith.constant 16 : i32
      %mul3A_336 = arith.muli %select_n3A, %mul3A_335 : i32
      %get3A_337 = arith.index_cast %mul3A_336 : i32 to index
      %get3A_338 = tpu.vector_load %arg5[%get3A_337] {strides = array<i32>} : memref<512xi32, #tpu.memory_space<vmem>>, vector<16xi32>,
      %mul3A_339 = arith.constant 8 : i32
      %mul3A_340 = arith.muli %add3A_269, %mul3A_339 : i32
      %slice3A_341 = vector.extract_strided_slice %get3A_338 {offsets = [0], sizes = [1], strides = [1]} : vector<16xi32> to vector<1xi32>
      %squeeze3A_342 = vector.extract %slice3A_341[0] : i32 from vector<1xi32>
      %and3A_343 = arith.constant 127 : i32
      %and3A_344 = arith.andi %squeeze3A_342, %and3A_343 : i32
      %broadcast_in_dim3A = vector.broadcast %and3A_344 : i32 to vector<16xi32>
      %gather3A = tpu.vector_load_idx %arg6[%iota3A, %broadcast_in_dim3A] : memref<16x128xf32, #tpu.memory_space<vmem>>[vector<16xi32>, vector<16xi32>], vector<16xf32>,
      %mul3A_345 = arith.constant 512 : i32
      %mul3A_346 = vector.broadcast %mul3A_345 : i32 to vector<16xi32>
      %mul3A_347 = arith.muli %iota3A, %mul3A_346 : vector<16xi32>
      %add3A_348 = arith.constant 0 : i32
      %add3A_349 = arith.addi %mul3A_340, %add3A_348 : i32
      %add3A_350 = vector.broadcast %add3A_349 : i32 to vector<16xi32>
      %add3A_351 = arith.addi %mul3A_347, %add3A_350 : vector<16xi32>
      tpu.vector_store_idx %arg38[%add3A_351], %gather3A : memref<8192xf32, #tpu.memory_space<vmem>>[vector<16xi32>], vector<16xf32>,
      %slice3A_352 = vector.extract_strided_slice %get3A_338 {offsets = [1], sizes = [1], strides = [1]} : vector<16xi32> to vector<1xi32>
      %squeeze3A_353 = vector.extract %slice3A_352[0] : i32 from vector<1xi32>
      %and3A_354 = arith.constant 127 : i32
      %and3A_355 = arith.andi %squeeze3A_353, %and3A_354 : i32
      %broadcast_in_dim3A_356 = vector.broadcast %and3A_355 : i32 to vector<16xi32>
      %gather3A_357 = tpu.vector_load_idx %arg7[%iota3A, %broadcast_in_dim3A_356] : memref<16x128xf32, #tpu.memory_space<vmem>>[vector<16xi32>, vector<16xi32>], vector<16xf32>,
      %mul3A_358 = arith.constant 512 : i32
      %mul3A_359 = vector.broadcast %mul3A_358 : i32 to vector<16xi32>
      %mul3A_360 = arith.muli %iota3A, %mul3A_359 : vector<16xi32>
      %add3A_361 = arith.constant 1 : i32
      %add3A_362 = arith.addi %mul3A_340, %add3A_361 : i32
      %add3A_363 = vector.broadcast %add3A_362 : i32 to vector<16xi32>
      %add3A_364 = arith.addi %mul3A_360, %add3A_363 : vector<16xi32>
      tpu.vector_store_idx %arg38[%add3A_364], %gather3A_357 : memref<8192xf32, #tpu.memory_space<vmem>>[vector<16xi32>], vector<16xf32>,
      %slice3A_365 = vector.extract_strided_slice %get3A_338 {offsets = [2], sizes = [1], strides = [1]} : vector<16xi32> to vector<1xi32>
      %squeeze3A_366 = vector.extract %slice3A_365[0] : i32 from vector<1xi32>
      %and3A_367 = arith.constant 127 : i32
      %and3A_368 = arith.andi %squeeze3A_366, %and3A_367 : i32
      %broadcast_in_dim3A_369 = vector.broadcast %and3A_368 : i32 to vector<16xi32>
      %gather3A_370 = tpu.vector_load_idx %arg8[%iota3A, %broadcast_in_dim3A_369] : memref<16x128xf32, #tpu.memory_space<vmem>>[vector<16xi32>, vector<16xi32>], vector<16xf32>,
      %mul3A_371 = arith.constant 512 : i32
      %mul3A_372 = vector.broadcast %mul3A_371 : i32 to vector<16xi32>
      %mul3A_373 = arith.muli %iota3A, %mul3A_372 : vector<16xi32>
      %add3A_374 = arith.constant 2 : i32
      %add3A_375 = arith.addi %mul3A_340, %add3A_374 : i32
      %add3A_376 = vector.broadcast %add3A_375 : i32 to vector<16xi32>
      %add3A_377 = arith.addi %mul3A_373, %add3A_376 : vector<16xi32>
      tpu.vector_store_idx %arg38[%add3A_377], %gather3A_370 : memref<8192xf32, #tpu.memory_space<vmem>>[vector<16xi32>], vector<16xf32>,
      %slice3A_378 = vector.extract_strided_slice %get3A_338 {offsets = [3], sizes = [1], strides = [1]} : vector<16xi32> to vector<1xi32>
      %squeeze3A_379 = vector.extract %slice3A_378[0] : i32 from vector<1xi32>
      %and3A_380 = arith.constant 127 : i32
      %and3A_381 = arith.andi %squeeze3A_379, %and3A_380 : i32
      %broadcast_in_dim3A_382 = vector.broadcast %and3A_381 : i32 to vector<16xi32>
      %gather3A_383 = tpu.vector_load_idx %arg9[%iota3A, %broadcast_in_dim3A_382] : memref<16x128xf32, #tpu.memory_space<vmem>>[vector<16xi32>, vector<16xi32>], vector<16xf32>,
      %mul3A_384 = arith.constant 512 : i32
      %mul3A_385 = vector.broadcast %mul3A_384 : i32 to vector<16xi32>
      %mul3A_386 = arith.muli %iota3A, %mul3A_385 : vector<16xi32>
      %add3A_387 = arith.constant 3 : i32
      %add3A_388 = arith.addi %mul3A_340, %add3A_387 : i32
      %add3A_389 = vector.broadcast %add3A_388 : i32 to vector<16xi32>
      %add3A_390 = arith.addi %mul3A_386, %add3A_389 : vector<16xi32>
      tpu.vector_store_idx %arg38[%add3A_390], %gather3A_383 : memref<8192xf32, #tpu.memory_space<vmem>>[vector<16xi32>], vector<16xf32>,
      %slice3A_391 = vector.extract_strided_slice %get3A_338 {offsets = [4], sizes = [1], strides = [1]} : vector<16xi32> to vector<1xi32>
      %squeeze3A_392 = vector.extract %slice3A_391[0] : i32 from vector<1xi32>
      %and3A_393 = arith.constant 127 : i32
      %and3A_394 = arith.andi %squeeze3A_392, %and3A_393 : i32
      %broadcast_in_dim3A_395 = vector.broadcast %and3A_394 : i32 to vector<16xi32>
      %gather3A_396 = tpu.vector_load_idx %arg10[%iota3A, %broadcast_in_dim3A_395] : memref<16x128xf32, #tpu.memory_space<vmem>>[vector<16xi32>, vector<16xi32>], vector<16xf32>,
      %mul3A_397 = arith.constant 512 : i32
      %mul3A_398 = vector.broadcast %mul3A_397 : i32 to vector<16xi32>
      %mul3A_399 = arith.muli %iota3A, %mul3A_398 : vector<16xi32>
      %add3A_400 = arith.constant 4 : i32
      %add3A_401 = arith.addi %mul3A_340, %add3A_400 : i32
      %add3A_402 = vector.broadcast %add3A_401 : i32 to vector<16xi32>
      %add3A_403 = arith.addi %mul3A_399, %add3A_402 : vector<16xi32>
      tpu.vector_store_idx %arg38[%add3A_403], %gather3A_396 : memref<8192xf32, #tpu.memory_space<vmem>>[vector<16xi32>], vector<16xf32>,
      %slice3A_404 = vector.extract_strided_slice %get3A_338 {offsets = [5], sizes = [1], strides = [1]} : vector<16xi32> to vector<1xi32>
      %squeeze3A_405 = vector.extract %slice3A_404[0] : i32 from vector<1xi32>
      %and3A_406 = arith.constant 127 : i32
      %and3A_407 = arith.andi %squeeze3A_405, %and3A_406 : i32
      %broadcast_in_dim3A_408 = vector.broadcast %and3A_407 : i32 to vector<16xi32>
      %gather3A_409 = tpu.vector_load_idx %arg11[%iota3A, %broadcast_in_dim3A_408] : memref<16x128xf32, #tpu.memory_space<vmem>>[vector<16xi32>, vector<16xi32>], vector<16xf32>,
      %mul3A_410 = arith.constant 512 : i32
      %mul3A_411 = vector.broadcast %mul3A_410 : i32 to vector<16xi32>
      %mul3A_412 = arith.muli %iota3A, %mul3A_411 : vector<16xi32>
      %add3A_413 = arith.constant 5 : i32
      %add3A_414 = arith.addi %mul3A_340, %add3A_413 : i32
      %add3A_415 = vector.broadcast %add3A_414 : i32 to vector<16xi32>
      %add3A_416 = arith.addi %mul3A_412, %add3A_415 : vector<16xi32>
      tpu.vector_store_idx %arg38[%add3A_416], %gather3A_409 : memref<8192xf32, #tpu.memory_space<vmem>>[vector<16xi32>], vector<16xf32>,
      %slice3A_417 = vector.extract_strided_slice %get3A_338 {offsets = [6], sizes = [1], strides = [1]} : vector<16xi32> to vector<1xi32>
      %squeeze3A_418 = vector.extract %slice3A_417[0] : i32 from vector<1xi32>
      %and3A_419 = arith.constant 127 : i32
      %and3A_420 = arith.andi %squeeze3A_418, %and3A_419 : i32
      %broadcast_in_dim3A_421 = vector.broadcast %and3A_420 : i32 to vector<16xi32>
      %gather3A_422 = tpu.vector_load_idx %arg12[%iota3A, %broadcast_in_dim3A_421] : memref<16x128xf32, #tpu.memory_space<vmem>>[vector<16xi32>, vector<16xi32>], vector<16xf32>,
      %mul3A_423 = arith.constant 512 : i32
      %mul3A_424 = vector.broadcast %mul3A_423 : i32 to vector<16xi32>
      %mul3A_425 = arith.muli %iota3A, %mul3A_424 : vector<16xi32>
      %add3A_426 = arith.constant 6 : i32
      %add3A_427 = arith.addi %mul3A_340, %add3A_426 : i32
      %add3A_428 = vector.broadcast %add3A_427 : i32 to vector<16xi32>
      %add3A_429 = arith.addi %mul3A_425, %add3A_428 : vector<16xi32>
      tpu.vector_store_idx %arg38[%add3A_429], %gather3A_422 : memref<8192xf32, #tpu.memory_space<vmem>>[vector<16xi32>], vector<16xf32>,
      %slice3A_430 = vector.extract_strided_slice %get3A_338 {offsets = [7], sizes = [1], strides = [1]} : vector<16xi32> to vector<1xi32>
      %squeeze3A_431 = vector.extract %slice3A_430[0] : i32 from vector<1xi32>
      %and3A_432 = arith.constant 127 : i32
      %and3A_433 = arith.andi %squeeze3A_431, %and3A_432 : i32
      %broadcast_in_dim3A_434 = vector.broadcast %and3A_433 : i32 to vector<16xi32>
      %gather3A_435 = tpu.vector_load_idx %arg13[%iota3A, %broadcast_in_dim3A_434] : memref<16x128xf32, #tpu.memory_space<vmem>>[vector<16xi32>, vector<16xi32>], vector<16xf32>,
      %mul3A_436 = arith.constant 512 : i32
      %mul3A_437 = vector.broadcast %mul3A_436 : i32 to vector<16xi32>
      %mul3A_438 = arith.muli %iota3A, %mul3A_437 : vector<16xi32>
      %add3A_439 = arith.constant 7 : i32
      %add3A_440 = arith.addi %mul3A_340, %add3A_439 : i32
      %add3A_441 = vector.broadcast %add3A_440 : i32 to vector<16xi32>
      %add3A_442 = arith.addi %mul3A_438, %add3A_441 : vector<16xi32>
      tpu.vector_store_idx %arg38[%add3A_442], %gather3A_435 : memref<8192xf32, #tpu.memory_space<vmem>>[vector<16xi32>], vector<16xf32>,
      %lt3A = arith.constant 61 : i32
      %lt3A_443 = arith.cmpi slt, %add3A_269, %lt3A : i32
      %convert_element_type3A = arith.extui %lt3A_443 : i1 to i32
      %cond3A = arith.constant 0 : i32
      %cond3A_444 = arith.cmpi ne, %convert_element_type3A, %cond3A : i32
      scf.if %cond3A_444 {
        %add3A_1018 = arith.constant 4 : i32
        %add3A_1019 = arith.addi %add3A_269, %add3A_1018 : i32
        %sub3A_1020 = arith.constant 1 : i32
        %sub3A_1021 = arith.subi %add3A_1019, %sub3A_1020 : i32
        %jit3A_1022 = arith.constant 2 : i32
        %div3A_1023 = arith.divsi %sub3A_1021, %jit3A_1022 : i32
        %sign3A_1024 = arith.constant 0 : i32
        %sign3A_1025 = arith.cmpi sgt, %sub3A_1021, %sign3A_1024 : i32
        %sign3A_1026 = arith.extui %sign3A_1025 : i1 to i32
        %sign3A_1027 = arith.constant 0 : i32
        %sign3A_1028 = arith.cmpi slt, %sub3A_1021, %sign3A_1027 : i32
        %sign3A_1029 = arith.extui %sign3A_1028 : i1 to i32
        %sign3A_1030 = arith.subi %sign3A_1026, %sign3A_1029 : i32
        %sign3A_1031 = arith.constant 0 : i32
        %sign3A_1032 = arith.cmpi sgt, %jit3A_1022, %sign3A_1031 : i32
        %sign3A_1033 = arith.extui %sign3A_1032 : i1 to i32
        %sign3A_1034 = arith.constant 0 : i32
        %sign3A_1035 = arith.cmpi slt, %jit3A_1022, %sign3A_1034 : i32
        %sign3A_1036 = arith.extui %sign3A_1035 : i1 to i32
        %sign3A_1037 = arith.subi %sign3A_1033, %sign3A_1036 : i32
        %ne3A_1038 = arith.cmpi ne, %sign3A_1030, %sign3A_1037 : i32
        %rem3A_1039 = arith.remsi %sub3A_1021, %jit3A_1022 : i32
        %ne3A_1040 = arith.constant 0 : i32
        %ne3A_1041 = arith.cmpi ne, %rem3A_1039, %ne3A_1040 : i32
        %and3A_1042 = arith.andi %ne3A_1038, %ne3A_1041 : i1
        %sub3A_1043 = arith.constant 1 : i32
        %sub3A_1044 = arith.subi %div3A_1023, %sub3A_1043 : i32
        %select_n3A_1045 = arith.select %and3A_1042, %sub3A_1044, %div3A_1023 : i32
        %mul3A_1046 = arith.constant 16 : i32
        %mul3A_1047 = arith.muli %select_n3A_1045, %mul3A_1046 : i32
        %get3A_1048 = arith.index_cast %mul3A_1047 : i32 to index
        %get3A_1049 = tpu.vector_load %arg5[%get3A_1048] {strides = array<i32>} : memref<512xi32, #tpu.memory_space<vmem>>, vector<16xi32>,
        %slice3A_1050 = vector.extract_strided_slice %get3A_1049 {offsets = [8], sizes = [1], strides = [1]} : vector<16xi32> to vector<1xi32>
        %squeeze3A_1051 = vector.extract %slice3A_1050[0] : i32 from vector<1xi32>
        %and3A_1052 = arith.constant 127 : i32
        %and3A_1053 = arith.andi %squeeze3A_1051, %and3A_1052 : i32
        %sub3A_1054 = arith.subi %squeeze3A_1051, %and3A_1053 : i32
        %multiple_of3A_1055 = tpu.assume_multiple %sub3A_1054, 128 : i32
        %dma_start3A_1056 = arith.constant 0 : i32
        %dma_start3A_1057 = tpu.memref_slice %arg3[%dma_start3A_1056, %multiple_of3A_1055] : memref<16x1000000xf32, #tpu.memory_space<hbm>> -> memref<16x128xf32, #tpu.memory_space<hbm>>
        %dma_start3A_1058 = arith.constant 0 : i32
        %dma_start3A_1059 = tpu.memref_slice %arg3[%dma_start3A_1058, %multiple_of3A_1055] : memref<16x1000000xf32, #tpu.memory_space<hbm>> -> memref<16x128xf32, #tpu.memory_space<hbm>>
        tpu.enqueue_dma source(%dma_start3A_1059 : memref<16x128xf32, #tpu.memory_space<hbm>>) target(%arg30 : memref<16x128xf32, #tpu.memory_space<vmem>>) target_semaphore(%arg42 : memref<!tpu.dma_semaphore, #tpu.memory_space<semaphore_mem>>)
        %slice3A_1060 = vector.extract_strided_slice %get3A_1049 {offsets = [9], sizes = [1], strides = [1]} : vector<16xi32> to vector<1xi32>
        %squeeze3A_1061 = vector.extract %slice3A_1060[0] : i32 from vector<1xi32>
        %and3A_1062 = arith.constant 127 : i32
        %and3A_1063 = arith.andi %squeeze3A_1061, %and3A_1062 : i32
        %sub3A_1064 = arith.subi %squeeze3A_1061, %and3A_1063 : i32
        %multiple_of3A_1065 = tpu.assume_multiple %sub3A_1064, 128 : i32
        %dma_start3A_1066 = arith.constant 0 : i32
        %dma_start3A_1067 = tpu.memref_slice %arg3[%dma_start3A_1066, %multiple_of3A_1065] : memref<16x1000000xf32, #tpu.memory_space<hbm>> -> memref<16x128xf32, #tpu.memory_space<hbm>>
        %dma_start3A_1068 = arith.constant 0 : i32
        %dma_start3A_1069 = tpu.memref_slice %arg3[%dma_start3A_1068, %multiple_of3A_1065] : memref<16x1000000xf32, #tpu.memory_space<hbm>> -> memref<16x128xf32, #tpu.memory_space<hbm>>
        tpu.enqueue_dma source(%dma_start3A_1069 : memref<16x128xf32, #tpu.memory_space<hbm>>) target(%arg31 : memref<16x128xf32, #tpu.memory_space<vmem>>) target_semaphore(%arg42 : memref<!tpu.dma_semaphore, #tpu.memory_space<semaphore_mem>>)
        %slice3A_1070 = vector.extract_strided_slice %get3A_1049 {offsets = [10], sizes = [1], strides = [1]} : vector<16xi32> to vector<1xi32>
        %squeeze3A_1071 = vector.extract %slice3A_1070[0] : i32 from vector<1xi32>
        %and3A_1072 = arith.constant 127 : i32
        %and3A_1073 = arith.andi %squeeze3A_1071, %and3A_1072 : i32
        %sub3A_1074 = arith.subi %squeeze3A_1071, %and3A_1073 : i32
        %multiple_of3A_1075 = tpu.assume_multiple %sub3A_1074, 128 : i32
        %dma_start3A_1076 = arith.constant 0 : i32
        %dma_start3A_1077 = tpu.memref_slice %arg3[%dma_start3A_1076, %multiple_of3A_1075] : memref<16x1000000xf32, #tpu.memory_space<hbm>> -> memref<16x128xf32, #tpu.memory_space<hbm>>
        %dma_start3A_1078 = arith.constant 0 : i32
        %dma_start3A_1079 = tpu.memref_slice %arg3[%dma_start3A_1078, %multiple_of3A_1075] : memref<16x1000000xf32, #tpu.memory_space<hbm>> -> memref<16x128xf32, #tpu.memory_space<hbm>>
        tpu.enqueue_dma source(%dma_start3A_1079 : memref<16x128xf32, #tpu.memory_space<hbm>>) target(%arg32 : memref<16x128xf32, #tpu.memory_space<vmem>>) target_semaphore(%arg42 : memref<!tpu.dma_semaphore, #tpu.memory_space<semaphore_mem>>)
        %slice3A_1080 = vector.extract_strided_slice %get3A_1049 {offsets = [11], sizes = [1], strides = [1]} : vector<16xi32> to vector<1xi32>
        %squeeze3A_1081 = vector.extract %slice3A_1080[0] : i32 from vector<1xi32>
        %and3A_1082 = arith.constant 127 : i32
        %and3A_1083 = arith.andi %squeeze3A_1081, %and3A_1082 : i32
        %sub3A_1084 = arith.subi %squeeze3A_1081, %and3A_1083 : i32
        %multiple_of3A_1085 = tpu.assume_multiple %sub3A_1084, 128 : i32
        %dma_start3A_1086 = arith.constant 0 : i32
        %dma_start3A_1087 = tpu.memref_slice %arg3[%dma_start3A_1086, %multiple_of3A_1085] : memref<16x1000000xf32, #tpu.memory_space<hbm>> -> memref<16x128xf32, #tpu.memory_space<hbm>>
        %dma_start3A_1088 = arith.constant 0 : i32
        %dma_start3A_1089 = tpu.memref_slice %arg3[%dma_start3A_1088, %multiple_of3A_1085] : memref<16x1000000xf32, #tpu.memory_space<hbm>> -> memref<16x128xf32, #tpu.memory_space<hbm>>
        tpu.enqueue_dma source(%dma_start3A_1089 : memref<16x128xf32, #tpu.memory_space<hbm>>) target(%arg33 : memref<16x128xf32, #tpu.memory_space<vmem>>) target_semaphore(%arg42 : memref<!tpu.dma_semaphore, #tpu.memory_space<semaphore_mem>>)
        %slice3A_1090 = vector.extract_strided_slice %get3A_1049 {offsets = [12], sizes = [1], strides = [1]} : vector<16xi32> to vector<1xi32>
        %squeeze3A_1091 = vector.extract %slice3A_1090[0] : i32 from vector<1xi32>
        %and3A_1092 = arith.constant 127 : i32
        %and3A_1093 = arith.andi %squeeze3A_1091, %and3A_1092 : i32
        %sub3A_1094 = arith.subi %squeeze3A_1091, %and3A_1093 : i32
        %multiple_of3A_1095 = tpu.assume_multiple %sub3A_1094, 128 : i32
        %dma_start3A_1096 = arith.constant 0 : i32
        %dma_start3A_1097 = tpu.memref_slice %arg3[%dma_start3A_1096, %multiple_of3A_1095] : memref<16x1000000xf32, #tpu.memory_space<hbm>> -> memref<16x128xf32, #tpu.memory_space<hbm>>
        %dma_start3A_1098 = arith.constant 0 : i32
        %dma_start3A_1099 = tpu.memref_slice %arg3[%dma_start3A_1098, %multiple_of3A_1095] : memref<16x1000000xf32, #tpu.memory_space<hbm>> -> memref<16x128xf32, #tpu.memory_space<hbm>>
        tpu.enqueue_dma source(%dma_start3A_1099 : memref<16x128xf32, #tpu.memory_space<hbm>>) target(%arg34 : memref<16x128xf32, #tpu.memory_space<vmem>>) target_semaphore(%arg42 : memref<!tpu.dma_semaphore, #tpu.memory_space<semaphore_mem>>)
        %slice3A_1100 = vector.extract_strided_slice %get3A_1049 {offsets = [13], sizes = [1], strides = [1]} : vector<16xi32> to vector<1xi32>
        %squeeze3A_1101 = vector.extract %slice3A_1100[0] : i32 from vector<1xi32>
        %and3A_1102 = arith.constant 127 : i32
        %and3A_1103 = arith.andi %squeeze3A_1101, %and3A_1102 : i32
        %sub3A_1104 = arith.subi %squeeze3A_1101, %and3A_1103 : i32
        %multiple_of3A_1105 = tpu.assume_multiple %sub3A_1104, 128 : i32
        %dma_start3A_1106 = arith.constant 0 : i32
        %dma_start3A_1107 = tpu.memref_slice %arg3[%dma_start3A_1106, %multiple_of3A_1105] : memref<16x1000000xf32, #tpu.memory_space<hbm>> -> memref<16x128xf32, #tpu.memory_space<hbm>>
        %dma_start3A_1108 = arith.constant 0 : i32
        %dma_start3A_1109 = tpu.memref_slice %arg3[%dma_start3A_1108, %multiple_of3A_1105] : memref<16x1000000xf32, #tpu.memory_space<hbm>> -> memref<16x128xf32, #tpu.memory_space<hbm>>
        tpu.enqueue_dma source(%dma_start3A_1109 : memref<16x128xf32, #tpu.memory_space<hbm>>) target(%arg35 : memref<16x128xf32, #tpu.memory_space<vmem>>) target_semaphore(%arg42 : memref<!tpu.dma_semaphore, #tpu.memory_space<semaphore_mem>>)
        %slice3A_1110 = vector.extract_strided_slice %get3A_1049 {offsets = [14], sizes = [1], strides = [1]} : vector<16xi32> to vector<1xi32>
        %squeeze3A_1111 = vector.extract %slice3A_1110[0] : i32 from vector<1xi32>
        %and3A_1112 = arith.constant 127 : i32
        %and3A_1113 = arith.andi %squeeze3A_1111, %and3A_1112 : i32
        %sub3A_1114 = arith.subi %squeeze3A_1111, %and3A_1113 : i32
        %multiple_of3A_1115 = tpu.assume_multiple %sub3A_1114, 128 : i32
        %dma_start3A_1116 = arith.constant 0 : i32
        %dma_start3A_1117 = tpu.memref_slice %arg3[%dma_start3A_1116, %multiple_of3A_1115] : memref<16x1000000xf32, #tpu.memory_space<hbm>> -> memref<16x128xf32, #tpu.memory_space<hbm>>
        %dma_start3A_1118 = arith.constant 0 : i32
        %dma_start3A_1119 = tpu.memref_slice %arg3[%dma_start3A_1118, %multiple_of3A_1115] : memref<16x1000000xf32, #tpu.memory_space<hbm>> -> memref<16x128xf32, #tpu.memory_space<hbm>>
        tpu.enqueue_dma source(%dma_start3A_1119 : memref<16x128xf32, #tpu.memory_space<hbm>>) target(%arg36 : memref<16x128xf32, #tpu.memory_space<vmem>>) target_semaphore(%arg42 : memref<!tpu.dma_semaphore, #tpu.memory_space<semaphore_mem>>)
        %slice3A_1120 = vector.extract_strided_slice %get3A_1049 {offsets = [15], sizes = [1], strides = [1]} : vector<16xi32> to vector<1xi32>
        %squeeze3A_1121 = vector.extract %slice3A_1120[0] : i32 from vector<1xi32>
        %and3A_1122 = arith.constant 127 : i32
        %and3A_1123 = arith.andi %squeeze3A_1121, %and3A_1122 : i32
        %sub3A_1124 = arith.subi %squeeze3A_1121, %and3A_1123 : i32
        %multiple_of3A_1125 = tpu.assume_multiple %sub3A_1124, 128 : i32
        %dma_start3A_1126 = arith.constant 0 : i32
        %dma_start3A_1127 = tpu.memref_slice %arg3[%dma_start3A_1126, %multiple_of3A_1125] : memref<16x1000000xf32, #tpu.memory_space<hbm>> -> memref<16x128xf32, #tpu.memory_space<hbm>>
        %dma_start3A_1128 = arith.constant 0 : i32
        %dma_start3A_1129 = tpu.memref_slice %arg3[%dma_start3A_1128, %multiple_of3A_1125] : memref<16x1000000xf32, #tpu.memory_space<hbm>> -> memref<16x128xf32, #tpu.memory_space<hbm>>
        tpu.enqueue_dma source(%dma_start3A_1129 : memref<16x128xf32, #tpu.memory_space<hbm>>) target(%arg37 : memref<16x128xf32, #tpu.memory_space<vmem>>) target_semaphore(%arg42 : memref<!tpu.dma_semaphore, #tpu.memory_space<semaphore_mem>>)
      } else {
      }
      %mul3A_445 = arith.constant 4 : i32
      %mul3A_446 = arith.muli %add3A_265, %mul3A_445 : i32
      %add3A_447 = arith.constant 1 : i32
      %add3A_448 = arith.addi %mul3A_446, %add3A_447 : i32
      %dma_wait3A_449 = arith.constant 0 : i32
      %dma_wait3A_450 = arith.constant 0 : i32
      %dma_wait3A_451 = tpu.memref_slice %arg3[%dma_wait3A_449, %dma_wait3A_450] : memref<16x1000000xf32, #tpu.memory_space<hbm>> -> memref<16x128xf32, #tpu.memory_space<hbm>>
      %dma_wait3A_452 = arith.constant 0 : i32
      %dma_wait3A_453 = arith.constant 0 : i32
      %dma_wait3A_454 = tpu.memref_slice %arg3[%dma_wait3A_452, %dma_wait3A_453] : memref<16x1000000xf32, #tpu.memory_space<hbm>> -> memref<16x128xf32, #tpu.memory_space<hbm>>
      tpu.wait_dma2 semaphore(%arg40 : memref<!tpu.dma_semaphore, #tpu.memory_space<semaphore_mem>>) src(%dma_wait3A_454 : memref<16x128xf32, #tpu.memory_space<hbm>>) dst(%arg14 : memref<16x128xf32, #tpu.memory_space<vmem>>)
      %dma_wait3A_455 = arith.constant 0 : i32
      %dma_wait3A_456 = arith.constant 0 : i32
      %dma_wait3A_457 = tpu.memref_slice %arg3[%dma_wait3A_455, %dma_wait3A_456] : memref<16x1000000xf32, #tpu.memory_space<hbm>> -> memref<16x128xf32, #tpu.memory_space<hbm>>
      %dma_wait3A_458 = arith.constant 0 : i32
      %dma_wait3A_459 = arith.constant 0 : i32
      %dma_wait3A_460 = tpu.memref_slice %arg3[%dma_wait3A_458, %dma_wait3A_459] : memref<16x1000000xf32, #tpu.memory_space<hbm>> -> memref<16x128xf32, #tpu.memory_space<hbm>>
      tpu.wait_dma2 semaphore(%arg40 : memref<!tpu.dma_semaphore, #tpu.memory_space<semaphore_mem>>) src(%dma_wait3A_460 : memref<16x128xf32, #tpu.memory_space<hbm>>) dst(%arg15 : memref<16x128xf32, #tpu.memory_space<vmem>>)
      %dma_wait3A_461 = arith.constant 0 : i32
      %dma_wait3A_462 = arith.constant 0 : i32
      %dma_wait3A_463 = tpu.memref_slice %arg3[%dma_wait3A_461, %dma_wait3A_462] : memref<16x1000000xf32, #tpu.memory_space<hbm>> -> memref<16x128xf32, #tpu.memory_space<hbm>>
      %dma_wait3A_464 = arith.constant 0 : i32
      %dma_wait3A_465 = arith.constant 0 : i32
      %dma_wait3A_466 = tpu.memref_slice %arg3[%dma_wait3A_464, %dma_wait3A_465] : memref<16x1000000xf32, #tpu.memory_space<hbm>> -> memref<16x128xf32, #tpu.memory_space<hbm>>
      tpu.wait_dma2 semaphore(%arg40 : memref<!tpu.dma_semaphore, #tpu.memory_space<semaphore_mem>>) src(%dma_wait3A_466 : memref<16x128xf32, #tpu.memory_space<hbm>>) dst(%arg16 : memref<16x128xf32, #tpu.memory_space<vmem>>)
      %dma_wait3A_467 = arith.constant 0 : i32
      %dma_wait3A_468 = arith.constant 0 : i32
      %dma_wait3A_469 = tpu.memref_slice %arg3[%dma_wait3A_467, %dma_wait3A_468] : memref<16x1000000xf32, #tpu.memory_space<hbm>> -> memref<16x128xf32, #tpu.memory_space<hbm>>
      %dma_wait3A_470 = arith.constant 0 : i32
      %dma_wait3A_471 = arith.constant 0 : i32
      %dma_wait3A_472 = tpu.memref_slice %arg3[%dma_wait3A_470, %dma_wait3A_471] : memref<16x1000000xf32, #tpu.memory_space<hbm>> -> memref<16x128xf32, #tpu.memory_space<hbm>>
      tpu.wait_dma2 semaphore(%arg40 : memref<!tpu.dma_semaphore, #tpu.memory_space<semaphore_mem>>) src(%dma_wait3A_472 : memref<16x128xf32, #tpu.memory_space<hbm>>) dst(%arg17 : memref<16x128xf32, #tpu.memory_space<vmem>>)
      %dma_wait3A_473 = arith.constant 0 : i32
      %dma_wait3A_474 = arith.constant 0 : i32
      %dma_wait3A_475 = tpu.memref_slice %arg3[%dma_wait3A_473, %dma_wait3A_474] : memref<16x1000000xf32, #tpu.memory_space<hbm>> -> memref<16x128xf32, #tpu.memory_space<hbm>>
      %dma_wait3A_476 = arith.constant 0 : i32
      %dma_wait3A_477 = arith.constant 0 : i32
      %dma_wait3A_478 = tpu.memref_slice %arg3[%dma_wait3A_476, %dma_wait3A_477] : memref<16x1000000xf32, #tpu.memory_space<hbm>> -> memref<16x128xf32, #tpu.memory_space<hbm>>
      tpu.wait_dma2 semaphore(%arg40 : memref<!tpu.dma_semaphore, #tpu.memory_space<semaphore_mem>>) src(%dma_wait3A_478 : memref<16x128xf32, #tpu.memory_space<hbm>>) dst(%arg18 : memref<16x128xf32, #tpu.memory_space<vmem>>)
      %dma_wait3A_479 = arith.constant 0 : i32
      %dma_wait3A_480 = arith.constant 0 : i32
      %dma_wait3A_481 = tpu.memref_slice %arg3[%dma_wait3A_479, %dma_wait3A_480] : memref<16x1000000xf32, #tpu.memory_space<hbm>> -> memref<16x128xf32, #tpu.memory_space<hbm>>
      %dma_wait3A_482 = arith.constant 0 : i32
      %dma_wait3A_483 = arith.constant 0 : i32
      %dma_wait3A_484 = tpu.memref_slice %arg3[%dma_wait3A_482, %dma_wait3A_483] : memref<16x1000000xf32, #tpu.memory_space<hbm>> -> memref<16x128xf32, #tpu.memory_space<hbm>>
      tpu.wait_dma2 semaphore(%arg40 : memref<!tpu.dma_semaphore, #tpu.memory_space<semaphore_mem>>) src(%dma_wait3A_484 : memref<16x128xf32, #tpu.memory_space<hbm>>) dst(%arg19 : memref<16x128xf32, #tpu.memory_space<vmem>>)
      %dma_wait3A_485 = arith.constant 0 : i32
      %dma_wait3A_486 = arith.constant 0 : i32
      %dma_wait3A_487 = tpu.memref_slice %arg3[%dma_wait3A_485, %dma_wait3A_486] : memref<16x1000000xf32, #tpu.memory_space<hbm>> -> memref<16x128xf32, #tpu.memory_space<hbm>>
      %dma_wait3A_488 = arith.constant 0 : i32
      %dma_wait3A_489 = arith.constant 0 : i32
      %dma_wait3A_490 = tpu.memref_slice %arg3[%dma_wait3A_488, %dma_wait3A_489] : memref<16x1000000xf32, #tpu.memory_space<hbm>> -> memref<16x128xf32, #tpu.memory_space<hbm>>
      tpu.wait_dma2 semaphore(%arg40 : memref<!tpu.dma_semaphore, #tpu.memory_space<semaphore_mem>>) src(%dma_wait3A_490 : memref<16x128xf32, #tpu.memory_space<hbm>>) dst(%arg20 : memref<16x128xf32, #tpu.memory_space<vmem>>)
      %dma_wait3A_491 = arith.constant 0 : i32
      %dma_wait3A_492 = arith.constant 0 : i32
      %dma_wait3A_493 = tpu.memref_slice %arg3[%dma_wait3A_491, %dma_wait3A_492] : memref<16x1000000xf32, #tpu.memory_space<hbm>> -> memref<16x128xf32, #tpu.memory_space<hbm>>
      %dma_wait3A_494 = arith.constant 0 : i32
      %dma_wait3A_495 = arith.constant 0 : i32
      %dma_wait3A_496 = tpu.memref_slice %arg3[%dma_wait3A_494, %dma_wait3A_495] : memref<16x1000000xf32, #tpu.memory_space<hbm>> -> memref<16x128xf32, #tpu.memory_space<hbm>>
      tpu.wait_dma2 semaphore(%arg40 : memref<!tpu.dma_semaphore, #tpu.memory_space<semaphore_mem>>) src(%dma_wait3A_496 : memref<16x128xf32, #tpu.memory_space<hbm>>) dst(%arg21 : memref<16x128xf32, #tpu.memory_space<vmem>>)
      %jit3A_497 = arith.constant 2 : i32
      %div3A_498 = arith.divsi %add3A_448, %jit3A_497 : i32
      %sign3A_499 = arith.constant 0 : i32
      %sign3A_500 = arith.cmpi sgt, %add3A_448, %sign3A_499 : i32
      %sign3A_501 = arith.extui %sign3A_500 : i1 to i32
      %sign3A_502 = arith.constant 0 : i32
      %sign3A_503 = arith.cmpi slt, %add3A_448, %sign3A_502 : i32
      %sign3A_504 = arith.extui %sign3A_503 : i1 to i32
      %sign3A_505 = arith.subi %sign3A_501, %sign3A_504 : i32
      %sign3A_506 = arith.constant 0 : i32
      %sign3A_507 = arith.cmpi sgt, %jit3A_497, %sign3A_506 : i32
      %sign3A_508 = arith.extui %sign3A_507 : i1 to i32
      %sign3A_509 = arith.constant 0 : i32
      %sign3A_510 = arith.cmpi slt, %jit3A_497, %sign3A_509 : i32
      %sign3A_511 = arith.extui %sign3A_510 : i1 to i32
      %sign3A_512 = arith.subi %sign3A_508, %sign3A_511 : i32
      %ne3A_513 = arith.cmpi ne, %sign3A_505, %sign3A_512 : i32
      %rem3A_514 = arith.remsi %add3A_448, %jit3A_497 : i32
      %ne3A_515 = arith.constant 0 : i32
      %ne3A_516 = arith.cmpi ne, %rem3A_514, %ne3A_515 : i32
      %and3A_517 = arith.andi %ne3A_513, %ne3A_516 : i1
      %sub3A_518 = arith.constant 1 : i32
      %sub3A_519 = arith.subi %div3A_498, %sub3A_518 : i32
      %select_n3A_520 = arith.select %and3A_517, %sub3A_519, %div3A_498 : i32
      %mul3A_521 = arith.constant 16 : i32
      %mul3A_522 = arith.muli %select_n3A_520, %mul3A_521 : i32
      %get3A_523 = arith.index_cast %mul3A_522 : i32 to index
      %get3A_524 = tpu.vector_load %arg5[%get3A_523] {strides = array<i32>} : memref<512xi32, #tpu.memory_space<vmem>>, vector<16xi32>,
      %mul3A_525 = arith.constant 8 : i32
      %mul3A_526 = arith.muli %add3A_448, %mul3A_525 : i32
      %slice3A_527 = vector.extract_strided_slice %get3A_524 {offsets = [8], sizes = [1], strides = [1]} : vector<16xi32> to vector<1xi32>
      %squeeze3A_528 = vector.extract %slice3A_527[0] : i32 from vector<1xi32>
      %and3A_529 = arith.constant 127 : i32
      %and3A_530 = arith.andi %squeeze3A_528, %and3A_529 : i32
      %broadcast_in_dim3A_531 = vector.broadcast %and3A_530 : i32 to vector<16xi32>
      %gather3A_532 = tpu.vector_load_idx %arg14[%iota3A, %broadcast_in_dim3A_531] : memref<16x128xf32, #tpu.memory_space<vmem>>[vector<16xi32>, vector<16xi32>], vector<16xf32>,
      %mul3A_533 = arith.constant 512 : i32
      %mul3A_534 = vector.broadcast %mul3A_533 : i32 to vector<16xi32>
      %mul3A_535 = arith.muli %iota3A, %mul3A_534 : vector<16xi32>
      %add3A_536 = arith.constant 0 : i32
      %add3A_537 = arith.addi %mul3A_526, %add3A_536 : i32
      %add3A_538 = vector.broadcast %add3A_537 : i32 to vector<16xi32>
      %add3A_539 = arith.addi %mul3A_535, %add3A_538 : vector<16xi32>
      tpu.vector_store_idx %arg38[%add3A_539], %gather3A_532 : memref<8192xf32, #tpu.memory_space<vmem>>[vector<16xi32>], vector<16xf32>,
      %slice3A_540 = vector.extract_strided_slice %get3A_524 {offsets = [9], sizes = [1], strides = [1]} : vector<16xi32> to vector<1xi32>
      %squeeze3A_541 = vector.extract %slice3A_540[0] : i32 from vector<1xi32>
      %and3A_542 = arith.constant 127 : i32
      %and3A_543 = arith.andi %squeeze3A_541, %and3A_542 : i32
      %broadcast_in_dim3A_544 = vector.broadcast %and3A_543 : i32 to vector<16xi32>
      %gather3A_545 = tpu.vector_load_idx %arg15[%iota3A, %broadcast_in_dim3A_544] : memref<16x128xf32, #tpu.memory_space<vmem>>[vector<16xi32>, vector<16xi32>], vector<16xf32>,
      %mul3A_546 = arith.constant 512 : i32
      %mul3A_547 = vector.broadcast %mul3A_546 : i32 to vector<16xi32>
      %mul3A_548 = arith.muli %iota3A, %mul3A_547 : vector<16xi32>
      %add3A_549 = arith.constant 1 : i32
      %add3A_550 = arith.addi %mul3A_526, %add3A_549 : i32
      %add3A_551 = vector.broadcast %add3A_550 : i32 to vector<16xi32>
      %add3A_552 = arith.addi %mul3A_548, %add3A_551 : vector<16xi32>
      tpu.vector_store_idx %arg38[%add3A_552], %gather3A_545 : memref<8192xf32, #tpu.memory_space<vmem>>[vector<16xi32>], vector<16xf32>,
      %slice3A_553 = vector.extract_strided_slice %get3A_524 {offsets = [10], sizes = [1], strides = [1]} : vector<16xi32> to vector<1xi32>
      %squeeze3A_554 = vector.extract %slice3A_553[0] : i32 from vector<1xi32>
      %and3A_555 = arith.constant 127 : i32
      %and3A_556 = arith.andi %squeeze3A_554, %and3A_555 : i32
      %broadcast_in_dim3A_557 = vector.broadcast %and3A_556 : i32 to vector<16xi32>
      %gather3A_558 = tpu.vector_load_idx %arg16[%iota3A, %broadcast_in_dim3A_557] : memref<16x128xf32, #tpu.memory_space<vmem>>[vector<16xi32>, vector<16xi32>], vector<16xf32>,
      %mul3A_559 = arith.constant 512 : i32
      %mul3A_560 = vector.broadcast %mul3A_559 : i32 to vector<16xi32>
      %mul3A_561 = arith.muli %iota3A, %mul3A_560 : vector<16xi32>
      %add3A_562 = arith.constant 2 : i32
      %add3A_563 = arith.addi %mul3A_526, %add3A_562 : i32
      %add3A_564 = vector.broadcast %add3A_563 : i32 to vector<16xi32>
      %add3A_565 = arith.addi %mul3A_561, %add3A_564 : vector<16xi32>
      tpu.vector_store_idx %arg38[%add3A_565], %gather3A_558 : memref<8192xf32, #tpu.memory_space<vmem>>[vector<16xi32>], vector<16xf32>,
      %slice3A_566 = vector.extract_strided_slice %get3A_524 {offsets = [11], sizes = [1], strides = [1]} : vector<16xi32> to vector<1xi32>
      %squeeze3A_567 = vector.extract %slice3A_566[0] : i32 from vector<1xi32>
      %and3A_568 = arith.constant 127 : i32
      %and3A_569 = arith.andi %squeeze3A_567, %and3A_568 : i32
      %broadcast_in_dim3A_570 = vector.broadcast %and3A_569 : i32 to vector<16xi32>
      %gather3A_571 = tpu.vector_load_idx %arg17[%iota3A, %broadcast_in_dim3A_570] : memref<16x128xf32, #tpu.memory_space<vmem>>[vector<16xi32>, vector<16xi32>], vector<16xf32>,
      %mul3A_572 = arith.constant 512 : i32
      %mul3A_573 = vector.broadcast %mul3A_572 : i32 to vector<16xi32>
      %mul3A_574 = arith.muli %iota3A, %mul3A_573 : vector<16xi32>
      %add3A_575 = arith.constant 3 : i32
      %add3A_576 = arith.addi %mul3A_526, %add3A_575 : i32
      %add3A_577 = vector.broadcast %add3A_576 : i32 to vector<16xi32>
      %add3A_578 = arith.addi %mul3A_574, %add3A_577 : vector<16xi32>
      tpu.vector_store_idx %arg38[%add3A_578], %gather3A_571 : memref<8192xf32, #tpu.memory_space<vmem>>[vector<16xi32>], vector<16xf32>,
      %slice3A_579 = vector.extract_strided_slice %get3A_524 {offsets = [12], sizes = [1], strides = [1]} : vector<16xi32> to vector<1xi32>
      %squeeze3A_580 = vector.extract %slice3A_579[0] : i32 from vector<1xi32>
      %and3A_581 = arith.constant 127 : i32
      %and3A_582 = arith.andi %squeeze3A_580, %and3A_581 : i32
      %broadcast_in_dim3A_583 = vector.broadcast %and3A_582 : i32 to vector<16xi32>
      %gather3A_584 = tpu.vector_load_idx %arg18[%iota3A, %broadcast_in_dim3A_583] : memref<16x128xf32, #tpu.memory_space<vmem>>[vector<16xi32>, vector<16xi32>], vector<16xf32>,
      %mul3A_585 = arith.constant 512 : i32
      %mul3A_586 = vector.broadcast %mul3A_585 : i32 to vector<16xi32>
      %mul3A_587 = arith.muli %iota3A, %mul3A_586 : vector<16xi32>
      %add3A_588 = arith.constant 4 : i32
      %add3A_589 = arith.addi %mul3A_526, %add3A_588 : i32
      %add3A_590 = vector.broadcast %add3A_589 : i32 to vector<16xi32>
      %add3A_591 = arith.addi %mul3A_587, %add3A_590 : vector<16xi32>
      tpu.vector_store_idx %arg38[%add3A_591], %gather3A_584 : memref<8192xf32, #tpu.memory_space<vmem>>[vector<16xi32>], vector<16xf32>,
      %slice3A_592 = vector.extract_strided_slice %get3A_524 {offsets = [13], sizes = [1], strides = [1]} : vector<16xi32> to vector<1xi32>
      %squeeze3A_593 = vector.extract %slice3A_592[0] : i32 from vector<1xi32>
      %and3A_594 = arith.constant 127 : i32
      %and3A_595 = arith.andi %squeeze3A_593, %and3A_594 : i32
      %broadcast_in_dim3A_596 = vector.broadcast %and3A_595 : i32 to vector<16xi32>
      %gather3A_597 = tpu.vector_load_idx %arg19[%iota3A, %broadcast_in_dim3A_596] : memref<16x128xf32, #tpu.memory_space<vmem>>[vector<16xi32>, vector<16xi32>], vector<16xf32>,
      %mul3A_598 = arith.constant 512 : i32
      %mul3A_599 = vector.broadcast %mul3A_598 : i32 to vector<16xi32>
      %mul3A_600 = arith.muli %iota3A, %mul3A_599 : vector<16xi32>
      %add3A_601 = arith.constant 5 : i32
      %add3A_602 = arith.addi %mul3A_526, %add3A_601 : i32
      %add3A_603 = vector.broadcast %add3A_602 : i32 to vector<16xi32>
      %add3A_604 = arith.addi %mul3A_600, %add3A_603 : vector<16xi32>
      tpu.vector_store_idx %arg38[%add3A_604], %gather3A_597 : memref<8192xf32, #tpu.memory_space<vmem>>[vector<16xi32>], vector<16xf32>,
      %slice3A_605 = vector.extract_strided_slice %get3A_524 {offsets = [14], sizes = [1], strides = [1]} : vector<16xi32> to vector<1xi32>
      %squeeze3A_606 = vector.extract %slice3A_605[0] : i32 from vector<1xi32>
      %and3A_607 = arith.constant 127 : i32
      %and3A_608 = arith.andi %squeeze3A_606, %and3A_607 : i32
      %broadcast_in_dim3A_609 = vector.broadcast %and3A_608 : i32 to vector<16xi32>
      %gather3A_610 = tpu.vector_load_idx %arg20[%iota3A, %broadcast_in_dim3A_609] : memref<16x128xf32, #tpu.memory_space<vmem>>[vector<16xi32>, vector<16xi32>], vector<16xf32>,
      %mul3A_611 = arith.constant 512 : i32
      %mul3A_612 = vector.broadcast %mul3A_611 : i32 to vector<16xi32>
      %mul3A_613 = arith.muli %iota3A, %mul3A_612 : vector<16xi32>
      %add3A_614 = arith.constant 6 : i32
      %add3A_615 = arith.addi %mul3A_526, %add3A_614 : i32
      %add3A_616 = vector.broadcast %add3A_615 : i32 to vector<16xi32>
      %add3A_617 = arith.addi %mul3A_613, %add3A_616 : vector<16xi32>
      tpu.vector_store_idx %arg38[%add3A_617], %gather3A_610 : memref<8192xf32, #tpu.memory_space<vmem>>[vector<16xi32>], vector<16xf32>,
      %slice3A_618 = vector.extract_strided_slice %get3A_524 {offsets = [15], sizes = [1], strides = [1]} : vector<16xi32> to vector<1xi32>
      %squeeze3A_619 = vector.extract %slice3A_618[0] : i32 from vector<1xi32>
      %and3A_620 = arith.constant 127 : i32
      %and3A_621 = arith.andi %squeeze3A_619, %and3A_620 : i32
      %broadcast_in_dim3A_622 = vector.broadcast %and3A_621 : i32 to vector<16xi32>
      %gather3A_623 = tpu.vector_load_idx %arg21[%iota3A, %broadcast_in_dim3A_622] : memref<16x128xf32, #tpu.memory_space<vmem>>[vector<16xi32>, vector<16xi32>], vector<16xf32>,
      %mul3A_624 = arith.constant 512 : i32
      %mul3A_625 = vector.broadcast %mul3A_624 : i32 to vector<16xi32>
      %mul3A_626 = arith.muli %iota3A, %mul3A_625 : vector<16xi32>
      %add3A_627 = arith.constant 7 : i32
      %add3A_628 = arith.addi %mul3A_526, %add3A_627 : i32
      %add3A_629 = vector.broadcast %add3A_628 : i32 to vector<16xi32>
      %add3A_630 = arith.addi %mul3A_626, %add3A_629 : vector<16xi32>
      tpu.vector_store_idx %arg38[%add3A_630], %gather3A_623 : memref<8192xf32, #tpu.memory_space<vmem>>[vector<16xi32>], vector<16xf32>,
      %lt3A_631 = arith.constant 61 : i32
      %lt3A_632 = arith.cmpi slt, %add3A_448, %lt3A_631 : i32
      %convert_element_type3A_633 = arith.extui %lt3A_632 : i1 to i32
      %cond3A_634 = arith.constant 0 : i32
      %cond3A_635 = arith.cmpi ne, %convert_element_type3A_633, %cond3A_634 : i32
      scf.if %cond3A_635 {
        %add3A_1018 = arith.constant 4 : i32
        %add3A_1019 = arith.addi %add3A_448, %add3A_1018 : i32
        %sub3A_1020 = arith.constant 1 : i32
        %sub3A_1021 = arith.subi %add3A_1019, %sub3A_1020 : i32
        %jit3A_1022 = arith.constant 2 : i32
        %div3A_1023 = arith.divsi %sub3A_1021, %jit3A_1022 : i32
        %sign3A_1024 = arith.constant 0 : i32
        %sign3A_1025 = arith.cmpi sgt, %sub3A_1021, %sign3A_1024 : i32
        %sign3A_1026 = arith.extui %sign3A_1025 : i1 to i32
        %sign3A_1027 = arith.constant 0 : i32
        %sign3A_1028 = arith.cmpi slt, %sub3A_1021, %sign3A_1027 : i32
        %sign3A_1029 = arith.extui %sign3A_1028 : i1 to i32
        %sign3A_1030 = arith.subi %sign3A_1026, %sign3A_1029 : i32
        %sign3A_1031 = arith.constant 0 : i32
        %sign3A_1032 = arith.cmpi sgt, %jit3A_1022, %sign3A_1031 : i32
        %sign3A_1033 = arith.extui %sign3A_1032 : i1 to i32
        %sign3A_1034 = arith.constant 0 : i32
        %sign3A_1035 = arith.cmpi slt, %jit3A_1022, %sign3A_1034 : i32
        %sign3A_1036 = arith.extui %sign3A_1035 : i1 to i32
        %sign3A_1037 = arith.subi %sign3A_1033, %sign3A_1036 : i32
        %ne3A_1038 = arith.cmpi ne, %sign3A_1030, %sign3A_1037 : i32
        %rem3A_1039 = arith.remsi %sub3A_1021, %jit3A_1022 : i32
        %ne3A_1040 = arith.constant 0 : i32
        %ne3A_1041 = arith.cmpi ne, %rem3A_1039, %ne3A_1040 : i32
        %and3A_1042 = arith.andi %ne3A_1038, %ne3A_1041 : i1
        %sub3A_1043 = arith.constant 1 : i32
        %sub3A_1044 = arith.subi %div3A_1023, %sub3A_1043 : i32
        %select_n3A_1045 = arith.select %and3A_1042, %sub3A_1044, %div3A_1023 : i32
        %mul3A_1046 = arith.constant 16 : i32
        %mul3A_1047 = arith.muli %select_n3A_1045, %mul3A_1046 : i32
        %get3A_1048 = arith.index_cast %mul3A_1047 : i32 to index
        %get3A_1049 = tpu.vector_load %arg5[%get3A_1048] {strides = array<i32>} : memref<512xi32, #tpu.memory_space<vmem>>, vector<16xi32>,
        %slice3A_1050 = vector.extract_strided_slice %get3A_1049 {offsets = [0], sizes = [1], strides = [1]} : vector<16xi32> to vector<1xi32>
        %squeeze3A_1051 = vector.extract %slice3A_1050[0] : i32 from vector<1xi32>
        %and3A_1052 = arith.constant 127 : i32
        %and3A_1053 = arith.andi %squeeze3A_1051, %and3A_1052 : i32
        %sub3A_1054 = arith.subi %squeeze3A_1051, %and3A_1053 : i32
        %multiple_of3A_1055 = tpu.assume_multiple %sub3A_1054, 128 : i32
        %dma_start3A_1056 = arith.constant 0 : i32
        %dma_start3A_1057 = tpu.memref_slice %arg3[%dma_start3A_1056, %multiple_of3A_1055] : memref<16x1000000xf32, #tpu.memory_space<hbm>> -> memref<16x128xf32, #tpu.memory_space<hbm>>
        %dma_start3A_1058 = arith.constant 0 : i32
        %dma_start3A_1059 = tpu.memref_slice %arg3[%dma_start3A_1058, %multiple_of3A_1055] : memref<16x1000000xf32, #tpu.memory_space<hbm>> -> memref<16x128xf32, #tpu.memory_space<hbm>>
        tpu.enqueue_dma source(%dma_start3A_1059 : memref<16x128xf32, #tpu.memory_space<hbm>>) target(%arg6 : memref<16x128xf32, #tpu.memory_space<vmem>>) target_semaphore(%arg39 : memref<!tpu.dma_semaphore, #tpu.memory_space<semaphore_mem>>)
        %slice3A_1060 = vector.extract_strided_slice %get3A_1049 {offsets = [1], sizes = [1], strides = [1]} : vector<16xi32> to vector<1xi32>
        %squeeze3A_1061 = vector.extract %slice3A_1060[0] : i32 from vector<1xi32>
        %and3A_1062 = arith.constant 127 : i32
        %and3A_1063 = arith.andi %squeeze3A_1061, %and3A_1062 : i32
        %sub3A_1064 = arith.subi %squeeze3A_1061, %and3A_1063 : i32
        %multiple_of3A_1065 = tpu.assume_multiple %sub3A_1064, 128 : i32
        %dma_start3A_1066 = arith.constant 0 : i32
        %dma_start3A_1067 = tpu.memref_slice %arg3[%dma_start3A_1066, %multiple_of3A_1065] : memref<16x1000000xf32, #tpu.memory_space<hbm>> -> memref<16x128xf32, #tpu.memory_space<hbm>>
        %dma_start3A_1068 = arith.constant 0 : i32
        %dma_start3A_1069 = tpu.memref_slice %arg3[%dma_start3A_1068, %multiple_of3A_1065] : memref<16x1000000xf32, #tpu.memory_space<hbm>> -> memref<16x128xf32, #tpu.memory_space<hbm>>
        tpu.enqueue_dma source(%dma_start3A_1069 : memref<16x128xf32, #tpu.memory_space<hbm>>) target(%arg7 : memref<16x128xf32, #tpu.memory_space<vmem>>) target_semaphore(%arg39 : memref<!tpu.dma_semaphore, #tpu.memory_space<semaphore_mem>>)
        %slice3A_1070 = vector.extract_strided_slice %get3A_1049 {offsets = [2], sizes = [1], strides = [1]} : vector<16xi32> to vector<1xi32>
        %squeeze3A_1071 = vector.extract %slice3A_1070[0] : i32 from vector<1xi32>
        %and3A_1072 = arith.constant 127 : i32
        %and3A_1073 = arith.andi %squeeze3A_1071, %and3A_1072 : i32
        %sub3A_1074 = arith.subi %squeeze3A_1071, %and3A_1073 : i32
        %multiple_of3A_1075 = tpu.assume_multiple %sub3A_1074, 128 : i32
        %dma_start3A_1076 = arith.constant 0 : i32
        %dma_start3A_1077 = tpu.memref_slice %arg3[%dma_start3A_1076, %multiple_of3A_1075] : memref<16x1000000xf32, #tpu.memory_space<hbm>> -> memref<16x128xf32, #tpu.memory_space<hbm>>
        %dma_start3A_1078 = arith.constant 0 : i32
        %dma_start3A_1079 = tpu.memref_slice %arg3[%dma_start3A_1078, %multiple_of3A_1075] : memref<16x1000000xf32, #tpu.memory_space<hbm>> -> memref<16x128xf32, #tpu.memory_space<hbm>>
        tpu.enqueue_dma source(%dma_start3A_1079 : memref<16x128xf32, #tpu.memory_space<hbm>>) target(%arg8 : memref<16x128xf32, #tpu.memory_space<vmem>>) target_semaphore(%arg39 : memref<!tpu.dma_semaphore, #tpu.memory_space<semaphore_mem>>)
        %slice3A_1080 = vector.extract_strided_slice %get3A_1049 {offsets = [3], sizes = [1], strides = [1]} : vector<16xi32> to vector<1xi32>
        %squeeze3A_1081 = vector.extract %slice3A_1080[0] : i32 from vector<1xi32>
        %and3A_1082 = arith.constant 127 : i32
        %and3A_1083 = arith.andi %squeeze3A_1081, %and3A_1082 : i32
        %sub3A_1084 = arith.subi %squeeze3A_1081, %and3A_1083 : i32
        %multiple_of3A_1085 = tpu.assume_multiple %sub3A_1084, 128 : i32
        %dma_start3A_1086 = arith.constant 0 : i32
        %dma_start3A_1087 = tpu.memref_slice %arg3[%dma_start3A_1086, %multiple_of3A_1085] : memref<16x1000000xf32, #tpu.memory_space<hbm>> -> memref<16x128xf32, #tpu.memory_space<hbm>>
        %dma_start3A_1088 = arith.constant 0 : i32
        %dma_start3A_1089 = tpu.memref_slice %arg3[%dma_start3A_1088, %multiple_of3A_1085] : memref<16x1000000xf32, #tpu.memory_space<hbm>> -> memref<16x128xf32, #tpu.memory_space<hbm>>
        tpu.enqueue_dma source(%dma_start3A_1089 : memref<16x128xf32, #tpu.memory_space<hbm>>) target(%arg9 : memref<16x128xf32, #tpu.memory_space<vmem>>) target_semaphore(%arg39 : memref<!tpu.dma_semaphore, #tpu.memory_space<semaphore_mem>>)
        %slice3A_1090 = vector.extract_strided_slice %get3A_1049 {offsets = [4], sizes = [1], strides = [1]} : vector<16xi32> to vector<1xi32>
        %squeeze3A_1091 = vector.extract %slice3A_1090[0] : i32 from vector<1xi32>
        %and3A_1092 = arith.constant 127 : i32
        %and3A_1093 = arith.andi %squeeze3A_1091, %and3A_1092 : i32
        %sub3A_1094 = arith.subi %squeeze3A_1091, %and3A_1093 : i32
        %multiple_of3A_1095 = tpu.assume_multiple %sub3A_1094, 128 : i32
        %dma_start3A_1096 = arith.constant 0 : i32
        %dma_start3A_1097 = tpu.memref_slice %arg3[%dma_start3A_1096, %multiple_of3A_1095] : memref<16x1000000xf32, #tpu.memory_space<hbm>> -> memref<16x128xf32, #tpu.memory_space<hbm>>
        %dma_start3A_1098 = arith.constant 0 : i32
        %dma_start3A_1099 = tpu.memref_slice %arg3[%dma_start3A_1098, %multiple_of3A_1095] : memref<16x1000000xf32, #tpu.memory_space<hbm>> -> memref<16x128xf32, #tpu.memory_space<hbm>>
        tpu.enqueue_dma source(%dma_start3A_1099 : memref<16x128xf32, #tpu.memory_space<hbm>>) target(%arg10 : memref<16x128xf32, #tpu.memory_space<vmem>>) target_semaphore(%arg39 : memref<!tpu.dma_semaphore, #tpu.memory_space<semaphore_mem>>)
        %slice3A_1100 = vector.extract_strided_slice %get3A_1049 {offsets = [5], sizes = [1], strides = [1]} : vector<16xi32> to vector<1xi32>
        %squeeze3A_1101 = vector.extract %slice3A_1100[0] : i32 from vector<1xi32>
        %and3A_1102 = arith.constant 127 : i32
        %and3A_1103 = arith.andi %squeeze3A_1101, %and3A_1102 : i32
        %sub3A_1104 = arith.subi %squeeze3A_1101, %and3A_1103 : i32
        %multiple_of3A_1105 = tpu.assume_multiple %sub3A_1104, 128 : i32
        %dma_start3A_1106 = arith.constant 0 : i32
        %dma_start3A_1107 = tpu.memref_slice %arg3[%dma_start3A_1106, %multiple_of3A_1105] : memref<16x1000000xf32, #tpu.memory_space<hbm>> -> memref<16x128xf32, #tpu.memory_space<hbm>>
        %dma_start3A_1108 = arith.constant 0 : i32
        %dma_start3A_1109 = tpu.memref_slice %arg3[%dma_start3A_1108, %multiple_of3A_1105] : memref<16x1000000xf32, #tpu.memory_space<hbm>> -> memref<16x128xf32, #tpu.memory_space<hbm>>
        tpu.enqueue_dma source(%dma_start3A_1109 : memref<16x128xf32, #tpu.memory_space<hbm>>) target(%arg11 : memref<16x128xf32, #tpu.memory_space<vmem>>) target_semaphore(%arg39 : memref<!tpu.dma_semaphore, #tpu.memory_space<semaphore_mem>>)
        %slice3A_1110 = vector.extract_strided_slice %get3A_1049 {offsets = [6], sizes = [1], strides = [1]} : vector<16xi32> to vector<1xi32>
        %squeeze3A_1111 = vector.extract %slice3A_1110[0] : i32 from vector<1xi32>
        %and3A_1112 = arith.constant 127 : i32
        %and3A_1113 = arith.andi %squeeze3A_1111, %and3A_1112 : i32
        %sub3A_1114 = arith.subi %squeeze3A_1111, %and3A_1113 : i32
        %multiple_of3A_1115 = tpu.assume_multiple %sub3A_1114, 128 : i32
        %dma_start3A_1116 = arith.constant 0 : i32
        %dma_start3A_1117 = tpu.memref_slice %arg3[%dma_start3A_1116, %multiple_of3A_1115] : memref<16x1000000xf32, #tpu.memory_space<hbm>> -> memref<16x128xf32, #tpu.memory_space<hbm>>
        %dma_start3A_1118 = arith.constant 0 : i32
        %dma_start3A_1119 = tpu.memref_slice %arg3[%dma_start3A_1118, %multiple_of3A_1115] : memref<16x1000000xf32, #tpu.memory_space<hbm>> -> memref<16x128xf32, #tpu.memory_space<hbm>>
        tpu.enqueue_dma source(%dma_start3A_1119 : memref<16x128xf32, #tpu.memory_space<hbm>>) target(%arg12 : memref<16x128xf32, #tpu.memory_space<vmem>>) target_semaphore(%arg39 : memref<!tpu.dma_semaphore, #tpu.memory_space<semaphore_mem>>)
        %slice3A_1120 = vector.extract_strided_slice %get3A_1049 {offsets = [7], sizes = [1], strides = [1]} : vector<16xi32> to vector<1xi32>
        %squeeze3A_1121 = vector.extract %slice3A_1120[0] : i32 from vector<1xi32>
        %and3A_1122 = arith.constant 127 : i32
        %and3A_1123 = arith.andi %squeeze3A_1121, %and3A_1122 : i32
        %sub3A_1124 = arith.subi %squeeze3A_1121, %and3A_1123 : i32
        %multiple_of3A_1125 = tpu.assume_multiple %sub3A_1124, 128 : i32
        %dma_start3A_1126 = arith.constant 0 : i32
        %dma_start3A_1127 = tpu.memref_slice %arg3[%dma_start3A_1126, %multiple_of3A_1125] : memref<16x1000000xf32, #tpu.memory_space<hbm>> -> memref<16x128xf32, #tpu.memory_space<hbm>>
        %dma_start3A_1128 = arith.constant 0 : i32
        %dma_start3A_1129 = tpu.memref_slice %arg3[%dma_start3A_1128, %multiple_of3A_1125] : memref<16x1000000xf32, #tpu.memory_space<hbm>> -> memref<16x128xf32, #tpu.memory_space<hbm>>
        tpu.enqueue_dma source(%dma_start3A_1129 : memref<16x128xf32, #tpu.memory_space<hbm>>) target(%arg13 : memref<16x128xf32, #tpu.memory_space<vmem>>) target_semaphore(%arg39 : memref<!tpu.dma_semaphore, #tpu.memory_space<semaphore_mem>>)
      } else {
      }
      %mul3A_636 = arith.constant 4 : i32
      %mul3A_637 = arith.muli %add3A_265, %mul3A_636 : i32
      %add3A_638 = arith.constant 2 : i32
      %add3A_639 = arith.addi %mul3A_637, %add3A_638 : i32
      %dma_wait3A_640 = arith.constant 0 : i32
      %dma_wait3A_641 = arith.constant 0 : i32
      %dma_wait3A_642 = tpu.memref_slice %arg3[%dma_wait3A_640, %dma_wait3A_641] : memref<16x1000000xf32, #tpu.memory_space<hbm>> -> memref<16x128xf32, #tpu.memory_space<hbm>>
      %dma_wait3A_643 = arith.constant 0 : i32
      %dma_wait3A_644 = arith.constant 0 : i32
      %dma_wait3A_645 = tpu.memref_slice %arg3[%dma_wait3A_643, %dma_wait3A_644] : memref<16x1000000xf32, #tpu.memory_space<hbm>> -> memref<16x128xf32, #tpu.memory_space<hbm>>
      tpu.wait_dma2 semaphore(%arg41 : memref<!tpu.dma_semaphore, #tpu.memory_space<semaphore_mem>>) src(%dma_wait3A_645 : memref<16x128xf32, #tpu.memory_space<hbm>>) dst(%arg22 : memref<16x128xf32, #tpu.memory_space<vmem>>)
      %dma_wait3A_646 = arith.constant 0 : i32
      %dma_wait3A_647 = arith.constant 0 : i32
      %dma_wait3A_648 = tpu.memref_slice %arg3[%dma_wait3A_646, %dma_wait3A_647] : memref<16x1000000xf32, #tpu.memory_space<hbm>> -> memref<16x128xf32, #tpu.memory_space<hbm>>
      %dma_wait3A_649 = arith.constant 0 : i32
      %dma_wait3A_650 = arith.constant 0 : i32
      %dma_wait3A_651 = tpu.memref_slice %arg3[%dma_wait3A_649, %dma_wait3A_650] : memref<16x1000000xf32, #tpu.memory_space<hbm>> -> memref<16x128xf32, #tpu.memory_space<hbm>>
      tpu.wait_dma2 semaphore(%arg41 : memref<!tpu.dma_semaphore, #tpu.memory_space<semaphore_mem>>) src(%dma_wait3A_651 : memref<16x128xf32, #tpu.memory_space<hbm>>) dst(%arg23 : memref<16x128xf32, #tpu.memory_space<vmem>>)
      %dma_wait3A_652 = arith.constant 0 : i32
      %dma_wait3A_653 = arith.constant 0 : i32
      %dma_wait3A_654 = tpu.memref_slice %arg3[%dma_wait3A_652, %dma_wait3A_653] : memref<16x1000000xf32, #tpu.memory_space<hbm>> -> memref<16x128xf32, #tpu.memory_space<hbm>>
      %dma_wait3A_655 = arith.constant 0 : i32
      %dma_wait3A_656 = arith.constant 0 : i32
      %dma_wait3A_657 = tpu.memref_slice %arg3[%dma_wait3A_655, %dma_wait3A_656] : memref<16x1000000xf32, #tpu.memory_space<hbm>> -> memref<16x128xf32, #tpu.memory_space<hbm>>
      tpu.wait_dma2 semaphore(%arg41 : memref<!tpu.dma_semaphore, #tpu.memory_space<semaphore_mem>>) src(%dma_wait3A_657 : memref<16x128xf32, #tpu.memory_space<hbm>>) dst(%arg24 : memref<16x128xf32, #tpu.memory_space<vmem>>)
      %dma_wait3A_658 = arith.constant 0 : i32
      %dma_wait3A_659 = arith.constant 0 : i32
      %dma_wait3A_660 = tpu.memref_slice %arg3[%dma_wait3A_658, %dma_wait3A_659] : memref<16x1000000xf32, #tpu.memory_space<hbm>> -> memref<16x128xf32, #tpu.memory_space<hbm>>
      %dma_wait3A_661 = arith.constant 0 : i32
      %dma_wait3A_662 = arith.constant 0 : i32
      %dma_wait3A_663 = tpu.memref_slice %arg3[%dma_wait3A_661, %dma_wait3A_662] : memref<16x1000000xf32, #tpu.memory_space<hbm>> -> memref<16x128xf32, #tpu.memory_space<hbm>>
      tpu.wait_dma2 semaphore(%arg41 : memref<!tpu.dma_semaphore, #tpu.memory_space<semaphore_mem>>) src(%dma_wait3A_663 : memref<16x128xf32, #tpu.memory_space<hbm>>) dst(%arg25 : memref<16x128xf32, #tpu.memory_space<vmem>>)
      %dma_wait3A_664 = arith.constant 0 : i32
      %dma_wait3A_665 = arith.constant 0 : i32
      %dma_wait3A_666 = tpu.memref_slice %arg3[%dma_wait3A_664, %dma_wait3A_665] : memref<16x1000000xf32, #tpu.memory_space<hbm>> -> memref<16x128xf32, #tpu.memory_space<hbm>>
      %dma_wait3A_667 = arith.constant 0 : i32
      %dma_wait3A_668 = arith.constant 0 : i32
      %dma_wait3A_669 = tpu.memref_slice %arg3[%dma_wait3A_667, %dma_wait3A_668] : memref<16x1000000xf32, #tpu.memory_space<hbm>> -> memref<16x128xf32, #tpu.memory_space<hbm>>
      tpu.wait_dma2 semaphore(%arg41 : memref<!tpu.dma_semaphore, #tpu.memory_space<semaphore_mem>>) src(%dma_wait3A_669 : memref<16x128xf32, #tpu.memory_space<hbm>>) dst(%arg26 : memref<16x128xf32, #tpu.memory_space<vmem>>)
      %dma_wait3A_670 = arith.constant 0 : i32
      %dma_wait3A_671 = arith.constant 0 : i32
      %dma_wait3A_672 = tpu.memref_slice %arg3[%dma_wait3A_670, %dma_wait3A_671] : memref<16x1000000xf32, #tpu.memory_space<hbm>> -> memref<16x128xf32, #tpu.memory_space<hbm>>
      %dma_wait3A_673 = arith.constant 0 : i32
      %dma_wait3A_674 = arith.constant 0 : i32
      %dma_wait3A_675 = tpu.memref_slice %arg3[%dma_wait3A_673, %dma_wait3A_674] : memref<16x1000000xf32, #tpu.memory_space<hbm>> -> memref<16x128xf32, #tpu.memory_space<hbm>>
      tpu.wait_dma2 semaphore(%arg41 : memref<!tpu.dma_semaphore, #tpu.memory_space<semaphore_mem>>) src(%dma_wait3A_675 : memref<16x128xf32, #tpu.memory_space<hbm>>) dst(%arg27 : memref<16x128xf32, #tpu.memory_space<vmem>>)
      %dma_wait3A_676 = arith.constant 0 : i32
      %dma_wait3A_677 = arith.constant 0 : i32
      %dma_wait3A_678 = tpu.memref_slice %arg3[%dma_wait3A_676, %dma_wait3A_677] : memref<16x1000000xf32, #tpu.memory_space<hbm>> -> memref<16x128xf32, #tpu.memory_space<hbm>>
      %dma_wait3A_679 = arith.constant 0 : i32
      %dma_wait3A_680 = arith.constant 0 : i32
      %dma_wait3A_681 = tpu.memref_slice %arg3[%dma_wait3A_679, %dma_wait3A_680] : memref<16x1000000xf32, #tpu.memory_space<hbm>> -> memref<16x128xf32, #tpu.memory_space<hbm>>
      tpu.wait_dma2 semaphore(%arg41 : memref<!tpu.dma_semaphore, #tpu.memory_space<semaphore_mem>>) src(%dma_wait3A_681 : memref<16x128xf32, #tpu.memory_space<hbm>>) dst(%arg28 : memref<16x128xf32, #tpu.memory_space<vmem>>)
      %dma_wait3A_682 = arith.constant 0 : i32
      %dma_wait3A_683 = arith.constant 0 : i32
      %dma_wait3A_684 = tpu.memref_slice %arg3[%dma_wait3A_682, %dma_wait3A_683] : memref<16x1000000xf32, #tpu.memory_space<hbm>> -> memref<16x128xf32, #tpu.memory_space<hbm>>
      %dma_wait3A_685 = arith.constant 0 : i32
      %dma_wait3A_686 = arith.constant 0 : i32
      %dma_wait3A_687 = tpu.memref_slice %arg3[%dma_wait3A_685, %dma_wait3A_686] : memref<16x1000000xf32, #tpu.memory_space<hbm>> -> memref<16x128xf32, #tpu.memory_space<hbm>>
      tpu.wait_dma2 semaphore(%arg41 : memref<!tpu.dma_semaphore, #tpu.memory_space<semaphore_mem>>) src(%dma_wait3A_687 : memref<16x128xf32, #tpu.memory_space<hbm>>) dst(%arg29 : memref<16x128xf32, #tpu.memory_space<vmem>>)
      %jit3A_688 = arith.constant 2 : i32
      %div3A_689 = arith.divsi %add3A_639, %jit3A_688 : i32
      %sign3A_690 = arith.constant 0 : i32
      %sign3A_691 = arith.cmpi sgt, %add3A_639, %sign3A_690 : i32
      %sign3A_692 = arith.extui %sign3A_691 : i1 to i32
      %sign3A_693 = arith.constant 0 : i32
      %sign3A_694 = arith.cmpi slt, %add3A_639, %sign3A_693 : i32
      %sign3A_695 = arith.extui %sign3A_694 : i1 to i32
      %sign3A_696 = arith.subi %sign3A_692, %sign3A_695 : i32
      %sign3A_697 = arith.constant 0 : i32
      %sign3A_698 = arith.cmpi sgt, %jit3A_688, %sign3A_697 : i32
      %sign3A_699 = arith.extui %sign3A_698 : i1 to i32
      %sign3A_700 = arith.constant 0 : i32
      %sign3A_701 = arith.cmpi slt, %jit3A_688, %sign3A_700 : i32
      %sign3A_702 = arith.extui %sign3A_701 : i1 to i32
      %sign3A_703 = arith.subi %sign3A_699, %sign3A_702 : i32
      %ne3A_704 = arith.cmpi ne, %sign3A_696, %sign3A_703 : i32
      %rem3A_705 = arith.remsi %add3A_639, %jit3A_688 : i32
      %ne3A_706 = arith.constant 0 : i32
      %ne3A_707 = arith.cmpi ne, %rem3A_705, %ne3A_706 : i32
      %and3A_708 = arith.andi %ne3A_704, %ne3A_707 : i1
      %sub3A_709 = arith.constant 1 : i32
      %sub3A_710 = arith.subi %div3A_689, %sub3A_709 : i32
      %select_n3A_711 = arith.select %and3A_708, %sub3A_710, %div3A_689 : i32
      %mul3A_712 = arith.constant 16 : i32
      %mul3A_713 = arith.muli %select_n3A_711, %mul3A_712 : i32
      %get3A_714 = arith.index_cast %mul3A_713 : i32 to index
      %get3A_715 = tpu.vector_load %arg5[%get3A_714] {strides = array<i32>} : memref<512xi32, #tpu.memory_space<vmem>>, vector<16xi32>,
      %mul3A_716 = arith.constant 8 : i32
      %mul3A_717 = arith.muli %add3A_639, %mul3A_716 : i32
      %slice3A_718 = vector.extract_strided_slice %get3A_715 {offsets = [0], sizes = [1], strides = [1]} : vector<16xi32> to vector<1xi32>
      %squeeze3A_719 = vector.extract %slice3A_718[0] : i32 from vector<1xi32>
      %and3A_720 = arith.constant 127 : i32
      %and3A_721 = arith.andi %squeeze3A_719, %and3A_720 : i32
      %broadcast_in_dim3A_722 = vector.broadcast %and3A_721 : i32 to vector<16xi32>
      %gather3A_723 = tpu.vector_load_idx %arg22[%iota3A, %broadcast_in_dim3A_722] : memref<16x128xf32, #tpu.memory_space<vmem>>[vector<16xi32>, vector<16xi32>], vector<16xf32>,
      %mul3A_724 = arith.constant 512 : i32
      %mul3A_725 = vector.broadcast %mul3A_724 : i32 to vector<16xi32>
      %mul3A_726 = arith.muli %iota3A, %mul3A_725 : vector<16xi32>
      %add3A_727 = arith.constant 0 : i32
      %add3A_728 = arith.addi %mul3A_717, %add3A_727 : i32
      %add3A_729 = vector.broadcast %add3A_728 : i32 to vector<16xi32>
      %add3A_730 = arith.addi %mul3A_726, %add3A_729 : vector<16xi32>
      tpu.vector_store_idx %arg38[%add3A_730], %gather3A_723 : memref<8192xf32, #tpu.memory_space<vmem>>[vector<16xi32>], vector<16xf32>,
      %slice3A_731 = vector.extract_strided_slice %get3A_715 {offsets = [1], sizes = [1], strides = [1]} : vector<16xi32> to vector<1xi32>
      %squeeze3A_732 = vector.extract %slice3A_731[0] : i32 from vector<1xi32>
      %and3A_733 = arith.constant 127 : i32
      %and3A_734 = arith.andi %squeeze3A_732, %and3A_733 : i32
      %broadcast_in_dim3A_735 = vector.broadcast %and3A_734 : i32 to vector<16xi32>
      %gather3A_736 = tpu.vector_load_idx %arg23[%iota3A, %broadcast_in_dim3A_735] : memref<16x128xf32, #tpu.memory_space<vmem>>[vector<16xi32>, vector<16xi32>], vector<16xf32>,
      %mul3A_737 = arith.constant 512 : i32
      %mul3A_738 = vector.broadcast %mul3A_737 : i32 to vector<16xi32>
      %mul3A_739 = arith.muli %iota3A, %mul3A_738 : vector<16xi32>
      %add3A_740 = arith.constant 1 : i32
      %add3A_741 = arith.addi %mul3A_717, %add3A_740 : i32
      %add3A_742 = vector.broadcast %add3A_741 : i32 to vector<16xi32>
      %add3A_743 = arith.addi %mul3A_739, %add3A_742 : vector<16xi32>
      tpu.vector_store_idx %arg38[%add3A_743], %gather3A_736 : memref<8192xf32, #tpu.memory_space<vmem>>[vector<16xi32>], vector<16xf32>,
      %slice3A_744 = vector.extract_strided_slice %get3A_715 {offsets = [2], sizes = [1], strides = [1]} : vector<16xi32> to vector<1xi32>
      %squeeze3A_745 = vector.extract %slice3A_744[0] : i32 from vector<1xi32>
      %and3A_746 = arith.constant 127 : i32
      %and3A_747 = arith.andi %squeeze3A_745, %and3A_746 : i32
      %broadcast_in_dim3A_748 = vector.broadcast %and3A_747 : i32 to vector<16xi32>
      %gather3A_749 = tpu.vector_load_idx %arg24[%iota3A, %broadcast_in_dim3A_748] : memref<16x128xf32, #tpu.memory_space<vmem>>[vector<16xi32>, vector<16xi32>], vector<16xf32>,
      %mul3A_750 = arith.constant 512 : i32
      %mul3A_751 = vector.broadcast %mul3A_750 : i32 to vector<16xi32>
      %mul3A_752 = arith.muli %iota3A, %mul3A_751 : vector<16xi32>
      %add3A_753 = arith.constant 2 : i32
      %add3A_754 = arith.addi %mul3A_717, %add3A_753 : i32
      %add3A_755 = vector.broadcast %add3A_754 : i32 to vector<16xi32>
      %add3A_756 = arith.addi %mul3A_752, %add3A_755 : vector<16xi32>
      tpu.vector_store_idx %arg38[%add3A_756], %gather3A_749 : memref<8192xf32, #tpu.memory_space<vmem>>[vector<16xi32>], vector<16xf32>,
      %slice3A_757 = vector.extract_strided_slice %get3A_715 {offsets = [3], sizes = [1], strides = [1]} : vector<16xi32> to vector<1xi32>
      %squeeze3A_758 = vector.extract %slice3A_757[0] : i32 from vector<1xi32>
      %and3A_759 = arith.constant 127 : i32
      %and3A_760 = arith.andi %squeeze3A_758, %and3A_759 : i32
      %broadcast_in_dim3A_761 = vector.broadcast %and3A_760 : i32 to vector<16xi32>
      %gather3A_762 = tpu.vector_load_idx %arg25[%iota3A, %broadcast_in_dim3A_761] : memref<16x128xf32, #tpu.memory_space<vmem>>[vector<16xi32>, vector<16xi32>], vector<16xf32>,
      %mul3A_763 = arith.constant 512 : i32
      %mul3A_764 = vector.broadcast %mul3A_763 : i32 to vector<16xi32>
      %mul3A_765 = arith.muli %iota3A, %mul3A_764 : vector<16xi32>
      %add3A_766 = arith.constant 3 : i32
      %add3A_767 = arith.addi %mul3A_717, %add3A_766 : i32
      %add3A_768 = vector.broadcast %add3A_767 : i32 to vector<16xi32>
      %add3A_769 = arith.addi %mul3A_765, %add3A_768 : vector<16xi32>
      tpu.vector_store_idx %arg38[%add3A_769], %gather3A_762 : memref<8192xf32, #tpu.memory_space<vmem>>[vector<16xi32>], vector<16xf32>,
      %slice3A_770 = vector.extract_strided_slice %get3A_715 {offsets = [4], sizes = [1], strides = [1]} : vector<16xi32> to vector<1xi32>
      %squeeze3A_771 = vector.extract %slice3A_770[0] : i32 from vector<1xi32>
      %and3A_772 = arith.constant 127 : i32
      %and3A_773 = arith.andi %squeeze3A_771, %and3A_772 : i32
      %broadcast_in_dim3A_774 = vector.broadcast %and3A_773 : i32 to vector<16xi32>
      %gather3A_775 = tpu.vector_load_idx %arg26[%iota3A, %broadcast_in_dim3A_774] : memref<16x128xf32, #tpu.memory_space<vmem>>[vector<16xi32>, vector<16xi32>], vector<16xf32>,
      %mul3A_776 = arith.constant 512 : i32
      %mul3A_777 = vector.broadcast %mul3A_776 : i32 to vector<16xi32>
      %mul3A_778 = arith.muli %iota3A, %mul3A_777 : vector<16xi32>
      %add3A_779 = arith.constant 4 : i32
      %add3A_780 = arith.addi %mul3A_717, %add3A_779 : i32
      %add3A_781 = vector.broadcast %add3A_780 : i32 to vector<16xi32>
      %add3A_782 = arith.addi %mul3A_778, %add3A_781 : vector<16xi32>
      tpu.vector_store_idx %arg38[%add3A_782], %gather3A_775 : memref<8192xf32, #tpu.memory_space<vmem>>[vector<16xi32>], vector<16xf32>,
      %slice3A_783 = vector.extract_strided_slice %get3A_715 {offsets = [5], sizes = [1], strides = [1]} : vector<16xi32> to vector<1xi32>
      %squeeze3A_784 = vector.extract %slice3A_783[0] : i32 from vector<1xi32>
      %and3A_785 = arith.constant 127 : i32
      %and3A_786 = arith.andi %squeeze3A_784, %and3A_785 : i32
      %broadcast_in_dim3A_787 = vector.broadcast %and3A_786 : i32 to vector<16xi32>
      %gather3A_788 = tpu.vector_load_idx %arg27[%iota3A, %broadcast_in_dim3A_787] : memref<16x128xf32, #tpu.memory_space<vmem>>[vector<16xi32>, vector<16xi32>], vector<16xf32>,
      %mul3A_789 = arith.constant 512 : i32
      %mul3A_790 = vector.broadcast %mul3A_789 : i32 to vector<16xi32>
      %mul3A_791 = arith.muli %iota3A, %mul3A_790 : vector<16xi32>
      %add3A_792 = arith.constant 5 : i32
      %add3A_793 = arith.addi %mul3A_717, %add3A_792 : i32
      %add3A_794 = vector.broadcast %add3A_793 : i32 to vector<16xi32>
      %add3A_795 = arith.addi %mul3A_791, %add3A_794 : vector<16xi32>
      tpu.vector_store_idx %arg38[%add3A_795], %gather3A_788 : memref<8192xf32, #tpu.memory_space<vmem>>[vector<16xi32>], vector<16xf32>,
      %slice3A_796 = vector.extract_strided_slice %get3A_715 {offsets = [6], sizes = [1], strides = [1]} : vector<16xi32> to vector<1xi32>
      %squeeze3A_797 = vector.extract %slice3A_796[0] : i32 from vector<1xi32>
      %and3A_798 = arith.constant 127 : i32
      %and3A_799 = arith.andi %squeeze3A_797, %and3A_798 : i32
      %broadcast_in_dim3A_800 = vector.broadcast %and3A_799 : i32 to vector<16xi32>
      %gather3A_801 = tpu.vector_load_idx %arg28[%iota3A, %broadcast_in_dim3A_800] : memref<16x128xf32, #tpu.memory_space<vmem>>[vector<16xi32>, vector<16xi32>], vector<16xf32>,
      %mul3A_802 = arith.constant 512 : i32
      %mul3A_803 = vector.broadcast %mul3A_802 : i32 to vector<16xi32>
      %mul3A_804 = arith.muli %iota3A, %mul3A_803 : vector<16xi32>
      %add3A_805 = arith.constant 6 : i32
      %add3A_806 = arith.addi %mul3A_717, %add3A_805 : i32
      %add3A_807 = vector.broadcast %add3A_806 : i32 to vector<16xi32>
      %add3A_808 = arith.addi %mul3A_804, %add3A_807 : vector<16xi32>
      tpu.vector_store_idx %arg38[%add3A_808], %gather3A_801 : memref<8192xf32, #tpu.memory_space<vmem>>[vector<16xi32>], vector<16xf32>,
      %slice3A_809 = vector.extract_strided_slice %get3A_715 {offsets = [7], sizes = [1], strides = [1]} : vector<16xi32> to vector<1xi32>
      %squeeze3A_810 = vector.extract %slice3A_809[0] : i32 from vector<1xi32>
      %and3A_811 = arith.constant 127 : i32
      %and3A_812 = arith.andi %squeeze3A_810, %and3A_811 : i32
      %broadcast_in_dim3A_813 = vector.broadcast %and3A_812 : i32 to vector<16xi32>
      %gather3A_814 = tpu.vector_load_idx %arg29[%iota3A, %broadcast_in_dim3A_813] : memref<16x128xf32, #tpu.memory_space<vmem>>[vector<16xi32>, vector<16xi32>], vector<16xf32>,
      %mul3A_815 = arith.constant 512 : i32
      %mul3A_816 = vector.broadcast %mul3A_815 : i32 to vector<16xi32>
      %mul3A_817 = arith.muli %iota3A, %mul3A_816 : vector<16xi32>
      %add3A_818 = arith.constant 7 : i32
      %add3A_819 = arith.addi %mul3A_717, %add3A_818 : i32
      %add3A_820 = vector.broadcast %add3A_819 : i32 to vector<16xi32>
      %add3A_821 = arith.addi %mul3A_817, %add3A_820 : vector<16xi32>
      tpu.vector_store_idx %arg38[%add3A_821], %gather3A_814 : memref<8192xf32, #tpu.memory_space<vmem>>[vector<16xi32>], vector<16xf32>,
      %lt3A_822 = arith.constant 61 : i32
      %lt3A_823 = arith.cmpi slt, %add3A_639, %lt3A_822 : i32
      %convert_element_type3A_824 = arith.extui %lt3A_823 : i1 to i32
      %cond3A_825 = arith.constant 0 : i32
      %cond3A_826 = arith.cmpi ne, %convert_element_type3A_824, %cond3A_825 : i32
      scf.if %cond3A_826 {
        %add3A_1018 = arith.constant 4 : i32
        %add3A_1019 = arith.addi %add3A_639, %add3A_1018 : i32
        %sub3A_1020 = arith.constant 1 : i32
        %sub3A_1021 = arith.subi %add3A_1019, %sub3A_1020 : i32
        %jit3A_1022 = arith.constant 2 : i32
        %div3A_1023 = arith.divsi %sub3A_1021, %jit3A_1022 : i32
        %sign3A_1024 = arith.constant 0 : i32
        %sign3A_1025 = arith.cmpi sgt, %sub3A_1021, %sign3A_1024 : i32
        %sign3A_1026 = arith.extui %sign3A_1025 : i1 to i32
        %sign3A_1027 = arith.constant 0 : i32
        %sign3A_1028 = arith.cmpi slt, %sub3A_1021, %sign3A_1027 : i32
        %sign3A_1029 = arith.extui %sign3A_1028 : i1 to i32
        %sign3A_1030 = arith.subi %sign3A_1026, %sign3A_1029 : i32
        %sign3A_1031 = arith.constant 0 : i32
        %sign3A_1032 = arith.cmpi sgt, %jit3A_1022, %sign3A_1031 : i32
        %sign3A_1033 = arith.extui %sign3A_1032 : i1 to i32
        %sign3A_1034 = arith.constant 0 : i32
        %sign3A_1035 = arith.cmpi slt, %jit3A_1022, %sign3A_1034 : i32
        %sign3A_1036 = arith.extui %sign3A_1035 : i1 to i32
        %sign3A_1037 = arith.subi %sign3A_1033, %sign3A_1036 : i32
        %ne3A_1038 = arith.cmpi ne, %sign3A_1030, %sign3A_1037 : i32
        %rem3A_1039 = arith.remsi %sub3A_1021, %jit3A_1022 : i32
        %ne3A_1040 = arith.constant 0 : i32
        %ne3A_1041 = arith.cmpi ne, %rem3A_1039, %ne3A_1040 : i32
        %and3A_1042 = arith.andi %ne3A_1038, %ne3A_1041 : i1
        %sub3A_1043 = arith.constant 1 : i32
        %sub3A_1044 = arith.subi %div3A_1023, %sub3A_1043 : i32
        %select_n3A_1045 = arith.select %and3A_1042, %sub3A_1044, %div3A_1023 : i32
        %mul3A_1046 = arith.constant 16 : i32
        %mul3A_1047 = arith.muli %select_n3A_1045, %mul3A_1046 : i32
        %get3A_1048 = arith.index_cast %mul3A_1047 : i32 to index
        %get3A_1049 = tpu.vector_load %arg5[%get3A_1048] {strides = array<i32>} : memref<512xi32, #tpu.memory_space<vmem>>, vector<16xi32>,
        %slice3A_1050 = vector.extract_strided_slice %get3A_1049 {offsets = [8], sizes = [1], strides = [1]} : vector<16xi32> to vector<1xi32>
        %squeeze3A_1051 = vector.extract %slice3A_1050[0] : i32 from vector<1xi32>
        %and3A_1052 = arith.constant 127 : i32
        %and3A_1053 = arith.andi %squeeze3A_1051, %and3A_1052 : i32
        %sub3A_1054 = arith.subi %squeeze3A_1051, %and3A_1053 : i32
        %multiple_of3A_1055 = tpu.assume_multiple %sub3A_1054, 128 : i32
        %dma_start3A_1056 = arith.constant 0 : i32
        %dma_start3A_1057 = tpu.memref_slice %arg3[%dma_start3A_1056, %multiple_of3A_1055] : memref<16x1000000xf32, #tpu.memory_space<hbm>> -> memref<16x128xf32, #tpu.memory_space<hbm>>
        %dma_start3A_1058 = arith.constant 0 : i32
        %dma_start3A_1059 = tpu.memref_slice %arg3[%dma_start3A_1058, %multiple_of3A_1055] : memref<16x1000000xf32, #tpu.memory_space<hbm>> -> memref<16x128xf32, #tpu.memory_space<hbm>>
        tpu.enqueue_dma source(%dma_start3A_1059 : memref<16x128xf32, #tpu.memory_space<hbm>>) target(%arg14 : memref<16x128xf32, #tpu.memory_space<vmem>>) target_semaphore(%arg40 : memref<!tpu.dma_semaphore, #tpu.memory_space<semaphore_mem>>)
        %slice3A_1060 = vector.extract_strided_slice %get3A_1049 {offsets = [9], sizes = [1], strides = [1]} : vector<16xi32> to vector<1xi32>
        %squeeze3A_1061 = vector.extract %slice3A_1060[0] : i32 from vector<1xi32>
        %and3A_1062 = arith.constant 127 : i32
        %and3A_1063 = arith.andi %squeeze3A_1061, %and3A_1062 : i32
        %sub3A_1064 = arith.subi %squeeze3A_1061, %and3A_1063 : i32
        %multiple_of3A_1065 = tpu.assume_multiple %sub3A_1064, 128 : i32
        %dma_start3A_1066 = arith.constant 0 : i32
        %dma_start3A_1067 = tpu.memref_slice %arg3[%dma_start3A_1066, %multiple_of3A_1065] : memref<16x1000000xf32, #tpu.memory_space<hbm>> -> memref<16x128xf32, #tpu.memory_space<hbm>>
        %dma_start3A_1068 = arith.constant 0 : i32
        %dma_start3A_1069 = tpu.memref_slice %arg3[%dma_start3A_1068, %multiple_of3A_1065] : memref<16x1000000xf32, #tpu.memory_space<hbm>> -> memref<16x128xf32, #tpu.memory_space<hbm>>
        tpu.enqueue_dma source(%dma_start3A_1069 : memref<16x128xf32, #tpu.memory_space<hbm>>) target(%arg15 : memref<16x128xf32, #tpu.memory_space<vmem>>) target_semaphore(%arg40 : memref<!tpu.dma_semaphore, #tpu.memory_space<semaphore_mem>>)
        %slice3A_1070 = vector.extract_strided_slice %get3A_1049 {offsets = [10], sizes = [1], strides = [1]} : vector<16xi32> to vector<1xi32>
        %squeeze3A_1071 = vector.extract %slice3A_1070[0] : i32 from vector<1xi32>
        %and3A_1072 = arith.constant 127 : i32
        %and3A_1073 = arith.andi %squeeze3A_1071, %and3A_1072 : i32
        %sub3A_1074 = arith.subi %squeeze3A_1071, %and3A_1073 : i32
        %multiple_of3A_1075 = tpu.assume_multiple %sub3A_1074, 128 : i32
        %dma_start3A_1076 = arith.constant 0 : i32
        %dma_start3A_1077 = tpu.memref_slice %arg3[%dma_start3A_1076, %multiple_of3A_1075] : memref<16x1000000xf32, #tpu.memory_space<hbm>> -> memref<16x128xf32, #tpu.memory_space<hbm>>
        %dma_start3A_1078 = arith.constant 0 : i32
        %dma_start3A_1079 = tpu.memref_slice %arg3[%dma_start3A_1078, %multiple_of3A_1075] : memref<16x1000000xf32, #tpu.memory_space<hbm>> -> memref<16x128xf32, #tpu.memory_space<hbm>>
        tpu.enqueue_dma source(%dma_start3A_1079 : memref<16x128xf32, #tpu.memory_space<hbm>>) target(%arg16 : memref<16x128xf32, #tpu.memory_space<vmem>>) target_semaphore(%arg40 : memref<!tpu.dma_semaphore, #tpu.memory_space<semaphore_mem>>)
        %slice3A_1080 = vector.extract_strided_slice %get3A_1049 {offsets = [11], sizes = [1], strides = [1]} : vector<16xi32> to vector<1xi32>
        %squeeze3A_1081 = vector.extract %slice3A_1080[0] : i32 from vector<1xi32>
        %and3A_1082 = arith.constant 127 : i32
        %and3A_1083 = arith.andi %squeeze3A_1081, %and3A_1082 : i32
        %sub3A_1084 = arith.subi %squeeze3A_1081, %and3A_1083 : i32
        %multiple_of3A_1085 = tpu.assume_multiple %sub3A_1084, 128 : i32
        %dma_start3A_1086 = arith.constant 0 : i32
        %dma_start3A_1087 = tpu.memref_slice %arg3[%dma_start3A_1086, %multiple_of3A_1085] : memref<16x1000000xf32, #tpu.memory_space<hbm>> -> memref<16x128xf32, #tpu.memory_space<hbm>>
        %dma_start3A_1088 = arith.constant 0 : i32
        %dma_start3A_1089 = tpu.memref_slice %arg3[%dma_start3A_1088, %multiple_of3A_1085] : memref<16x1000000xf32, #tpu.memory_space<hbm>> -> memref<16x128xf32, #tpu.memory_space<hbm>>
        tpu.enqueue_dma source(%dma_start3A_1089 : memref<16x128xf32, #tpu.memory_space<hbm>>) target(%arg17 : memref<16x128xf32, #tpu.memory_space<vmem>>) target_semaphore(%arg40 : memref<!tpu.dma_semaphore, #tpu.memory_space<semaphore_mem>>)
        %slice3A_1090 = vector.extract_strided_slice %get3A_1049 {offsets = [12], sizes = [1], strides = [1]} : vector<16xi32> to vector<1xi32>
        %squeeze3A_1091 = vector.extract %slice3A_1090[0] : i32 from vector<1xi32>
        %and3A_1092 = arith.constant 127 : i32
        %and3A_1093 = arith.andi %squeeze3A_1091, %and3A_1092 : i32
        %sub3A_1094 = arith.subi %squeeze3A_1091, %and3A_1093 : i32
        %multiple_of3A_1095 = tpu.assume_multiple %sub3A_1094, 128 : i32
        %dma_start3A_1096 = arith.constant 0 : i32
        %dma_start3A_1097 = tpu.memref_slice %arg3[%dma_start3A_1096, %multiple_of3A_1095] : memref<16x1000000xf32, #tpu.memory_space<hbm>> -> memref<16x128xf32, #tpu.memory_space<hbm>>
        %dma_start3A_1098 = arith.constant 0 : i32
        %dma_start3A_1099 = tpu.memref_slice %arg3[%dma_start3A_1098, %multiple_of3A_1095] : memref<16x1000000xf32, #tpu.memory_space<hbm>> -> memref<16x128xf32, #tpu.memory_space<hbm>>
        tpu.enqueue_dma source(%dma_start3A_1099 : memref<16x128xf32, #tpu.memory_space<hbm>>) target(%arg18 : memref<16x128xf32, #tpu.memory_space<vmem>>) target_semaphore(%arg40 : memref<!tpu.dma_semaphore, #tpu.memory_space<semaphore_mem>>)
        %slice3A_1100 = vector.extract_strided_slice %get3A_1049 {offsets = [13], sizes = [1], strides = [1]} : vector<16xi32> to vector<1xi32>
        %squeeze3A_1101 = vector.extract %slice3A_1100[0] : i32 from vector<1xi32>
        %and3A_1102 = arith.constant 127 : i32
        %and3A_1103 = arith.andi %squeeze3A_1101, %and3A_1102 : i32
        %sub3A_1104 = arith.subi %squeeze3A_1101, %and3A_1103 : i32
        %multiple_of3A_1105 = tpu.assume_multiple %sub3A_1104, 128 : i32
        %dma_start3A_1106 = arith.constant 0 : i32
        %dma_start3A_1107 = tpu.memref_slice %arg3[%dma_start3A_1106, %multiple_of3A_1105] : memref<16x1000000xf32, #tpu.memory_space<hbm>> -> memref<16x128xf32, #tpu.memory_space<hbm>>
        %dma_start3A_1108 = arith.constant 0 : i32
        %dma_start3A_1109 = tpu.memref_slice %arg3[%dma_start3A_1108, %multiple_of3A_1105] : memref<16x1000000xf32, #tpu.memory_space<hbm>> -> memref<16x128xf32, #tpu.memory_space<hbm>>
        tpu.enqueue_dma source(%dma_start3A_1109 : memref<16x128xf32, #tpu.memory_space<hbm>>) target(%arg19 : memref<16x128xf32, #tpu.memory_space<vmem>>) target_semaphore(%arg40 : memref<!tpu.dma_semaphore, #tpu.memory_space<semaphore_mem>>)
        %slice3A_1110 = vector.extract_strided_slice %get3A_1049 {offsets = [14], sizes = [1], strides = [1]} : vector<16xi32> to vector<1xi32>
        %squeeze3A_1111 = vector.extract %slice3A_1110[0] : i32 from vector<1xi32>
        %and3A_1112 = arith.constant 127 : i32
        %and3A_1113 = arith.andi %squeeze3A_1111, %and3A_1112 : i32
        %sub3A_1114 = arith.subi %squeeze3A_1111, %and3A_1113 : i32
        %multiple_of3A_1115 = tpu.assume_multiple %sub3A_1114, 128 : i32
        %dma_start3A_1116 = arith.constant 0 : i32
        %dma_start3A_1117 = tpu.memref_slice %arg3[%dma_start3A_1116, %multiple_of3A_1115] : memref<16x1000000xf32, #tpu.memory_space<hbm>> -> memref<16x128xf32, #tpu.memory_space<hbm>>
        %dma_start3A_1118 = arith.constant 0 : i32
        %dma_start3A_1119 = tpu.memref_slice %arg3[%dma_start3A_1118, %multiple_of3A_1115] : memref<16x1000000xf32, #tpu.memory_space<hbm>> -> memref<16x128xf32, #tpu.memory_space<hbm>>
        tpu.enqueue_dma source(%dma_start3A_1119 : memref<16x128xf32, #tpu.memory_space<hbm>>) target(%arg20 : memref<16x128xf32, #tpu.memory_space<vmem>>) target_semaphore(%arg40 : memref<!tpu.dma_semaphore, #tpu.memory_space<semaphore_mem>>)
        %slice3A_1120 = vector.extract_strided_slice %get3A_1049 {offsets = [15], sizes = [1], strides = [1]} : vector<16xi32> to vector<1xi32>
        %squeeze3A_1121 = vector.extract %slice3A_1120[0] : i32 from vector<1xi32>
        %and3A_1122 = arith.constant 127 : i32
        %and3A_1123 = arith.andi %squeeze3A_1121, %and3A_1122 : i32
        %sub3A_1124 = arith.subi %squeeze3A_1121, %and3A_1123 : i32
        %multiple_of3A_1125 = tpu.assume_multiple %sub3A_1124, 128 : i32
        %dma_start3A_1126 = arith.constant 0 : i32
        %dma_start3A_1127 = tpu.memref_slice %arg3[%dma_start3A_1126, %multiple_of3A_1125] : memref<16x1000000xf32, #tpu.memory_space<hbm>> -> memref<16x128xf32, #tpu.memory_space<hbm>>
        %dma_start3A_1128 = arith.constant 0 : i32
        %dma_start3A_1129 = tpu.memref_slice %arg3[%dma_start3A_1128, %multiple_of3A_1125] : memref<16x1000000xf32, #tpu.memory_space<hbm>> -> memref<16x128xf32, #tpu.memory_space<hbm>>
        tpu.enqueue_dma source(%dma_start3A_1129 : memref<16x128xf32, #tpu.memory_space<hbm>>) target(%arg21 : memref<16x128xf32, #tpu.memory_space<vmem>>) target_semaphore(%arg40 : memref<!tpu.dma_semaphore, #tpu.memory_space<semaphore_mem>>)
      } else {
      }
      %mul3A_827 = arith.constant 4 : i32
      %mul3A_828 = arith.muli %add3A_265, %mul3A_827 : i32
      %add3A_829 = arith.constant 3 : i32
      %add3A_830 = arith.addi %mul3A_828, %add3A_829 : i32
      %dma_wait3A_831 = arith.constant 0 : i32
      %dma_wait3A_832 = arith.constant 0 : i32
      %dma_wait3A_833 = tpu.memref_slice %arg3[%dma_wait3A_831, %dma_wait3A_832] : memref<16x1000000xf32, #tpu.memory_space<hbm>> -> memref<16x128xf32, #tpu.memory_space<hbm>>
      %dma_wait3A_834 = arith.constant 0 : i32
      %dma_wait3A_835 = arith.constant 0 : i32
      %dma_wait3A_836 = tpu.memref_slice %arg3[%dma_wait3A_834, %dma_wait3A_835] : memref<16x1000000xf32, #tpu.memory_space<hbm>> -> memref<16x128xf32, #tpu.memory_space<hbm>>
      tpu.wait_dma2 semaphore(%arg42 : memref<!tpu.dma_semaphore, #tpu.memory_space<semaphore_mem>>) src(%dma_wait3A_836 : memref<16x128xf32, #tpu.memory_space<hbm>>) dst(%arg30 : memref<16x128xf32, #tpu.memory_space<vmem>>)
      %dma_wait3A_837 = arith.constant 0 : i32
      %dma_wait3A_838 = arith.constant 0 : i32
      %dma_wait3A_839 = tpu.memref_slice %arg3[%dma_wait3A_837, %dma_wait3A_838] : memref<16x1000000xf32, #tpu.memory_space<hbm>> -> memref<16x128xf32, #tpu.memory_space<hbm>>
      %dma_wait3A_840 = arith.constant 0 : i32
      %dma_wait3A_841 = arith.constant 0 : i32
      %dma_wait3A_842 = tpu.memref_slice %arg3[%dma_wait3A_840, %dma_wait3A_841] : memref<16x1000000xf32, #tpu.memory_space<hbm>> -> memref<16x128xf32, #tpu.memory_space<hbm>>
      tpu.wait_dma2 semaphore(%arg42 : memref<!tpu.dma_semaphore, #tpu.memory_space<semaphore_mem>>) src(%dma_wait3A_842 : memref<16x128xf32, #tpu.memory_space<hbm>>) dst(%arg31 : memref<16x128xf32, #tpu.memory_space<vmem>>)
      %dma_wait3A_843 = arith.constant 0 : i32
      %dma_wait3A_844 = arith.constant 0 : i32
      %dma_wait3A_845 = tpu.memref_slice %arg3[%dma_wait3A_843, %dma_wait3A_844] : memref<16x1000000xf32, #tpu.memory_space<hbm>> -> memref<16x128xf32, #tpu.memory_space<hbm>>
      %dma_wait3A_846 = arith.constant 0 : i32
      %dma_wait3A_847 = arith.constant 0 : i32
      %dma_wait3A_848 = tpu.memref_slice %arg3[%dma_wait3A_846, %dma_wait3A_847] : memref<16x1000000xf32, #tpu.memory_space<hbm>> -> memref<16x128xf32, #tpu.memory_space<hbm>>
      tpu.wait_dma2 semaphore(%arg42 : memref<!tpu.dma_semaphore, #tpu.memory_space<semaphore_mem>>) src(%dma_wait3A_848 : memref<16x128xf32, #tpu.memory_space<hbm>>) dst(%arg32 : memref<16x128xf32, #tpu.memory_space<vmem>>)
      %dma_wait3A_849 = arith.constant 0 : i32
      %dma_wait3A_850 = arith.constant 0 : i32
      %dma_wait3A_851 = tpu.memref_slice %arg3[%dma_wait3A_849, %dma_wait3A_850] : memref<16x1000000xf32, #tpu.memory_space<hbm>> -> memref<16x128xf32, #tpu.memory_space<hbm>>
      %dma_wait3A_852 = arith.constant 0 : i32
      %dma_wait3A_853 = arith.constant 0 : i32
      %dma_wait3A_854 = tpu.memref_slice %arg3[%dma_wait3A_852, %dma_wait3A_853] : memref<16x1000000xf32, #tpu.memory_space<hbm>> -> memref<16x128xf32, #tpu.memory_space<hbm>>
      tpu.wait_dma2 semaphore(%arg42 : memref<!tpu.dma_semaphore, #tpu.memory_space<semaphore_mem>>) src(%dma_wait3A_854 : memref<16x128xf32, #tpu.memory_space<hbm>>) dst(%arg33 : memref<16x128xf32, #tpu.memory_space<vmem>>)
      %dma_wait3A_855 = arith.constant 0 : i32
      %dma_wait3A_856 = arith.constant 0 : i32
      %dma_wait3A_857 = tpu.memref_slice %arg3[%dma_wait3A_855, %dma_wait3A_856] : memref<16x1000000xf32, #tpu.memory_space<hbm>> -> memref<16x128xf32, #tpu.memory_space<hbm>>
      %dma_wait3A_858 = arith.constant 0 : i32
      %dma_wait3A_859 = arith.constant 0 : i32
      %dma_wait3A_860 = tpu.memref_slice %arg3[%dma_wait3A_858, %dma_wait3A_859] : memref<16x1000000xf32, #tpu.memory_space<hbm>> -> memref<16x128xf32, #tpu.memory_space<hbm>>
      tpu.wait_dma2 semaphore(%arg42 : memref<!tpu.dma_semaphore, #tpu.memory_space<semaphore_mem>>) src(%dma_wait3A_860 : memref<16x128xf32, #tpu.memory_space<hbm>>) dst(%arg34 : memref<16x128xf32, #tpu.memory_space<vmem>>)
      %dma_wait3A_861 = arith.constant 0 : i32
      %dma_wait3A_862 = arith.constant 0 : i32
      %dma_wait3A_863 = tpu.memref_slice %arg3[%dma_wait3A_861, %dma_wait3A_862] : memref<16x1000000xf32, #tpu.memory_space<hbm>> -> memref<16x128xf32, #tpu.memory_space<hbm>>
      %dma_wait3A_864 = arith.constant 0 : i32
      %dma_wait3A_865 = arith.constant 0 : i32
      %dma_wait3A_866 = tpu.memref_slice %arg3[%dma_wait3A_864, %dma_wait3A_865] : memref<16x1000000xf32, #tpu.memory_space<hbm>> -> memref<16x128xf32, #tpu.memory_space<hbm>>
      tpu.wait_dma2 semaphore(%arg42 : memref<!tpu.dma_semaphore, #tpu.memory_space<semaphore_mem>>) src(%dma_wait3A_866 : memref<16x128xf32, #tpu.memory_space<hbm>>) dst(%arg35 : memref<16x128xf32, #tpu.memory_space<vmem>>)
      %dma_wait3A_867 = arith.constant 0 : i32
      %dma_wait3A_868 = arith.constant 0 : i32
      %dma_wait3A_869 = tpu.memref_slice %arg3[%dma_wait3A_867, %dma_wait3A_868] : memref<16x1000000xf32, #tpu.memory_space<hbm>> -> memref<16x128xf32, #tpu.memory_space<hbm>>
      %dma_wait3A_870 = arith.constant 0 : i32
      %dma_wait3A_871 = arith.constant 0 : i32
      %dma_wait3A_872 = tpu.memref_slice %arg3[%dma_wait3A_870, %dma_wait3A_871] : memref<16x1000000xf32, #tpu.memory_space<hbm>> -> memref<16x128xf32, #tpu.memory_space<hbm>>
      tpu.wait_dma2 semaphore(%arg42 : memref<!tpu.dma_semaphore, #tpu.memory_space<semaphore_mem>>) src(%dma_wait3A_872 : memref<16x128xf32, #tpu.memory_space<hbm>>) dst(%arg36 : memref<16x128xf32, #tpu.memory_space<vmem>>)
      %dma_wait3A_873 = arith.constant 0 : i32
      %dma_wait3A_874 = arith.constant 0 : i32
      %dma_wait3A_875 = tpu.memref_slice %arg3[%dma_wait3A_873, %dma_wait3A_874] : memref<16x1000000xf32, #tpu.memory_space<hbm>> -> memref<16x128xf32, #tpu.memory_space<hbm>>
      %dma_wait3A_876 = arith.constant 0 : i32
      %dma_wait3A_877 = arith.constant 0 : i32
      %dma_wait3A_878 = tpu.memref_slice %arg3[%dma_wait3A_876, %dma_wait3A_877] : memref<16x1000000xf32, #tpu.memory_space<hbm>> -> memref<16x128xf32, #tpu.memory_space<hbm>>
      tpu.wait_dma2 semaphore(%arg42 : memref<!tpu.dma_semaphore, #tpu.memory_space<semaphore_mem>>) src(%dma_wait3A_878 : memref<16x128xf32, #tpu.memory_space<hbm>>) dst(%arg37 : memref<16x128xf32, #tpu.memory_space<vmem>>)
      %jit3A_879 = arith.constant 2 : i32
      %div3A_880 = arith.divsi %add3A_830, %jit3A_879 : i32
      %sign3A_881 = arith.constant 0 : i32
      %sign3A_882 = arith.cmpi sgt, %add3A_830, %sign3A_881 : i32
      %sign3A_883 = arith.extui %sign3A_882 : i1 to i32
      %sign3A_884 = arith.constant 0 : i32
      %sign3A_885 = arith.cmpi slt, %add3A_830, %sign3A_884 : i32
      %sign3A_886 = arith.extui %sign3A_885 : i1 to i32
      %sign3A_887 = arith.subi %sign3A_883, %sign3A_886 : i32
      %sign3A_888 = arith.constant 0 : i32
      %sign3A_889 = arith.cmpi sgt, %jit3A_879, %sign3A_888 : i32
      %sign3A_890 = arith.extui %sign3A_889 : i1 to i32
      %sign3A_891 = arith.constant 0 : i32
      %sign3A_892 = arith.cmpi slt, %jit3A_879, %sign3A_891 : i32
      %sign3A_893 = arith.extui %sign3A_892 : i1 to i32
      %sign3A_894 = arith.subi %sign3A_890, %sign3A_893 : i32
      %ne3A_895 = arith.cmpi ne, %sign3A_887, %sign3A_894 : i32
      %rem3A_896 = arith.remsi %add3A_830, %jit3A_879 : i32
      %ne3A_897 = arith.constant 0 : i32
      %ne3A_898 = arith.cmpi ne, %rem3A_896, %ne3A_897 : i32
      %and3A_899 = arith.andi %ne3A_895, %ne3A_898 : i1
      %sub3A_900 = arith.constant 1 : i32
      %sub3A_901 = arith.subi %div3A_880, %sub3A_900 : i32
      %select_n3A_902 = arith.select %and3A_899, %sub3A_901, %div3A_880 : i32
      %mul3A_903 = arith.constant 16 : i32
      %mul3A_904 = arith.muli %select_n3A_902, %mul3A_903 : i32
      %get3A_905 = arith.index_cast %mul3A_904 : i32 to index
      %get3A_906 = tpu.vector_load %arg5[%get3A_905] {strides = array<i32>} : memref<512xi32, #tpu.memory_space<vmem>>, vector<16xi32>,
      %mul3A_907 = arith.constant 8 : i32
      %mul3A_908 = arith.muli %add3A_830, %mul3A_907 : i32
      %slice3A_909 = vector.extract_strided_slice %get3A_906 {offsets = [8], sizes = [1], strides = [1]} : vector<16xi32> to vector<1xi32>
      %squeeze3A_910 = vector.extract %slice3A_909[0] : i32 from vector<1xi32>
      %and3A_911 = arith.constant 127 : i32
      %and3A_912 = arith.andi %squeeze3A_910, %and3A_911 : i32
      %broadcast_in_dim3A_913 = vector.broadcast %and3A_912 : i32 to vector<16xi32>
      %gather3A_914 = tpu.vector_load_idx %arg30[%iota3A, %broadcast_in_dim3A_913] : memref<16x128xf32, #tpu.memory_space<vmem>>[vector<16xi32>, vector<16xi32>], vector<16xf32>,
      %mul3A_915 = arith.constant 512 : i32
      %mul3A_916 = vector.broadcast %mul3A_915 : i32 to vector<16xi32>
      %mul3A_917 = arith.muli %iota3A, %mul3A_916 : vector<16xi32>
      %add3A_918 = arith.constant 0 : i32
      %add3A_919 = arith.addi %mul3A_908, %add3A_918 : i32
      %add3A_920 = vector.broadcast %add3A_919 : i32 to vector<16xi32>
      %add3A_921 = arith.addi %mul3A_917, %add3A_920 : vector<16xi32>
      tpu.vector_store_idx %arg38[%add3A_921], %gather3A_914 : memref<8192xf32, #tpu.memory_space<vmem>>[vector<16xi32>], vector<16xf32>,
      %slice3A_922 = vector.extract_strided_slice %get3A_906 {offsets = [9], sizes = [1], strides = [1]} : vector<16xi32> to vector<1xi32>
      %squeeze3A_923 = vector.extract %slice3A_922[0] : i32 from vector<1xi32>
      %and3A_924 = arith.constant 127 : i32
      %and3A_925 = arith.andi %squeeze3A_923, %and3A_924 : i32
      %broadcast_in_dim3A_926 = vector.broadcast %and3A_925 : i32 to vector<16xi32>
      %gather3A_927 = tpu.vector_load_idx %arg31[%iota3A, %broadcast_in_dim3A_926] : memref<16x128xf32, #tpu.memory_space<vmem>>[vector<16xi32>, vector<16xi32>], vector<16xf32>,
      %mul3A_928 = arith.constant 512 : i32
      %mul3A_929 = vector.broadcast %mul3A_928 : i32 to vector<16xi32>
      %mul3A_930 = arith.muli %iota3A, %mul3A_929 : vector<16xi32>
      %add3A_931 = arith.constant 1 : i32
      %add3A_932 = arith.addi %mul3A_908, %add3A_931 : i32
      %add3A_933 = vector.broadcast %add3A_932 : i32 to vector<16xi32>
      %add3A_934 = arith.addi %mul3A_930, %add3A_933 : vector<16xi32>
      tpu.vector_store_idx %arg38[%add3A_934], %gather3A_927 : memref<8192xf32, #tpu.memory_space<vmem>>[vector<16xi32>], vector<16xf32>,
      %slice3A_935 = vector.extract_strided_slice %get3A_906 {offsets = [10], sizes = [1], strides = [1]} : vector<16xi32> to vector<1xi32>
      %squeeze3A_936 = vector.extract %slice3A_935[0] : i32 from vector<1xi32>
      %and3A_937 = arith.constant 127 : i32
      %and3A_938 = arith.andi %squeeze3A_936, %and3A_937 : i32
      %broadcast_in_dim3A_939 = vector.broadcast %and3A_938 : i32 to vector<16xi32>
      %gather3A_940 = tpu.vector_load_idx %arg32[%iota3A, %broadcast_in_dim3A_939] : memref<16x128xf32, #tpu.memory_space<vmem>>[vector<16xi32>, vector<16xi32>], vector<16xf32>,
      %mul3A_941 = arith.constant 512 : i32
      %mul3A_942 = vector.broadcast %mul3A_941 : i32 to vector<16xi32>
      %mul3A_943 = arith.muli %iota3A, %mul3A_942 : vector<16xi32>
      %add3A_944 = arith.constant 2 : i32
      %add3A_945 = arith.addi %mul3A_908, %add3A_944 : i32
      %add3A_946 = vector.broadcast %add3A_945 : i32 to vector<16xi32>
      %add3A_947 = arith.addi %mul3A_943, %add3A_946 : vector<16xi32>
      tpu.vector_store_idx %arg38[%add3A_947], %gather3A_940 : memref<8192xf32, #tpu.memory_space<vmem>>[vector<16xi32>], vector<16xf32>,
      %slice3A_948 = vector.extract_strided_slice %get3A_906 {offsets = [11], sizes = [1], strides = [1]} : vector<16xi32> to vector<1xi32>
      %squeeze3A_949 = vector.extract %slice3A_948[0] : i32 from vector<1xi32>
      %and3A_950 = arith.constant 127 : i32
      %and3A_951 = arith.andi %squeeze3A_949, %and3A_950 : i32
      %broadcast_in_dim3A_952 = vector.broadcast %and3A_951 : i32 to vector<16xi32>
      %gather3A_953 = tpu.vector_load_idx %arg33[%iota3A, %broadcast_in_dim3A_952] : memref<16x128xf32, #tpu.memory_space<vmem>>[vector<16xi32>, vector<16xi32>], vector<16xf32>,
      %mul3A_954 = arith.constant 512 : i32
      %mul3A_955 = vector.broadcast %mul3A_954 : i32 to vector<16xi32>
      %mul3A_956 = arith.muli %iota3A, %mul3A_955 : vector<16xi32>
      %add3A_957 = arith.constant 3 : i32
      %add3A_958 = arith.addi %mul3A_908, %add3A_957 : i32
      %add3A_959 = vector.broadcast %add3A_958 : i32 to vector<16xi32>
      %add3A_960 = arith.addi %mul3A_956, %add3A_959 : vector<16xi32>
      tpu.vector_store_idx %arg38[%add3A_960], %gather3A_953 : memref<8192xf32, #tpu.memory_space<vmem>>[vector<16xi32>], vector<16xf32>,
      %slice3A_961 = vector.extract_strided_slice %get3A_906 {offsets = [12], sizes = [1], strides = [1]} : vector<16xi32> to vector<1xi32>
      %squeeze3A_962 = vector.extract %slice3A_961[0] : i32 from vector<1xi32>
      %and3A_963 = arith.constant 127 : i32
      %and3A_964 = arith.andi %squeeze3A_962, %and3A_963 : i32
      %broadcast_in_dim3A_965 = vector.broadcast %and3A_964 : i32 to vector<16xi32>
      %gather3A_966 = tpu.vector_load_idx %arg34[%iota3A, %broadcast_in_dim3A_965] : memref<16x128xf32, #tpu.memory_space<vmem>>[vector<16xi32>, vector<16xi32>], vector<16xf32>,
      %mul3A_967 = arith.constant 512 : i32
      %mul3A_968 = vector.broadcast %mul3A_967 : i32 to vector<16xi32>
      %mul3A_969 = arith.muli %iota3A, %mul3A_968 : vector<16xi32>
      %add3A_970 = arith.constant 4 : i32
      %add3A_971 = arith.addi %mul3A_908, %add3A_970 : i32
      %add3A_972 = vector.broadcast %add3A_971 : i32 to vector<16xi32>
      %add3A_973 = arith.addi %mul3A_969, %add3A_972 : vector<16xi32>
      tpu.vector_store_idx %arg38[%add3A_973], %gather3A_966 : memref<8192xf32, #tpu.memory_space<vmem>>[vector<16xi32>], vector<16xf32>,
      %slice3A_974 = vector.extract_strided_slice %get3A_906 {offsets = [13], sizes = [1], strides = [1]} : vector<16xi32> to vector<1xi32>
      %squeeze3A_975 = vector.extract %slice3A_974[0] : i32 from vector<1xi32>
      %and3A_976 = arith.constant 127 : i32
      %and3A_977 = arith.andi %squeeze3A_975, %and3A_976 : i32
      %broadcast_in_dim3A_978 = vector.broadcast %and3A_977 : i32 to vector<16xi32>
      %gather3A_979 = tpu.vector_load_idx %arg35[%iota3A, %broadcast_in_dim3A_978] : memref<16x128xf32, #tpu.memory_space<vmem>>[vector<16xi32>, vector<16xi32>], vector<16xf32>,
      %mul3A_980 = arith.constant 512 : i32
      %mul3A_981 = vector.broadcast %mul3A_980 : i32 to vector<16xi32>
      %mul3A_982 = arith.muli %iota3A, %mul3A_981 : vector<16xi32>
      %add3A_983 = arith.constant 5 : i32
      %add3A_984 = arith.addi %mul3A_908, %add3A_983 : i32
      %add3A_985 = vector.broadcast %add3A_984 : i32 to vector<16xi32>
      %add3A_986 = arith.addi %mul3A_982, %add3A_985 : vector<16xi32>
      tpu.vector_store_idx %arg38[%add3A_986], %gather3A_979 : memref<8192xf32, #tpu.memory_space<vmem>>[vector<16xi32>], vector<16xf32>,
      %slice3A_987 = vector.extract_strided_slice %get3A_906 {offsets = [14], sizes = [1], strides = [1]} : vector<16xi32> to vector<1xi32>
      %squeeze3A_988 = vector.extract %slice3A_987[0] : i32 from vector<1xi32>
      %and3A_989 = arith.constant 127 : i32
      %and3A_990 = arith.andi %squeeze3A_988, %and3A_989 : i32
      %broadcast_in_dim3A_991 = vector.broadcast %and3A_990 : i32 to vector<16xi32>
      %gather3A_992 = tpu.vector_load_idx %arg36[%iota3A, %broadcast_in_dim3A_991] : memref<16x128xf32, #tpu.memory_space<vmem>>[vector<16xi32>, vector<16xi32>], vector<16xf32>,
      %mul3A_993 = arith.constant 512 : i32
      %mul3A_994 = vector.broadcast %mul3A_993 : i32 to vector<16xi32>
      %mul3A_995 = arith.muli %iota3A, %mul3A_994 : vector<16xi32>
      %add3A_996 = arith.constant 6 : i32
      %add3A_997 = arith.addi %mul3A_908, %add3A_996 : i32
      %add3A_998 = vector.broadcast %add3A_997 : i32 to vector<16xi32>
      %add3A_999 = arith.addi %mul3A_995, %add3A_998 : vector<16xi32>
      tpu.vector_store_idx %arg38[%add3A_999], %gather3A_992 : memref<8192xf32, #tpu.memory_space<vmem>>[vector<16xi32>], vector<16xf32>,
      %slice3A_1000 = vector.extract_strided_slice %get3A_906 {offsets = [15], sizes = [1], strides = [1]} : vector<16xi32> to vector<1xi32>
      %squeeze3A_1001 = vector.extract %slice3A_1000[0] : i32 from vector<1xi32>
      %and3A_1002 = arith.constant 127 : i32
      %and3A_1003 = arith.andi %squeeze3A_1001, %and3A_1002 : i32
      %broadcast_in_dim3A_1004 = vector.broadcast %and3A_1003 : i32 to vector<16xi32>
      %gather3A_1005 = tpu.vector_load_idx %arg37[%iota3A, %broadcast_in_dim3A_1004] : memref<16x128xf32, #tpu.memory_space<vmem>>[vector<16xi32>, vector<16xi32>], vector<16xf32>,
      %mul3A_1006 = arith.constant 512 : i32
      %mul3A_1007 = vector.broadcast %mul3A_1006 : i32 to vector<16xi32>
      %mul3A_1008 = arith.muli %iota3A, %mul3A_1007 : vector<16xi32>
      %add3A_1009 = arith.constant 7 : i32
      %add3A_1010 = arith.addi %mul3A_908, %add3A_1009 : i32
      %add3A_1011 = vector.broadcast %add3A_1010 : i32 to vector<16xi32>
      %add3A_1012 = arith.addi %mul3A_1008, %add3A_1011 : vector<16xi32>
      tpu.vector_store_idx %arg38[%add3A_1012], %gather3A_1005 : memref<8192xf32, #tpu.memory_space<vmem>>[vector<16xi32>], vector<16xf32>,
      %lt3A_1013 = arith.constant 61 : i32
      %lt3A_1014 = arith.cmpi slt, %add3A_830, %lt3A_1013 : i32
      %convert_element_type3A_1015 = arith.extui %lt3A_1014 : i1 to i32
      %cond3A_1016 = arith.constant 0 : i32
      %cond3A_1017 = arith.cmpi ne, %convert_element_type3A_1015, %cond3A_1016 : i32
      scf.if %cond3A_1017 {
        %add3A_1018 = arith.constant 4 : i32
        %add3A_1019 = arith.addi %add3A_830, %add3A_1018 : i32
        %sub3A_1020 = arith.constant 1 : i32
        %sub3A_1021 = arith.subi %add3A_1019, %sub3A_1020 : i32
        %jit3A_1022 = arith.constant 2 : i32
        %div3A_1023 = arith.divsi %sub3A_1021, %jit3A_1022 : i32
        %sign3A_1024 = arith.constant 0 : i32
        %sign3A_1025 = arith.cmpi sgt, %sub3A_1021, %sign3A_1024 : i32
        %sign3A_1026 = arith.extui %sign3A_1025 : i1 to i32
        %sign3A_1027 = arith.constant 0 : i32
        %sign3A_1028 = arith.cmpi slt, %sub3A_1021, %sign3A_1027 : i32
        %sign3A_1029 = arith.extui %sign3A_1028 : i1 to i32
        %sign3A_1030 = arith.subi %sign3A_1026, %sign3A_1029 : i32
        %sign3A_1031 = arith.constant 0 : i32
        %sign3A_1032 = arith.cmpi sgt, %jit3A_1022, %sign3A_1031 : i32
        %sign3A_1033 = arith.extui %sign3A_1032 : i1 to i32
        %sign3A_1034 = arith.constant 0 : i32
        %sign3A_1035 = arith.cmpi slt, %jit3A_1022, %sign3A_1034 : i32
        %sign3A_1036 = arith.extui %sign3A_1035 : i1 to i32
        %sign3A_1037 = arith.subi %sign3A_1033, %sign3A_1036 : i32
        %ne3A_1038 = arith.cmpi ne, %sign3A_1030, %sign3A_1037 : i32
        %rem3A_1039 = arith.remsi %sub3A_1021, %jit3A_1022 : i32
        %ne3A_1040 = arith.constant 0 : i32
        %ne3A_1041 = arith.cmpi ne, %rem3A_1039, %ne3A_1040 : i32
        %and3A_1042 = arith.andi %ne3A_1038, %ne3A_1041 : i1
        %sub3A_1043 = arith.constant 1 : i32
        %sub3A_1044 = arith.subi %div3A_1023, %sub3A_1043 : i32
        %select_n3A_1045 = arith.select %and3A_1042, %sub3A_1044, %div3A_1023 : i32
        %mul3A_1046 = arith.constant 16 : i32
        %mul3A_1047 = arith.muli %select_n3A_1045, %mul3A_1046 : i32
        %get3A_1048 = arith.index_cast %mul3A_1047 : i32 to index
        %get3A_1049 = tpu.vector_load %arg5[%get3A_1048] {strides = array<i32>} : memref<512xi32, #tpu.memory_space<vmem>>, vector<16xi32>,
        %slice3A_1050 = vector.extract_strided_slice %get3A_1049 {offsets = [0], sizes = [1], strides = [1]} : vector<16xi32> to vector<1xi32>
        %squeeze3A_1051 = vector.extract %slice3A_1050[0] : i32 from vector<1xi32>
        %and3A_1052 = arith.constant 127 : i32
        %and3A_1053 = arith.andi %squeeze3A_1051, %and3A_1052 : i32
        %sub3A_1054 = arith.subi %squeeze3A_1051, %and3A_1053 : i32
        %multiple_of3A_1055 = tpu.assume_multiple %sub3A_1054, 128 : i32
        %dma_start3A_1056 = arith.constant 0 : i32
        %dma_start3A_1057 = tpu.memref_slice %arg3[%dma_start3A_1056, %multiple_of3A_1055] : memref<16x1000000xf32, #tpu.memory_space<hbm>> -> memref<16x128xf32, #tpu.memory_space<hbm>>
        %dma_start3A_1058 = arith.constant 0 : i32
        %dma_start3A_1059 = tpu.memref_slice %arg3[%dma_start3A_1058, %multiple_of3A_1055] : memref<16x1000000xf32, #tpu.memory_space<hbm>> -> memref<16x128xf32, #tpu.memory_space<hbm>>
        tpu.enqueue_dma source(%dma_start3A_1059 : memref<16x128xf32, #tpu.memory_space<hbm>>) target(%arg22 : memref<16x128xf32, #tpu.memory_space<vmem>>) target_semaphore(%arg41 : memref<!tpu.dma_semaphore, #tpu.memory_space<semaphore_mem>>)
        %slice3A_1060 = vector.extract_strided_slice %get3A_1049 {offsets = [1], sizes = [1], strides = [1]} : vector<16xi32> to vector<1xi32>
        %squeeze3A_1061 = vector.extract %slice3A_1060[0] : i32 from vector<1xi32>
        %and3A_1062 = arith.constant 127 : i32
        %and3A_1063 = arith.andi %squeeze3A_1061, %and3A_1062 : i32
        %sub3A_1064 = arith.subi %squeeze3A_1061, %and3A_1063 : i32
        %multiple_of3A_1065 = tpu.assume_multiple %sub3A_1064, 128 : i32
        %dma_start3A_1066 = arith.constant 0 : i32
        %dma_start3A_1067 = tpu.memref_slice %arg3[%dma_start3A_1066, %multiple_of3A_1065] : memref<16x1000000xf32, #tpu.memory_space<hbm>> -> memref<16x128xf32, #tpu.memory_space<hbm>>
        %dma_start3A_1068 = arith.constant 0 : i32
        %dma_start3A_1069 = tpu.memref_slice %arg3[%dma_start3A_1068, %multiple_of3A_1065] : memref<16x1000000xf32, #tpu.memory_space<hbm>> -> memref<16x128xf32, #tpu.memory_space<hbm>>
        tpu.enqueue_dma source(%dma_start3A_1069 : memref<16x128xf32, #tpu.memory_space<hbm>>) target(%arg23 : memref<16x128xf32, #tpu.memory_space<vmem>>) target_semaphore(%arg41 : memref<!tpu.dma_semaphore, #tpu.memory_space<semaphore_mem>>)
        %slice3A_1070 = vector.extract_strided_slice %get3A_1049 {offsets = [2], sizes = [1], strides = [1]} : vector<16xi32> to vector<1xi32>
        %squeeze3A_1071 = vector.extract %slice3A_1070[0] : i32 from vector<1xi32>
        %and3A_1072 = arith.constant 127 : i32
        %and3A_1073 = arith.andi %squeeze3A_1071, %and3A_1072 : i32
        %sub3A_1074 = arith.subi %squeeze3A_1071, %and3A_1073 : i32
        %multiple_of3A_1075 = tpu.assume_multiple %sub3A_1074, 128 : i32
        %dma_start3A_1076 = arith.constant 0 : i32
        %dma_start3A_1077 = tpu.memref_slice %arg3[%dma_start3A_1076, %multiple_of3A_1075] : memref<16x1000000xf32, #tpu.memory_space<hbm>> -> memref<16x128xf32, #tpu.memory_space<hbm>>
        %dma_start3A_1078 = arith.constant 0 : i32
        %dma_start3A_1079 = tpu.memref_slice %arg3[%dma_start3A_1078, %multiple_of3A_1075] : memref<16x1000000xf32, #tpu.memory_space<hbm>> -> memref<16x128xf32, #tpu.memory_space<hbm>>
        tpu.enqueue_dma source(%dma_start3A_1079 : memref<16x128xf32, #tpu.memory_space<hbm>>) target(%arg24 : memref<16x128xf32, #tpu.memory_space<vmem>>) target_semaphore(%arg41 : memref<!tpu.dma_semaphore, #tpu.memory_space<semaphore_mem>>)
        %slice3A_1080 = vector.extract_strided_slice %get3A_1049 {offsets = [3], sizes = [1], strides = [1]} : vector<16xi32> to vector<1xi32>
        %squeeze3A_1081 = vector.extract %slice3A_1080[0] : i32 from vector<1xi32>
        %and3A_1082 = arith.constant 127 : i32
        %and3A_1083 = arith.andi %squeeze3A_1081, %and3A_1082 : i32
        %sub3A_1084 = arith.subi %squeeze3A_1081, %and3A_1083 : i32
        %multiple_of3A_1085 = tpu.assume_multiple %sub3A_1084, 128 : i32
        %dma_start3A_1086 = arith.constant 0 : i32
        %dma_start3A_1087 = tpu.memref_slice %arg3[%dma_start3A_1086, %multiple_of3A_1085] : memref<16x1000000xf32, #tpu.memory_space<hbm>> -> memref<16x128xf32, #tpu.memory_space<hbm>>
        %dma_start3A_1088 = arith.constant 0 : i32
        %dma_start3A_1089 = tpu.memref_slice %arg3[%dma_start3A_1088, %multiple_of3A_1085] : memref<16x1000000xf32, #tpu.memory_space<hbm>> -> memref<16x128xf32, #tpu.memory_space<hbm>>
        tpu.enqueue_dma source(%dma_start3A_1089 : memref<16x128xf32, #tpu.memory_space<hbm>>) target(%arg25 : memref<16x128xf32, #tpu.memory_space<vmem>>) target_semaphore(%arg41 : memref<!tpu.dma_semaphore, #tpu.memory_space<semaphore_mem>>)
        %slice3A_1090 = vector.extract_strided_slice %get3A_1049 {offsets = [4], sizes = [1], strides = [1]} : vector<16xi32> to vector<1xi32>
        %squeeze3A_1091 = vector.extract %slice3A_1090[0] : i32 from vector<1xi32>
        %and3A_1092 = arith.constant 127 : i32
        %and3A_1093 = arith.andi %squeeze3A_1091, %and3A_1092 : i32
        %sub3A_1094 = arith.subi %squeeze3A_1091, %and3A_1093 : i32
        %multiple_of3A_1095 = tpu.assume_multiple %sub3A_1094, 128 : i32
        %dma_start3A_1096 = arith.constant 0 : i32
        %dma_start3A_1097 = tpu.memref_slice %arg3[%dma_start3A_1096, %multiple_of3A_1095] : memref<16x1000000xf32, #tpu.memory_space<hbm>> -> memref<16x128xf32, #tpu.memory_space<hbm>>
        %dma_start3A_1098 = arith.constant 0 : i32
        %dma_start3A_1099 = tpu.memref_slice %arg3[%dma_start3A_1098, %multiple_of3A_1095] : memref<16x1000000xf32, #tpu.memory_space<hbm>> -> memref<16x128xf32, #tpu.memory_space<hbm>>
        tpu.enqueue_dma source(%dma_start3A_1099 : memref<16x128xf32, #tpu.memory_space<hbm>>) target(%arg26 : memref<16x128xf32, #tpu.memory_space<vmem>>) target_semaphore(%arg41 : memref<!tpu.dma_semaphore, #tpu.memory_space<semaphore_mem>>)
        %slice3A_1100 = vector.extract_strided_slice %get3A_1049 {offsets = [5], sizes = [1], strides = [1]} : vector<16xi32> to vector<1xi32>
        %squeeze3A_1101 = vector.extract %slice3A_1100[0] : i32 from vector<1xi32>
        %and3A_1102 = arith.constant 127 : i32
        %and3A_1103 = arith.andi %squeeze3A_1101, %and3A_1102 : i32
        %sub3A_1104 = arith.subi %squeeze3A_1101, %and3A_1103 : i32
        %multiple_of3A_1105 = tpu.assume_multiple %sub3A_1104, 128 : i32
        %dma_start3A_1106 = arith.constant 0 : i32
        %dma_start3A_1107 = tpu.memref_slice %arg3[%dma_start3A_1106, %multiple_of3A_1105] : memref<16x1000000xf32, #tpu.memory_space<hbm>> -> memref<16x128xf32, #tpu.memory_space<hbm>>
        %dma_start3A_1108 = arith.constant 0 : i32
        %dma_start3A_1109 = tpu.memref_slice %arg3[%dma_start3A_1108, %multiple_of3A_1105] : memref<16x1000000xf32, #tpu.memory_space<hbm>> -> memref<16x128xf32, #tpu.memory_space<hbm>>
        tpu.enqueue_dma source(%dma_start3A_1109 : memref<16x128xf32, #tpu.memory_space<hbm>>) target(%arg27 : memref<16x128xf32, #tpu.memory_space<vmem>>) target_semaphore(%arg41 : memref<!tpu.dma_semaphore, #tpu.memory_space<semaphore_mem>>)
        %slice3A_1110 = vector.extract_strided_slice %get3A_1049 {offsets = [6], sizes = [1], strides = [1]} : vector<16xi32> to vector<1xi32>
        %squeeze3A_1111 = vector.extract %slice3A_1110[0] : i32 from vector<1xi32>
        %and3A_1112 = arith.constant 127 : i32
        %and3A_1113 = arith.andi %squeeze3A_1111, %and3A_1112 : i32
        %sub3A_1114 = arith.subi %squeeze3A_1111, %and3A_1113 : i32
        %multiple_of3A_1115 = tpu.assume_multiple %sub3A_1114, 128 : i32
        %dma_start3A_1116 = arith.constant 0 : i32
        %dma_start3A_1117 = tpu.memref_slice %arg3[%dma_start3A_1116, %multiple_of3A_1115] : memref<16x1000000xf32, #tpu.memory_space<hbm>> -> memref<16x128xf32, #tpu.memory_space<hbm>>
        %dma_start3A_1118 = arith.constant 0 : i32
        %dma_start3A_1119 = tpu.memref_slice %arg3[%dma_start3A_1118, %multiple_of3A_1115] : memref<16x1000000xf32, #tpu.memory_space<hbm>> -> memref<16x128xf32, #tpu.memory_space<hbm>>
        tpu.enqueue_dma source(%dma_start3A_1119 : memref<16x128xf32, #tpu.memory_space<hbm>>) target(%arg28 : memref<16x128xf32, #tpu.memory_space<vmem>>) target_semaphore(%arg41 : memref<!tpu.dma_semaphore, #tpu.memory_space<semaphore_mem>>)
        %slice3A_1120 = vector.extract_strided_slice %get3A_1049 {offsets = [7], sizes = [1], strides = [1]} : vector<16xi32> to vector<1xi32>
        %squeeze3A_1121 = vector.extract %slice3A_1120[0] : i32 from vector<1xi32>
        %and3A_1122 = arith.constant 127 : i32
        %and3A_1123 = arith.andi %squeeze3A_1121, %and3A_1122 : i32
        %sub3A_1124 = arith.subi %squeeze3A_1121, %and3A_1123 : i32
        %multiple_of3A_1125 = tpu.assume_multiple %sub3A_1124, 128 : i32
        %dma_start3A_1126 = arith.constant 0 : i32
        %dma_start3A_1127 = tpu.memref_slice %arg3[%dma_start3A_1126, %multiple_of3A_1125] : memref<16x1000000xf32, #tpu.memory_space<hbm>> -> memref<16x128xf32, #tpu.memory_space<hbm>>
        %dma_start3A_1128 = arith.constant 0 : i32
        %dma_start3A_1129 = tpu.memref_slice %arg3[%dma_start3A_1128, %multiple_of3A_1125] : memref<16x1000000xf32, #tpu.memory_space<hbm>> -> memref<16x128xf32, #tpu.memory_space<hbm>>
        tpu.enqueue_dma source(%dma_start3A_1129 : memref<16x128xf32, #tpu.memory_space<hbm>>) target(%arg29 : memref<16x128xf32, #tpu.memory_space<vmem>>) target_semaphore(%arg41 : memref<!tpu.dma_semaphore, #tpu.memory_space<semaphore_mem>>)
      } else {
      }
    }
    %scan3A_245 = arith.constant 16 : i32
    %run_scoped3A = arith.constant 0 : i32
    "tpu.region"() ({
      %run_scoped3A_261 = tpu.sem_alloc : memref<!tpu.dma_semaphore, #tpu.memory_space<semaphore_mem>>
      %dma_start3A_262 = arith.constant 0 : i32
      %dma_start3A_263 = tpu.memref_slice %arg38[%dma_start3A_262] : memref<8192xf32, #tpu.memory_space<vmem>> -> memref<512xf32, #tpu.memory_space<vmem>>
      %dma_start3A_264 = tpu.memref_slice %arg4[%run_scoped3A, %mul3A_2] : memref<16x16384xf32, #tpu.memory_space<hbm>> -> memref<1x512xf32, #tpu.memory_space<hbm>>
      %dma_start3A_265 = tpu.memref_squeeze %dma_start3A_264 : memref<1x512xf32, #tpu.memory_space<hbm>> -> memref<512xf32, #tpu.memory_space<hbm>>
      %dma_start3A_266 = tpu.memref_slice %arg4[%run_scoped3A, %mul3A_2] : memref<16x16384xf32, #tpu.memory_space<hbm>> -> memref<1x512xf32, #tpu.memory_space<hbm>>
      %dma_start3A_267 = tpu.memref_squeeze %dma_start3A_266 : memref<1x512xf32, #tpu.memory_space<hbm>> -> memref<512xf32, #tpu.memory_space<hbm>>
      %dma_start3A_268 = arith.constant 0 : i32
      %dma_start3A_269 = tpu.memref_slice %arg38[%dma_start3A_268] : memref<8192xf32, #tpu.memory_space<vmem>> -> memref<512xf32, #tpu.memory_space<vmem>>
      tpu.enqueue_dma source(%dma_start3A_269 : memref<512xf32, #tpu.memory_space<vmem>>) target(%dma_start3A_267 : memref<512xf32, #tpu.memory_space<hbm>>) target_semaphore(%run_scoped3A_261 : memref<!tpu.dma_semaphore, #tpu.memory_space<semaphore_mem>>)
      %dma_wait3A = arith.constant 0 : i32
      %dma_wait3A_270 = tpu.memref_slice %arg38[%dma_wait3A] : memref<8192xf32, #tpu.memory_space<vmem>> -> memref<512xf32, #tpu.memory_space<vmem>>
      %dma_wait3A_271 = tpu.memref_slice %arg4[%run_scoped3A, %mul3A_2] : memref<16x16384xf32, #tpu.memory_space<hbm>> -> memref<1x512xf32, #tpu.memory_space<hbm>>
      %dma_wait3A_272 = tpu.memref_squeeze %dma_wait3A_271 : memref<1x512xf32, #tpu.memory_space<hbm>> -> memref<512xf32, #tpu.memory_space<hbm>>
      %dma_wait3A_273 = tpu.memref_slice %arg4[%run_scoped3A, %mul3A_2] : memref<16x16384xf32, #tpu.memory_space<hbm>> -> memref<1x512xf32, #tpu.memory_space<hbm>>
      %dma_wait3A_274 = tpu.memref_squeeze %dma_wait3A_273 : memref<1x512xf32, #tpu.memory_space<hbm>> -> memref<512xf32, #tpu.memory_space<hbm>>
      %dma_wait3A_275 = arith.constant 0 : i32
      %dma_wait3A_276 = tpu.memref_slice %arg38[%dma_wait3A_275] : memref<8192xf32, #tpu.memory_space<vmem>> -> memref<512xf32, #tpu.memory_space<vmem>>
      tpu.wait_dma2 semaphore(%run_scoped3A_261 : memref<!tpu.dma_semaphore, #tpu.memory_space<semaphore_mem>>) src(%dma_wait3A_276 : memref<512xf32, #tpu.memory_space<vmem>>) dst(%dma_wait3A_274 : memref<512xf32, #tpu.memory_space<hbm>>)
      tpu.yield
    }) : () -> ()
    %run_scoped3A_246 = arith.constant 1 : i32
    "tpu.region"() ({
      %run_scoped3A_261 = tpu.sem_alloc : memref<!tpu.dma_semaphore, #tpu.memory_space<semaphore_mem>>
      %dma_start3A_262 = arith.constant 512 : i32
      %dma_start3A_263 = tpu.memref_slice %arg38[%dma_start3A_262] : memref<8192xf32, #tpu.memory_space<vmem>> -> memref<512xf32, #tpu.memory_space<vmem>>
      %dma_start3A_264 = tpu.memref_slice %arg4[%run_scoped3A_246, %mul3A_2] : memref<16x16384xf32, #tpu.memory_space<hbm>> -> memref<1x512xf32, #tpu.memory_space<hbm>>
      %dma_start3A_265 = tpu.memref_squeeze %dma_start3A_264 : memref<1x512xf32, #tpu.memory_space<hbm>> -> memref<512xf32, #tpu.memory_space<hbm>>
      %dma_start3A_266 = tpu.memref_slice %arg4[%run_scoped3A_246, %mul3A_2] : memref<16x16384xf32, #tpu.memory_space<hbm>> -> memref<1x512xf32, #tpu.memory_space<hbm>>
      %dma_start3A_267 = tpu.memref_squeeze %dma_start3A_266 : memref<1x512xf32, #tpu.memory_space<hbm>> -> memref<512xf32, #tpu.memory_space<hbm>>
      %dma_start3A_268 = arith.constant 512 : i32
      %dma_start3A_269 = tpu.memref_slice %arg38[%dma_start3A_268] : memref<8192xf32, #tpu.memory_space<vmem>> -> memref<512xf32, #tpu.memory_space<vmem>>
      tpu.enqueue_dma source(%dma_start3A_269 : memref<512xf32, #tpu.memory_space<vmem>>) target(%dma_start3A_267 : memref<512xf32, #tpu.memory_space<hbm>>) target_semaphore(%run_scoped3A_261 : memref<!tpu.dma_semaphore, #tpu.memory_space<semaphore_mem>>)
      %dma_wait3A = arith.constant 512 : i32
      %dma_wait3A_270 = tpu.memref_slice %arg38[%dma_wait3A] : memref<8192xf32, #tpu.memory_space<vmem>> -> memref<512xf32, #tpu.memory_space<vmem>>
      %dma_wait3A_271 = tpu.memref_slice %arg4[%run_scoped3A_246, %mul3A_2] : memref<16x16384xf32, #tpu.memory_space<hbm>> -> memref<1x512xf32, #tpu.memory_space<hbm>>
      %dma_wait3A_272 = tpu.memref_squeeze %dma_wait3A_271 : memref<1x512xf32, #tpu.memory_space<hbm>> -> memref<512xf32, #tpu.memory_space<hbm>>
      %dma_wait3A_273 = tpu.memref_slice %arg4[%run_scoped3A_246, %mul3A_2] : memref<16x16384xf32, #tpu.memory_space<hbm>> -> memref<1x512xf32, #tpu.memory_space<hbm>>
      %dma_wait3A_274 = tpu.memref_squeeze %dma_wait3A_273 : memref<1x512xf32, #tpu.memory_space<hbm>> -> memref<512xf32, #tpu.memory_space<hbm>>
      %dma_wait3A_275 = arith.constant 512 : i32
      %dma_wait3A_276 = tpu.memref_slice %arg38[%dma_wait3A_275] : memref<8192xf32, #tpu.memory_space<vmem>> -> memref<512xf32, #tpu.memory_space<vmem>>
      tpu.wait_dma2 semaphore(%run_scoped3A_261 : memref<!tpu.dma_semaphore, #tpu.memory_space<semaphore_mem>>) src(%dma_wait3A_276 : memref<512xf32, #tpu.memory_space<vmem>>) dst(%dma_wait3A_274 : memref<512xf32, #tpu.memory_space<hbm>>)
      tpu.yield
    }) : () -> ()
    %run_scoped3A_247 = arith.constant 2 : i32
    "tpu.region"() ({
      %run_scoped3A_261 = tpu.sem_alloc : memref<!tpu.dma_semaphore, #tpu.memory_space<semaphore_mem>>
      %dma_start3A_262 = arith.constant 1024 : i32
      %dma_start3A_263 = tpu.memref_slice %arg38[%dma_start3A_262] : memref<8192xf32, #tpu.memory_space<vmem>> -> memref<512xf32, #tpu.memory_space<vmem>>
      %dma_start3A_264 = tpu.memref_slice %arg4[%run_scoped3A_247, %mul3A_2] : memref<16x16384xf32, #tpu.memory_space<hbm>> -> memref<1x512xf32, #tpu.memory_space<hbm>>
      %dma_start3A_265 = tpu.memref_squeeze %dma_start3A_264 : memref<1x512xf32, #tpu.memory_space<hbm>> -> memref<512xf32, #tpu.memory_space<hbm>>
      %dma_start3A_266 = tpu.memref_slice %arg4[%run_scoped3A_247, %mul3A_2] : memref<16x16384xf32, #tpu.memory_space<hbm>> -> memref<1x512xf32, #tpu.memory_space<hbm>>
      %dma_start3A_267 = tpu.memref_squeeze %dma_start3A_266 : memref<1x512xf32, #tpu.memory_space<hbm>> -> memref<512xf32, #tpu.memory_space<hbm>>
      %dma_start3A_268 = arith.constant 1024 : i32
      %dma_start3A_269 = tpu.memref_slice %arg38[%dma_start3A_268] : memref<8192xf32, #tpu.memory_space<vmem>> -> memref<512xf32, #tpu.memory_space<vmem>>
      tpu.enqueue_dma source(%dma_start3A_269 : memref<512xf32, #tpu.memory_space<vmem>>) target(%dma_start3A_267 : memref<512xf32, #tpu.memory_space<hbm>>) target_semaphore(%run_scoped3A_261 : memref<!tpu.dma_semaphore, #tpu.memory_space<semaphore_mem>>)
      %dma_wait3A = arith.constant 1024 : i32
      %dma_wait3A_270 = tpu.memref_slice %arg38[%dma_wait3A] : memref<8192xf32, #tpu.memory_space<vmem>> -> memref<512xf32, #tpu.memory_space<vmem>>
      %dma_wait3A_271 = tpu.memref_slice %arg4[%run_scoped3A_247, %mul3A_2] : memref<16x16384xf32, #tpu.memory_space<hbm>> -> memref<1x512xf32, #tpu.memory_space<hbm>>
      %dma_wait3A_272 = tpu.memref_squeeze %dma_wait3A_271 : memref<1x512xf32, #tpu.memory_space<hbm>> -> memref<512xf32, #tpu.memory_space<hbm>>
      %dma_wait3A_273 = tpu.memref_slice %arg4[%run_scoped3A_247, %mul3A_2] : memref<16x16384xf32, #tpu.memory_space<hbm>> -> memref<1x512xf32, #tpu.memory_space<hbm>>
      %dma_wait3A_274 = tpu.memref_squeeze %dma_wait3A_273 : memref<1x512xf32, #tpu.memory_space<hbm>> -> memref<512xf32, #tpu.memory_space<hbm>>
      %dma_wait3A_275 = arith.constant 1024 : i32
      %dma_wait3A_276 = tpu.memref_slice %arg38[%dma_wait3A_275] : memref<8192xf32, #tpu.memory_space<vmem>> -> memref<512xf32, #tpu.memory_space<vmem>>
      tpu.wait_dma2 semaphore(%run_scoped3A_261 : memref<!tpu.dma_semaphore, #tpu.memory_space<semaphore_mem>>) src(%dma_wait3A_276 : memref<512xf32, #tpu.memory_space<vmem>>) dst(%dma_wait3A_274 : memref<512xf32, #tpu.memory_space<hbm>>)
      tpu.yield
    }) : () -> ()
    %run_scoped3A_248 = arith.constant 3 : i32
    "tpu.region"() ({
      %run_scoped3A_261 = tpu.sem_alloc : memref<!tpu.dma_semaphore, #tpu.memory_space<semaphore_mem>>
      %dma_start3A_262 = arith.constant 1536 : i32
      %dma_start3A_263 = tpu.memref_slice %arg38[%dma_start3A_262] : memref<8192xf32, #tpu.memory_space<vmem>> -> memref<512xf32, #tpu.memory_space<vmem>>
      %dma_start3A_264 = tpu.memref_slice %arg4[%run_scoped3A_248, %mul3A_2] : memref<16x16384xf32, #tpu.memory_space<hbm>> -> memref<1x512xf32, #tpu.memory_space<hbm>>
      %dma_start3A_265 = tpu.memref_squeeze %dma_start3A_264 : memref<1x512xf32, #tpu.memory_space<hbm>> -> memref<512xf32, #tpu.memory_space<hbm>>
      %dma_start3A_266 = tpu.memref_slice %arg4[%run_scoped3A_248, %mul3A_2] : memref<16x16384xf32, #tpu.memory_space<hbm>> -> memref<1x512xf32, #tpu.memory_space<hbm>>
      %dma_start3A_267 = tpu.memref_squeeze %dma_start3A_266 : memref<1x512xf32, #tpu.memory_space<hbm>> -> memref<512xf32, #tpu.memory_space<hbm>>
      %dma_start3A_268 = arith.constant 1536 : i32
      %dma_start3A_269 = tpu.memref_slice %arg38[%dma_start3A_268] : memref<8192xf32, #tpu.memory_space<vmem>> -> memref<512xf32, #tpu.memory_space<vmem>>
      tpu.enqueue_dma source(%dma_start3A_269 : memref<512xf32, #tpu.memory_space<vmem>>) target(%dma_start3A_267 : memref<512xf32, #tpu.memory_space<hbm>>) target_semaphore(%run_scoped3A_261 : memref<!tpu.dma_semaphore, #tpu.memory_space<semaphore_mem>>)
      %dma_wait3A = arith.constant 1536 : i32
      %dma_wait3A_270 = tpu.memref_slice %arg38[%dma_wait3A] : memref<8192xf32, #tpu.memory_space<vmem>> -> memref<512xf32, #tpu.memory_space<vmem>>
      %dma_wait3A_271 = tpu.memref_slice %arg4[%run_scoped3A_248, %mul3A_2] : memref<16x16384xf32, #tpu.memory_space<hbm>> -> memref<1x512xf32, #tpu.memory_space<hbm>>
      %dma_wait3A_272 = tpu.memref_squeeze %dma_wait3A_271 : memref<1x512xf32, #tpu.memory_space<hbm>> -> memref<512xf32, #tpu.memory_space<hbm>>
      %dma_wait3A_273 = tpu.memref_slice %arg4[%run_scoped3A_248, %mul3A_2] : memref<16x16384xf32, #tpu.memory_space<hbm>> -> memref<1x512xf32, #tpu.memory_space<hbm>>
      %dma_wait3A_274 = tpu.memref_squeeze %dma_wait3A_273 : memref<1x512xf32, #tpu.memory_space<hbm>> -> memref<512xf32, #tpu.memory_space<hbm>>
      %dma_wait3A_275 = arith.constant 1536 : i32
      %dma_wait3A_276 = tpu.memref_slice %arg38[%dma_wait3A_275] : memref<8192xf32, #tpu.memory_space<vmem>> -> memref<512xf32, #tpu.memory_space<vmem>>
      tpu.wait_dma2 semaphore(%run_scoped3A_261 : memref<!tpu.dma_semaphore, #tpu.memory_space<semaphore_mem>>) src(%dma_wait3A_276 : memref<512xf32, #tpu.memory_space<vmem>>) dst(%dma_wait3A_274 : memref<512xf32, #tpu.memory_space<hbm>>)
      tpu.yield
    }) : () -> ()
    %run_scoped3A_249 = arith.constant 4 : i32
    "tpu.region"() ({
      %run_scoped3A_261 = tpu.sem_alloc : memref<!tpu.dma_semaphore, #tpu.memory_space<semaphore_mem>>
      %dma_start3A_262 = arith.constant 2048 : i32
      %dma_start3A_263 = tpu.memref_slice %arg38[%dma_start3A_262] : memref<8192xf32, #tpu.memory_space<vmem>> -> memref<512xf32, #tpu.memory_space<vmem>>
      %dma_start3A_264 = tpu.memref_slice %arg4[%run_scoped3A_249, %mul3A_2] : memref<16x16384xf32, #tpu.memory_space<hbm>> -> memref<1x512xf32, #tpu.memory_space<hbm>>
      %dma_start3A_265 = tpu.memref_squeeze %dma_start3A_264 : memref<1x512xf32, #tpu.memory_space<hbm>> -> memref<512xf32, #tpu.memory_space<hbm>>
      %dma_start3A_266 = tpu.memref_slice %arg4[%run_scoped3A_249, %mul3A_2] : memref<16x16384xf32, #tpu.memory_space<hbm>> -> memref<1x512xf32, #tpu.memory_space<hbm>>
      %dma_start3A_267 = tpu.memref_squeeze %dma_start3A_266 : memref<1x512xf32, #tpu.memory_space<hbm>> -> memref<512xf32, #tpu.memory_space<hbm>>
      %dma_start3A_268 = arith.constant 2048 : i32
      %dma_start3A_269 = tpu.memref_slice %arg38[%dma_start3A_268] : memref<8192xf32, #tpu.memory_space<vmem>> -> memref<512xf32, #tpu.memory_space<vmem>>
      tpu.enqueue_dma source(%dma_start3A_269 : memref<512xf32, #tpu.memory_space<vmem>>) target(%dma_start3A_267 : memref<512xf32, #tpu.memory_space<hbm>>) target_semaphore(%run_scoped3A_261 : memref<!tpu.dma_semaphore, #tpu.memory_space<semaphore_mem>>)
      %dma_wait3A = arith.constant 2048 : i32
      %dma_wait3A_270 = tpu.memref_slice %arg38[%dma_wait3A] : memref<8192xf32, #tpu.memory_space<vmem>> -> memref<512xf32, #tpu.memory_space<vmem>>
      %dma_wait3A_271 = tpu.memref_slice %arg4[%run_scoped3A_249, %mul3A_2] : memref<16x16384xf32, #tpu.memory_space<hbm>> -> memref<1x512xf32, #tpu.memory_space<hbm>>
      %dma_wait3A_272 = tpu.memref_squeeze %dma_wait3A_271 : memref<1x512xf32, #tpu.memory_space<hbm>> -> memref<512xf32, #tpu.memory_space<hbm>>
      %dma_wait3A_273 = tpu.memref_slice %arg4[%run_scoped3A_249, %mul3A_2] : memref<16x16384xf32, #tpu.memory_space<hbm>> -> memref<1x512xf32, #tpu.memory_space<hbm>>
      %dma_wait3A_274 = tpu.memref_squeeze %dma_wait3A_273 : memref<1x512xf32, #tpu.memory_space<hbm>> -> memref<512xf32, #tpu.memory_space<hbm>>
      %dma_wait3A_275 = arith.constant 2048 : i32
      %dma_wait3A_276 = tpu.memref_slice %arg38[%dma_wait3A_275] : memref<8192xf32, #tpu.memory_space<vmem>> -> memref<512xf32, #tpu.memory_space<vmem>>
      tpu.wait_dma2 semaphore(%run_scoped3A_261 : memref<!tpu.dma_semaphore, #tpu.memory_space<semaphore_mem>>) src(%dma_wait3A_276 : memref<512xf32, #tpu.memory_space<vmem>>) dst(%dma_wait3A_274 : memref<512xf32, #tpu.memory_space<hbm>>)
      tpu.yield
    }) : () -> ()
    %run_scoped3A_250 = arith.constant 5 : i32
    "tpu.region"() ({
      %run_scoped3A_261 = tpu.sem_alloc : memref<!tpu.dma_semaphore, #tpu.memory_space<semaphore_mem>>
      %dma_start3A_262 = arith.constant 2560 : i32
      %dma_start3A_263 = tpu.memref_slice %arg38[%dma_start3A_262] : memref<8192xf32, #tpu.memory_space<vmem>> -> memref<512xf32, #tpu.memory_space<vmem>>
      %dma_start3A_264 = tpu.memref_slice %arg4[%run_scoped3A_250, %mul3A_2] : memref<16x16384xf32, #tpu.memory_space<hbm>> -> memref<1x512xf32, #tpu.memory_space<hbm>>
      %dma_start3A_265 = tpu.memref_squeeze %dma_start3A_264 : memref<1x512xf32, #tpu.memory_space<hbm>> -> memref<512xf32, #tpu.memory_space<hbm>>
      %dma_start3A_266 = tpu.memref_slice %arg4[%run_scoped3A_250, %mul3A_2] : memref<16x16384xf32, #tpu.memory_space<hbm>> -> memref<1x512xf32, #tpu.memory_space<hbm>>
      %dma_start3A_267 = tpu.memref_squeeze %dma_start3A_266 : memref<1x512xf32, #tpu.memory_space<hbm>> -> memref<512xf32, #tpu.memory_space<hbm>>
      %dma_start3A_268 = arith.constant 2560 : i32
      %dma_start3A_269 = tpu.memref_slice %arg38[%dma_start3A_268] : memref<8192xf32, #tpu.memory_space<vmem>> -> memref<512xf32, #tpu.memory_space<vmem>>
      tpu.enqueue_dma source(%dma_start3A_269 : memref<512xf32, #tpu.memory_space<vmem>>) target(%dma_start3A_267 : memref<512xf32, #tpu.memory_space<hbm>>) target_semaphore(%run_scoped3A_261 : memref<!tpu.dma_semaphore, #tpu.memory_space<semaphore_mem>>)
      %dma_wait3A = arith.constant 2560 : i32
      %dma_wait3A_270 = tpu.memref_slice %arg38[%dma_wait3A] : memref<8192xf32, #tpu.memory_space<vmem>> -> memref<512xf32, #tpu.memory_space<vmem>>
      %dma_wait3A_271 = tpu.memref_slice %arg4[%run_scoped3A_250, %mul3A_2] : memref<16x16384xf32, #tpu.memory_space<hbm>> -> memref<1x512xf32, #tpu.memory_space<hbm>>
      %dma_wait3A_272 = tpu.memref_squeeze %dma_wait3A_271 : memref<1x512xf32, #tpu.memory_space<hbm>> -> memref<512xf32, #tpu.memory_space<hbm>>
      %dma_wait3A_273 = tpu.memref_slice %arg4[%run_scoped3A_250, %mul3A_2] : memref<16x16384xf32, #tpu.memory_space<hbm>> -> memref<1x512xf32, #tpu.memory_space<hbm>>
      %dma_wait3A_274 = tpu.memref_squeeze %dma_wait3A_273 : memref<1x512xf32, #tpu.memory_space<hbm>> -> memref<512xf32, #tpu.memory_space<hbm>>
      %dma_wait3A_275 = arith.constant 2560 : i32
      %dma_wait3A_276 = tpu.memref_slice %arg38[%dma_wait3A_275] : memref<8192xf32, #tpu.memory_space<vmem>> -> memref<512xf32, #tpu.memory_space<vmem>>
      tpu.wait_dma2 semaphore(%run_scoped3A_261 : memref<!tpu.dma_semaphore, #tpu.memory_space<semaphore_mem>>) src(%dma_wait3A_276 : memref<512xf32, #tpu.memory_space<vmem>>) dst(%dma_wait3A_274 : memref<512xf32, #tpu.memory_space<hbm>>)
      tpu.yield
    }) : () -> ()
    %run_scoped3A_251 = arith.constant 6 : i32
    "tpu.region"() ({
      %run_scoped3A_261 = tpu.sem_alloc : memref<!tpu.dma_semaphore, #tpu.memory_space<semaphore_mem>>
      %dma_start3A_262 = arith.constant 3072 : i32
      %dma_start3A_263 = tpu.memref_slice %arg38[%dma_start3A_262] : memref<8192xf32, #tpu.memory_space<vmem>> -> memref<512xf32, #tpu.memory_space<vmem>>
      %dma_start3A_264 = tpu.memref_slice %arg4[%run_scoped3A_251, %mul3A_2] : memref<16x16384xf32, #tpu.memory_space<hbm>> -> memref<1x512xf32, #tpu.memory_space<hbm>>
      %dma_start3A_265 = tpu.memref_squeeze %dma_start3A_264 : memref<1x512xf32, #tpu.memory_space<hbm>> -> memref<512xf32, #tpu.memory_space<hbm>>
      %dma_start3A_266 = tpu.memref_slice %arg4[%run_scoped3A_251, %mul3A_2] : memref<16x16384xf32, #tpu.memory_space<hbm>> -> memref<1x512xf32, #tpu.memory_space<hbm>>
      %dma_start3A_267 = tpu.memref_squeeze %dma_start3A_266 : memref<1x512xf32, #tpu.memory_space<hbm>> -> memref<512xf32, #tpu.memory_space<hbm>>
      %dma_start3A_268 = arith.constant 3072 : i32
      %dma_start3A_269 = tpu.memref_slice %arg38[%dma_start3A_268] : memref<8192xf32, #tpu.memory_space<vmem>> -> memref<512xf32, #tpu.memory_space<vmem>>
      tpu.enqueue_dma source(%dma_start3A_269 : memref<512xf32, #tpu.memory_space<vmem>>) target(%dma_start3A_267 : memref<512xf32, #tpu.memory_space<hbm>>) target_semaphore(%run_scoped3A_261 : memref<!tpu.dma_semaphore, #tpu.memory_space<semaphore_mem>>)
      %dma_wait3A = arith.constant 3072 : i32
      %dma_wait3A_270 = tpu.memref_slice %arg38[%dma_wait3A] : memref<8192xf32, #tpu.memory_space<vmem>> -> memref<512xf32, #tpu.memory_space<vmem>>
      %dma_wait3A_271 = tpu.memref_slice %arg4[%run_scoped3A_251, %mul3A_2] : memref<16x16384xf32, #tpu.memory_space<hbm>> -> memref<1x512xf32, #tpu.memory_space<hbm>>
      %dma_wait3A_272 = tpu.memref_squeeze %dma_wait3A_271 : memref<1x512xf32, #tpu.memory_space<hbm>> -> memref<512xf32, #tpu.memory_space<hbm>>
      %dma_wait3A_273 = tpu.memref_slice %arg4[%run_scoped3A_251, %mul3A_2] : memref<16x16384xf32, #tpu.memory_space<hbm>> -> memref<1x512xf32, #tpu.memory_space<hbm>>
      %dma_wait3A_274 = tpu.memref_squeeze %dma_wait3A_273 : memref<1x512xf32, #tpu.memory_space<hbm>> -> memref<512xf32, #tpu.memory_space<hbm>>
      %dma_wait3A_275 = arith.constant 3072 : i32
      %dma_wait3A_276 = tpu.memref_slice %arg38[%dma_wait3A_275] : memref<8192xf32, #tpu.memory_space<vmem>> -> memref<512xf32, #tpu.memory_space<vmem>>
      tpu.wait_dma2 semaphore(%run_scoped3A_261 : memref<!tpu.dma_semaphore, #tpu.memory_space<semaphore_mem>>) src(%dma_wait3A_276 : memref<512xf32, #tpu.memory_space<vmem>>) dst(%dma_wait3A_274 : memref<512xf32, #tpu.memory_space<hbm>>)
      tpu.yield
    }) : () -> ()
    %run_scoped3A_252 = arith.constant 7 : i32
    "tpu.region"() ({
      %run_scoped3A_261 = tpu.sem_alloc : memref<!tpu.dma_semaphore, #tpu.memory_space<semaphore_mem>>
      %dma_start3A_262 = arith.constant 3584 : i32
      %dma_start3A_263 = tpu.memref_slice %arg38[%dma_start3A_262] : memref<8192xf32, #tpu.memory_space<vmem>> -> memref<512xf32, #tpu.memory_space<vmem>>
      %dma_start3A_264 = tpu.memref_slice %arg4[%run_scoped3A_252, %mul3A_2] : memref<16x16384xf32, #tpu.memory_space<hbm>> -> memref<1x512xf32, #tpu.memory_space<hbm>>
      %dma_start3A_265 = tpu.memref_squeeze %dma_start3A_264 : memref<1x512xf32, #tpu.memory_space<hbm>> -> memref<512xf32, #tpu.memory_space<hbm>>
      %dma_start3A_266 = tpu.memref_slice %arg4[%run_scoped3A_252, %mul3A_2] : memref<16x16384xf32, #tpu.memory_space<hbm>> -> memref<1x512xf32, #tpu.memory_space<hbm>>
      %dma_start3A_267 = tpu.memref_squeeze %dma_start3A_266 : memref<1x512xf32, #tpu.memory_space<hbm>> -> memref<512xf32, #tpu.memory_space<hbm>>
      %dma_start3A_268 = arith.constant 3584 : i32
      %dma_start3A_269 = tpu.memref_slice %arg38[%dma_start3A_268] : memref<8192xf32, #tpu.memory_space<vmem>> -> memref<512xf32, #tpu.memory_space<vmem>>
      tpu.enqueue_dma source(%dma_start3A_269 : memref<512xf32, #tpu.memory_space<vmem>>) target(%dma_start3A_267 : memref<512xf32, #tpu.memory_space<hbm>>) target_semaphore(%run_scoped3A_261 : memref<!tpu.dma_semaphore, #tpu.memory_space<semaphore_mem>>)
      %dma_wait3A = arith.constant 3584 : i32
      %dma_wait3A_270 = tpu.memref_slice %arg38[%dma_wait3A] : memref<8192xf32, #tpu.memory_space<vmem>> -> memref<512xf32, #tpu.memory_space<vmem>>
      %dma_wait3A_271 = tpu.memref_slice %arg4[%run_scoped3A_252, %mul3A_2] : memref<16x16384xf32, #tpu.memory_space<hbm>> -> memref<1x512xf32, #tpu.memory_space<hbm>>
      %dma_wait3A_272 = tpu.memref_squeeze %dma_wait3A_271 : memref<1x512xf32, #tpu.memory_space<hbm>> -> memref<512xf32, #tpu.memory_space<hbm>>
      %dma_wait3A_273 = tpu.memref_slice %arg4[%run_scoped3A_252, %mul3A_2] : memref<16x16384xf32, #tpu.memory_space<hbm>> -> memref<1x512xf32, #tpu.memory_space<hbm>>
      %dma_wait3A_274 = tpu.memref_squeeze %dma_wait3A_273 : memref<1x512xf32, #tpu.memory_space<hbm>> -> memref<512xf32, #tpu.memory_space<hbm>>
      %dma_wait3A_275 = arith.constant 3584 : i32
      %dma_wait3A_276 = tpu.memref_slice %arg38[%dma_wait3A_275] : memref<8192xf32, #tpu.memory_space<vmem>> -> memref<512xf32, #tpu.memory_space<vmem>>
      tpu.wait_dma2 semaphore(%run_scoped3A_261 : memref<!tpu.dma_semaphore, #tpu.memory_space<semaphore_mem>>) src(%dma_wait3A_276 : memref<512xf32, #tpu.memory_space<vmem>>) dst(%dma_wait3A_274 : memref<512xf32, #tpu.memory_space<hbm>>)
      tpu.yield
    }) : () -> ()
    %run_scoped3A_253 = arith.constant 8 : i32
    "tpu.region"() ({
      %run_scoped3A_261 = tpu.sem_alloc : memref<!tpu.dma_semaphore, #tpu.memory_space<semaphore_mem>>
      %dma_start3A_262 = arith.constant 4096 : i32
      %dma_start3A_263 = tpu.memref_slice %arg38[%dma_start3A_262] : memref<8192xf32, #tpu.memory_space<vmem>> -> memref<512xf32, #tpu.memory_space<vmem>>
      %dma_start3A_264 = tpu.memref_slice %arg4[%run_scoped3A_253, %mul3A_2] : memref<16x16384xf32, #tpu.memory_space<hbm>> -> memref<1x512xf32, #tpu.memory_space<hbm>>
      %dma_start3A_265 = tpu.memref_squeeze %dma_start3A_264 : memref<1x512xf32, #tpu.memory_space<hbm>> -> memref<512xf32, #tpu.memory_space<hbm>>
      %dma_start3A_266 = tpu.memref_slice %arg4[%run_scoped3A_253, %mul3A_2] : memref<16x16384xf32, #tpu.memory_space<hbm>> -> memref<1x512xf32, #tpu.memory_space<hbm>>
      %dma_start3A_267 = tpu.memref_squeeze %dma_start3A_266 : memref<1x512xf32, #tpu.memory_space<hbm>> -> memref<512xf32, #tpu.memory_space<hbm>>
      %dma_start3A_268 = arith.constant 4096 : i32
      %dma_start3A_269 = tpu.memref_slice %arg38[%dma_start3A_268] : memref<8192xf32, #tpu.memory_space<vmem>> -> memref<512xf32, #tpu.memory_space<vmem>>
      tpu.enqueue_dma source(%dma_start3A_269 : memref<512xf32, #tpu.memory_space<vmem>>) target(%dma_start3A_267 : memref<512xf32, #tpu.memory_space<hbm>>) target_semaphore(%run_scoped3A_261 : memref<!tpu.dma_semaphore, #tpu.memory_space<semaphore_mem>>)
      %dma_wait3A = arith.constant 4096 : i32
      %dma_wait3A_270 = tpu.memref_slice %arg38[%dma_wait3A] : memref<8192xf32, #tpu.memory_space<vmem>> -> memref<512xf32, #tpu.memory_space<vmem>>
      %dma_wait3A_271 = tpu.memref_slice %arg4[%run_scoped3A_253, %mul3A_2] : memref<16x16384xf32, #tpu.memory_space<hbm>> -> memref<1x512xf32, #tpu.memory_space<hbm>>
      %dma_wait3A_272 = tpu.memref_squeeze %dma_wait3A_271 : memref<1x512xf32, #tpu.memory_space<hbm>> -> memref<512xf32, #tpu.memory_space<hbm>>
      %dma_wait3A_273 = tpu.memref_slice %arg4[%run_scoped3A_253, %mul3A_2] : memref<16x16384xf32, #tpu.memory_space<hbm>> -> memref<1x512xf32, #tpu.memory_space<hbm>>
      %dma_wait3A_274 = tpu.memref_squeeze %dma_wait3A_273 : memref<1x512xf32, #tpu.memory_space<hbm>> -> memref<512xf32, #tpu.memory_space<hbm>>
      %dma_wait3A_275 = arith.constant 4096 : i32
      %dma_wait3A_276 = tpu.memref_slice %arg38[%dma_wait3A_275] : memref<8192xf32, #tpu.memory_space<vmem>> -> memref<512xf32, #tpu.memory_space<vmem>>
      tpu.wait_dma2 semaphore(%run_scoped3A_261 : memref<!tpu.dma_semaphore, #tpu.memory_space<semaphore_mem>>) src(%dma_wait3A_276 : memref<512xf32, #tpu.memory_space<vmem>>) dst(%dma_wait3A_274 : memref<512xf32, #tpu.memory_space<hbm>>)
      tpu.yield
    }) : () -> ()
    %run_scoped3A_254 = arith.constant 9 : i32
    "tpu.region"() ({
      %run_scoped3A_261 = tpu.sem_alloc : memref<!tpu.dma_semaphore, #tpu.memory_space<semaphore_mem>>
      %dma_start3A_262 = arith.constant 4608 : i32
      %dma_start3A_263 = tpu.memref_slice %arg38[%dma_start3A_262] : memref<8192xf32, #tpu.memory_space<vmem>> -> memref<512xf32, #tpu.memory_space<vmem>>
      %dma_start3A_264 = tpu.memref_slice %arg4[%run_scoped3A_254, %mul3A_2] : memref<16x16384xf32, #tpu.memory_space<hbm>> -> memref<1x512xf32, #tpu.memory_space<hbm>>
      %dma_start3A_265 = tpu.memref_squeeze %dma_start3A_264 : memref<1x512xf32, #tpu.memory_space<hbm>> -> memref<512xf32, #tpu.memory_space<hbm>>
      %dma_start3A_266 = tpu.memref_slice %arg4[%run_scoped3A_254, %mul3A_2] : memref<16x16384xf32, #tpu.memory_space<hbm>> -> memref<1x512xf32, #tpu.memory_space<hbm>>
      %dma_start3A_267 = tpu.memref_squeeze %dma_start3A_266 : memref<1x512xf32, #tpu.memory_space<hbm>> -> memref<512xf32, #tpu.memory_space<hbm>>
      %dma_start3A_268 = arith.constant 4608 : i32
      %dma_start3A_269 = tpu.memref_slice %arg38[%dma_start3A_268] : memref<8192xf32, #tpu.memory_space<vmem>> -> memref<512xf32, #tpu.memory_space<vmem>>
      tpu.enqueue_dma source(%dma_start3A_269 : memref<512xf32, #tpu.memory_space<vmem>>) target(%dma_start3A_267 : memref<512xf32, #tpu.memory_space<hbm>>) target_semaphore(%run_scoped3A_261 : memref<!tpu.dma_semaphore, #tpu.memory_space<semaphore_mem>>)
      %dma_wait3A = arith.constant 4608 : i32
      %dma_wait3A_270 = tpu.memref_slice %arg38[%dma_wait3A] : memref<8192xf32, #tpu.memory_space<vmem>> -> memref<512xf32, #tpu.memory_space<vmem>>
      %dma_wait3A_271 = tpu.memref_slice %arg4[%run_scoped3A_254, %mul3A_2] : memref<16x16384xf32, #tpu.memory_space<hbm>> -> memref<1x512xf32, #tpu.memory_space<hbm>>
      %dma_wait3A_272 = tpu.memref_squeeze %dma_wait3A_271 : memref<1x512xf32, #tpu.memory_space<hbm>> -> memref<512xf32, #tpu.memory_space<hbm>>
      %dma_wait3A_273 = tpu.memref_slice %arg4[%run_scoped3A_254, %mul3A_2] : memref<16x16384xf32, #tpu.memory_space<hbm>> -> memref<1x512xf32, #tpu.memory_space<hbm>>
      %dma_wait3A_274 = tpu.memref_squeeze %dma_wait3A_273 : memref<1x512xf32, #tpu.memory_space<hbm>> -> memref<512xf32, #tpu.memory_space<hbm>>
      %dma_wait3A_275 = arith.constant 4608 : i32
      %dma_wait3A_276 = tpu.memref_slice %arg38[%dma_wait3A_275] : memref<8192xf32, #tpu.memory_space<vmem>> -> memref<512xf32, #tpu.memory_space<vmem>>
      tpu.wait_dma2 semaphore(%run_scoped3A_261 : memref<!tpu.dma_semaphore, #tpu.memory_space<semaphore_mem>>) src(%dma_wait3A_276 : memref<512xf32, #tpu.memory_space<vmem>>) dst(%dma_wait3A_274 : memref<512xf32, #tpu.memory_space<hbm>>)
      tpu.yield
    }) : () -> ()
    %run_scoped3A_255 = arith.constant 10 : i32
    "tpu.region"() ({
      %run_scoped3A_261 = tpu.sem_alloc : memref<!tpu.dma_semaphore, #tpu.memory_space<semaphore_mem>>
      %dma_start3A_262 = arith.constant 5120 : i32
      %dma_start3A_263 = tpu.memref_slice %arg38[%dma_start3A_262] : memref<8192xf32, #tpu.memory_space<vmem>> -> memref<512xf32, #tpu.memory_space<vmem>>
      %dma_start3A_264 = tpu.memref_slice %arg4[%run_scoped3A_255, %mul3A_2] : memref<16x16384xf32, #tpu.memory_space<hbm>> -> memref<1x512xf32, #tpu.memory_space<hbm>>
      %dma_start3A_265 = tpu.memref_squeeze %dma_start3A_264 : memref<1x512xf32, #tpu.memory_space<hbm>> -> memref<512xf32, #tpu.memory_space<hbm>>
      %dma_start3A_266 = tpu.memref_slice %arg4[%run_scoped3A_255, %mul3A_2] : memref<16x16384xf32, #tpu.memory_space<hbm>> -> memref<1x512xf32, #tpu.memory_space<hbm>>
      %dma_start3A_267 = tpu.memref_squeeze %dma_start3A_266 : memref<1x512xf32, #tpu.memory_space<hbm>> -> memref<512xf32, #tpu.memory_space<hbm>>
      %dma_start3A_268 = arith.constant 5120 : i32
      %dma_start3A_269 = tpu.memref_slice %arg38[%dma_start3A_268] : memref<8192xf32, #tpu.memory_space<vmem>> -> memref<512xf32, #tpu.memory_space<vmem>>
      tpu.enqueue_dma source(%dma_start3A_269 : memref<512xf32, #tpu.memory_space<vmem>>) target(%dma_start3A_267 : memref<512xf32, #tpu.memory_space<hbm>>) target_semaphore(%run_scoped3A_261 : memref<!tpu.dma_semaphore, #tpu.memory_space<semaphore_mem>>)
      %dma_wait3A = arith.constant 5120 : i32
      %dma_wait3A_270 = tpu.memref_slice %arg38[%dma_wait3A] : memref<8192xf32, #tpu.memory_space<vmem>> -> memref<512xf32, #tpu.memory_space<vmem>>
      %dma_wait3A_271 = tpu.memref_slice %arg4[%run_scoped3A_255, %mul3A_2] : memref<16x16384xf32, #tpu.memory_space<hbm>> -> memref<1x512xf32, #tpu.memory_space<hbm>>
      %dma_wait3A_272 = tpu.memref_squeeze %dma_wait3A_271 : memref<1x512xf32, #tpu.memory_space<hbm>> -> memref<512xf32, #tpu.memory_space<hbm>>
      %dma_wait3A_273 = tpu.memref_slice %arg4[%run_scoped3A_255, %mul3A_2] : memref<16x16384xf32, #tpu.memory_space<hbm>> -> memref<1x512xf32, #tpu.memory_space<hbm>>
      %dma_wait3A_274 = tpu.memref_squeeze %dma_wait3A_273 : memref<1x512xf32, #tpu.memory_space<hbm>> -> memref<512xf32, #tpu.memory_space<hbm>>
      %dma_wait3A_275 = arith.constant 5120 : i32
      %dma_wait3A_276 = tpu.memref_slice %arg38[%dma_wait3A_275] : memref<8192xf32, #tpu.memory_space<vmem>> -> memref<512xf32, #tpu.memory_space<vmem>>
      tpu.wait_dma2 semaphore(%run_scoped3A_261 : memref<!tpu.dma_semaphore, #tpu.memory_space<semaphore_mem>>) src(%dma_wait3A_276 : memref<512xf32, #tpu.memory_space<vmem>>) dst(%dma_wait3A_274 : memref<512xf32, #tpu.memory_space<hbm>>)
      tpu.yield
    }) : () -> ()
    %run_scoped3A_256 = arith.constant 11 : i32
    "tpu.region"() ({
      %run_scoped3A_261 = tpu.sem_alloc : memref<!tpu.dma_semaphore, #tpu.memory_space<semaphore_mem>>
      %dma_start3A_262 = arith.constant 5632 : i32
      %dma_start3A_263 = tpu.memref_slice %arg38[%dma_start3A_262] : memref<8192xf32, #tpu.memory_space<vmem>> -> memref<512xf32, #tpu.memory_space<vmem>>
      %dma_start3A_264 = tpu.memref_slice %arg4[%run_scoped3A_256, %mul3A_2] : memref<16x16384xf32, #tpu.memory_space<hbm>> -> memref<1x512xf32, #tpu.memory_space<hbm>>
      %dma_start3A_265 = tpu.memref_squeeze %dma_start3A_264 : memref<1x512xf32, #tpu.memory_space<hbm>> -> memref<512xf32, #tpu.memory_space<hbm>>
      %dma_start3A_266 = tpu.memref_slice %arg4[%run_scoped3A_256, %mul3A_2] : memref<16x16384xf32, #tpu.memory_space<hbm>> -> memref<1x512xf32, #tpu.memory_space<hbm>>
      %dma_start3A_267 = tpu.memref_squeeze %dma_start3A_266 : memref<1x512xf32, #tpu.memory_space<hbm>> -> memref<512xf32, #tpu.memory_space<hbm>>
      %dma_start3A_268 = arith.constant 5632 : i32
      %dma_start3A_269 = tpu.memref_slice %arg38[%dma_start3A_268] : memref<8192xf32, #tpu.memory_space<vmem>> -> memref<512xf32, #tpu.memory_space<vmem>>
      tpu.enqueue_dma source(%dma_start3A_269 : memref<512xf32, #tpu.memory_space<vmem>>) target(%dma_start3A_267 : memref<512xf32, #tpu.memory_space<hbm>>) target_semaphore(%run_scoped3A_261 : memref<!tpu.dma_semaphore, #tpu.memory_space<semaphore_mem>>)
      %dma_wait3A = arith.constant 5632 : i32
      %dma_wait3A_270 = tpu.memref_slice %arg38[%dma_wait3A] : memref<8192xf32, #tpu.memory_space<vmem>> -> memref<512xf32, #tpu.memory_space<vmem>>
      %dma_wait3A_271 = tpu.memref_slice %arg4[%run_scoped3A_256, %mul3A_2] : memref<16x16384xf32, #tpu.memory_space<hbm>> -> memref<1x512xf32, #tpu.memory_space<hbm>>
      %dma_wait3A_272 = tpu.memref_squeeze %dma_wait3A_271 : memref<1x512xf32, #tpu.memory_space<hbm>> -> memref<512xf32, #tpu.memory_space<hbm>>
      %dma_wait3A_273 = tpu.memref_slice %arg4[%run_scoped3A_256, %mul3A_2] : memref<16x16384xf32, #tpu.memory_space<hbm>> -> memref<1x512xf32, #tpu.memory_space<hbm>>
      %dma_wait3A_274 = tpu.memref_squeeze %dma_wait3A_273 : memref<1x512xf32, #tpu.memory_space<hbm>> -> memref<512xf32, #tpu.memory_space<hbm>>
      %dma_wait3A_275 = arith.constant 5632 : i32
      %dma_wait3A_276 = tpu.memref_slice %arg38[%dma_wait3A_275] : memref<8192xf32, #tpu.memory_space<vmem>> -> memref<512xf32, #tpu.memory_space<vmem>>
      tpu.wait_dma2 semaphore(%run_scoped3A_261 : memref<!tpu.dma_semaphore, #tpu.memory_space<semaphore_mem>>) src(%dma_wait3A_276 : memref<512xf32, #tpu.memory_space<vmem>>) dst(%dma_wait3A_274 : memref<512xf32, #tpu.memory_space<hbm>>)
      tpu.yield
    }) : () -> ()
    %run_scoped3A_257 = arith.constant 12 : i32
    "tpu.region"() ({
      %run_scoped3A_261 = tpu.sem_alloc : memref<!tpu.dma_semaphore, #tpu.memory_space<semaphore_mem>>
      %dma_start3A_262 = arith.constant 6144 : i32
      %dma_start3A_263 = tpu.memref_slice %arg38[%dma_start3A_262] : memref<8192xf32, #tpu.memory_space<vmem>> -> memref<512xf32, #tpu.memory_space<vmem>>
      %dma_start3A_264 = tpu.memref_slice %arg4[%run_scoped3A_257, %mul3A_2] : memref<16x16384xf32, #tpu.memory_space<hbm>> -> memref<1x512xf32, #tpu.memory_space<hbm>>
      %dma_start3A_265 = tpu.memref_squeeze %dma_start3A_264 : memref<1x512xf32, #tpu.memory_space<hbm>> -> memref<512xf32, #tpu.memory_space<hbm>>
      %dma_start3A_266 = tpu.memref_slice %arg4[%run_scoped3A_257, %mul3A_2] : memref<16x16384xf32, #tpu.memory_space<hbm>> -> memref<1x512xf32, #tpu.memory_space<hbm>>
      %dma_start3A_267 = tpu.memref_squeeze %dma_start3A_266 : memref<1x512xf32, #tpu.memory_space<hbm>> -> memref<512xf32, #tpu.memory_space<hbm>>
      %dma_start3A_268 = arith.constant 6144 : i32
      %dma_start3A_269 = tpu.memref_slice %arg38[%dma_start3A_268] : memref<8192xf32, #tpu.memory_space<vmem>> -> memref<512xf32, #tpu.memory_space<vmem>>
      tpu.enqueue_dma source(%dma_start3A_269 : memref<512xf32, #tpu.memory_space<vmem>>) target(%dma_start3A_267 : memref<512xf32, #tpu.memory_space<hbm>>) target_semaphore(%run_scoped3A_261 : memref<!tpu.dma_semaphore, #tpu.memory_space<semaphore_mem>>)
      %dma_wait3A = arith.constant 6144 : i32
      %dma_wait3A_270 = tpu.memref_slice %arg38[%dma_wait3A] : memref<8192xf32, #tpu.memory_space<vmem>> -> memref<512xf32, #tpu.memory_space<vmem>>
      %dma_wait3A_271 = tpu.memref_slice %arg4[%run_scoped3A_257, %mul3A_2] : memref<16x16384xf32, #tpu.memory_space<hbm>> -> memref<1x512xf32, #tpu.memory_space<hbm>>
      %dma_wait3A_272 = tpu.memref_squeeze %dma_wait3A_271 : memref<1x512xf32, #tpu.memory_space<hbm>> -> memref<512xf32, #tpu.memory_space<hbm>>
      %dma_wait3A_273 = tpu.memref_slice %arg4[%run_scoped3A_257, %mul3A_2] : memref<16x16384xf32, #tpu.memory_space<hbm>> -> memref<1x512xf32, #tpu.memory_space<hbm>>
      %dma_wait3A_274 = tpu.memref_squeeze %dma_wait3A_273 : memref<1x512xf32, #tpu.memory_space<hbm>> -> memref<512xf32, #tpu.memory_space<hbm>>
      %dma_wait3A_275 = arith.constant 6144 : i32
      %dma_wait3A_276 = tpu.memref_slice %arg38[%dma_wait3A_275] : memref<8192xf32, #tpu.memory_space<vmem>> -> memref<512xf32, #tpu.memory_space<vmem>>
      tpu.wait_dma2 semaphore(%run_scoped3A_261 : memref<!tpu.dma_semaphore, #tpu.memory_space<semaphore_mem>>) src(%dma_wait3A_276 : memref<512xf32, #tpu.memory_space<vmem>>) dst(%dma_wait3A_274 : memref<512xf32, #tpu.memory_space<hbm>>)
      tpu.yield
    }) : () -> ()
    %run_scoped3A_258 = arith.constant 13 : i32
    "tpu.region"() ({
      %run_scoped3A_261 = tpu.sem_alloc : memref<!tpu.dma_semaphore, #tpu.memory_space<semaphore_mem>>
      %dma_start3A_262 = arith.constant 6656 : i32
      %dma_start3A_263 = tpu.memref_slice %arg38[%dma_start3A_262] : memref<8192xf32, #tpu.memory_space<vmem>> -> memref<512xf32, #tpu.memory_space<vmem>>
      %dma_start3A_264 = tpu.memref_slice %arg4[%run_scoped3A_258, %mul3A_2] : memref<16x16384xf32, #tpu.memory_space<hbm>> -> memref<1x512xf32, #tpu.memory_space<hbm>>
      %dma_start3A_265 = tpu.memref_squeeze %dma_start3A_264 : memref<1x512xf32, #tpu.memory_space<hbm>> -> memref<512xf32, #tpu.memory_space<hbm>>
      %dma_start3A_266 = tpu.memref_slice %arg4[%run_scoped3A_258, %mul3A_2] : memref<16x16384xf32, #tpu.memory_space<hbm>> -> memref<1x512xf32, #tpu.memory_space<hbm>>
      %dma_start3A_267 = tpu.memref_squeeze %dma_start3A_266 : memref<1x512xf32, #tpu.memory_space<hbm>> -> memref<512xf32, #tpu.memory_space<hbm>>
      %dma_start3A_268 = arith.constant 6656 : i32
      %dma_start3A_269 = tpu.memref_slice %arg38[%dma_start3A_268] : memref<8192xf32, #tpu.memory_space<vmem>> -> memref<512xf32, #tpu.memory_space<vmem>>
      tpu.enqueue_dma source(%dma_start3A_269 : memref<512xf32, #tpu.memory_space<vmem>>) target(%dma_start3A_267 : memref<512xf32, #tpu.memory_space<hbm>>) target_semaphore(%run_scoped3A_261 : memref<!tpu.dma_semaphore, #tpu.memory_space<semaphore_mem>>)
      %dma_wait3A = arith.constant 6656 : i32
      %dma_wait3A_270 = tpu.memref_slice %arg38[%dma_wait3A] : memref<8192xf32, #tpu.memory_space<vmem>> -> memref<512xf32, #tpu.memory_space<vmem>>
      %dma_wait3A_271 = tpu.memref_slice %arg4[%run_scoped3A_258, %mul3A_2] : memref<16x16384xf32, #tpu.memory_space<hbm>> -> memref<1x512xf32, #tpu.memory_space<hbm>>
      %dma_wait3A_272 = tpu.memref_squeeze %dma_wait3A_271 : memref<1x512xf32, #tpu.memory_space<hbm>> -> memref<512xf32, #tpu.memory_space<hbm>>
      %dma_wait3A_273 = tpu.memref_slice %arg4[%run_scoped3A_258, %mul3A_2] : memref<16x16384xf32, #tpu.memory_space<hbm>> -> memref<1x512xf32, #tpu.memory_space<hbm>>
      %dma_wait3A_274 = tpu.memref_squeeze %dma_wait3A_273 : memref<1x512xf32, #tpu.memory_space<hbm>> -> memref<512xf32, #tpu.memory_space<hbm>>
      %dma_wait3A_275 = arith.constant 6656 : i32
      %dma_wait3A_276 = tpu.memref_slice %arg38[%dma_wait3A_275] : memref<8192xf32, #tpu.memory_space<vmem>> -> memref<512xf32, #tpu.memory_space<vmem>>
      tpu.wait_dma2 semaphore(%run_scoped3A_261 : memref<!tpu.dma_semaphore, #tpu.memory_space<semaphore_mem>>) src(%dma_wait3A_276 : memref<512xf32, #tpu.memory_space<vmem>>) dst(%dma_wait3A_274 : memref<512xf32, #tpu.memory_space<hbm>>)
      tpu.yield
    }) : () -> ()
    %run_scoped3A_259 = arith.constant 14 : i32
    "tpu.region"() ({
      %run_scoped3A_261 = tpu.sem_alloc : memref<!tpu.dma_semaphore, #tpu.memory_space<semaphore_mem>>
      %dma_start3A_262 = arith.constant 7168 : i32
      %dma_start3A_263 = tpu.memref_slice %arg38[%dma_start3A_262] : memref<8192xf32, #tpu.memory_space<vmem>> -> memref<512xf32, #tpu.memory_space<vmem>>
      %dma_start3A_264 = tpu.memref_slice %arg4[%run_scoped3A_259, %mul3A_2] : memref<16x16384xf32, #tpu.memory_space<hbm>> -> memref<1x512xf32, #tpu.memory_space<hbm>>
      %dma_start3A_265 = tpu.memref_squeeze %dma_start3A_264 : memref<1x512xf32, #tpu.memory_space<hbm>> -> memref<512xf32, #tpu.memory_space<hbm>>
      %dma_start3A_266 = tpu.memref_slice %arg4[%run_scoped3A_259, %mul3A_2] : memref<16x16384xf32, #tpu.memory_space<hbm>> -> memref<1x512xf32, #tpu.memory_space<hbm>>
      %dma_start3A_267 = tpu.memref_squeeze %dma_start3A_266 : memref<1x512xf32, #tpu.memory_space<hbm>> -> memref<512xf32, #tpu.memory_space<hbm>>
      %dma_start3A_268 = arith.constant 7168 : i32
      %dma_start3A_269 = tpu.memref_slice %arg38[%dma_start3A_268] : memref<8192xf32, #tpu.memory_space<vmem>> -> memref<512xf32, #tpu.memory_space<vmem>>
      tpu.enqueue_dma source(%dma_start3A_269 : memref<512xf32, #tpu.memory_space<vmem>>) target(%dma_start3A_267 : memref<512xf32, #tpu.memory_space<hbm>>) target_semaphore(%run_scoped3A_261 : memref<!tpu.dma_semaphore, #tpu.memory_space<semaphore_mem>>)
      %dma_wait3A = arith.constant 7168 : i32
      %dma_wait3A_270 = tpu.memref_slice %arg38[%dma_wait3A] : memref<8192xf32, #tpu.memory_space<vmem>> -> memref<512xf32, #tpu.memory_space<vmem>>
      %dma_wait3A_271 = tpu.memref_slice %arg4[%run_scoped3A_259, %mul3A_2] : memref<16x16384xf32, #tpu.memory_space<hbm>> -> memref<1x512xf32, #tpu.memory_space<hbm>>
      %dma_wait3A_272 = tpu.memref_squeeze %dma_wait3A_271 : memref<1x512xf32, #tpu.memory_space<hbm>> -> memref<512xf32, #tpu.memory_space<hbm>>
      %dma_wait3A_273 = tpu.memref_slice %arg4[%run_scoped3A_259, %mul3A_2] : memref<16x16384xf32, #tpu.memory_space<hbm>> -> memref<1x512xf32, #tpu.memory_space<hbm>>
      %dma_wait3A_274 = tpu.memref_squeeze %dma_wait3A_273 : memref<1x512xf32, #tpu.memory_space<hbm>> -> memref<512xf32, #tpu.memory_space<hbm>>
      %dma_wait3A_275 = arith.constant 7168 : i32
      %dma_wait3A_276 = tpu.memref_slice %arg38[%dma_wait3A_275] : memref<8192xf32, #tpu.memory_space<vmem>> -> memref<512xf32, #tpu.memory_space<vmem>>
      tpu.wait_dma2 semaphore(%run_scoped3A_261 : memref<!tpu.dma_semaphore, #tpu.memory_space<semaphore_mem>>) src(%dma_wait3A_276 : memref<512xf32, #tpu.memory_space<vmem>>) dst(%dma_wait3A_274 : memref<512xf32, #tpu.memory_space<hbm>>)
      tpu.yield
    }) : () -> ()
    %run_scoped3A_260 = arith.constant 15 : i32
    "tpu.region"() ({
      %run_scoped3A_261 = tpu.sem_alloc : memref<!tpu.dma_semaphore, #tpu.memory_space<semaphore_mem>>
      %dma_start3A_262 = arith.constant 7680 : i32
      %dma_start3A_263 = tpu.memref_slice %arg38[%dma_start3A_262] : memref<8192xf32, #tpu.memory_space<vmem>> -> memref<512xf32, #tpu.memory_space<vmem>>
      %dma_start3A_264 = tpu.memref_slice %arg4[%run_scoped3A_260, %mul3A_2] : memref<16x16384xf32, #tpu.memory_space<hbm>> -> memref<1x512xf32, #tpu.memory_space<hbm>>
      %dma_start3A_265 = tpu.memref_squeeze %dma_start3A_264 : memref<1x512xf32, #tpu.memory_space<hbm>> -> memref<512xf32, #tpu.memory_space<hbm>>
      %dma_start3A_266 = tpu.memref_slice %arg4[%run_scoped3A_260, %mul3A_2] : memref<16x16384xf32, #tpu.memory_space<hbm>> -> memref<1x512xf32, #tpu.memory_space<hbm>>
      %dma_start3A_267 = tpu.memref_squeeze %dma_start3A_266 : memref<1x512xf32, #tpu.memory_space<hbm>> -> memref<512xf32, #tpu.memory_space<hbm>>
      %dma_start3A_268 = arith.constant 7680 : i32
      %dma_start3A_269 = tpu.memref_slice %arg38[%dma_start3A_268] : memref<8192xf32, #tpu.memory_space<vmem>> -> memref<512xf32, #tpu.memory_space<vmem>>
      tpu.enqueue_dma source(%dma_start3A_269 : memref<512xf32, #tpu.memory_space<vmem>>) target(%dma_start3A_267 : memref<512xf32, #tpu.memory_space<hbm>>) target_semaphore(%run_scoped3A_261 : memref<!tpu.dma_semaphore, #tpu.memory_space<semaphore_mem>>)
      %dma_wait3A = arith.constant 7680 : i32
      %dma_wait3A_270 = tpu.memref_slice %arg38[%dma_wait3A] : memref<8192xf32, #tpu.memory_space<vmem>> -> memref<512xf32, #tpu.memory_space<vmem>>
      %dma_wait3A_271 = tpu.memref_slice %arg4[%run_scoped3A_260, %mul3A_2] : memref<16x16384xf32, #tpu.memory_space<hbm>> -> memref<1x512xf32, #tpu.memory_space<hbm>>
      %dma_wait3A_272 = tpu.memref_squeeze %dma_wait3A_271 : memref<1x512xf32, #tpu.memory_space<hbm>> -> memref<512xf32, #tpu.memory_space<hbm>>
      %dma_wait3A_273 = tpu.memref_slice %arg4[%run_scoped3A_260, %mul3A_2] : memref<16x16384xf32, #tpu.memory_space<hbm>> -> memref<1x512xf32, #tpu.memory_space<hbm>>
      %dma_wait3A_274 = tpu.memref_squeeze %dma_wait3A_273 : memref<1x512xf32, #tpu.memory_space<hbm>> -> memref<512xf32, #tpu.memory_space<hbm>>
      %dma_wait3A_275 = arith.constant 7680 : i32
      %dma_wait3A_276 = tpu.memref_slice %arg38[%dma_wait3A_275] : memref<8192xf32, #tpu.memory_space<vmem>> -> memref<512xf32, #tpu.memory_space<vmem>>
      tpu.wait_dma2 semaphore(%run_scoped3A_261 : memref<!tpu.dma_semaphore, #tpu.memory_space<semaphore_mem>>) src(%dma_wait3A_276 : memref<512xf32, #tpu.memory_space<vmem>>) dst(%dma_wait3A_274 : memref<512xf32, #tpu.memory_space<hbm>>)
      tpu.yield
    }) : () -> ()
    return
  }
}

</mosaic_0001>

<sc_bundles>
// kernel: kernel.3.cloned.1.call-start
scs
__scs_entry_jumppad:
0x0: {  	(pc) =	sbr.rel $0x88, $3  }
0x1: {  	(tag) =	ssettag $0x0;
	lr =	simm.s32 $0x1  }
0x2: {  	[smem:$0x3F9F] =	sst lr;
	_ =	strace $0xD0000000  }
0x3: {  	_ = 	snop  }
0x4: {  	_ = 	snop  }
0x5: {  	_ = 	snop  }
0x6: {  	_ = 	snop  }
0x7: {  	_ = 	snop  }
__scs_overlays_trampoline_lowered:
0x8: {  	[smem:$0x3FAE] =	sst s0  }
0x9: {  	[smem:$0x3FAF] =	sst s1  }
0xa: {  	[smem:$0x3FB0] =	sst s2  }
0xb: {  	[smem:$0x3FB1] =	sst s3  }
0xc: {  	[smem:$0x3FB2] =	sst s4  }
0xd: {  	[smem:$0x3FB3] =	sst s5  }
0xe: {  	[smem:$0x3FB4] =	sst s6  }
0xf: {  	[smem:$0x3FB5] =	sst s7  }
0x10: {  	[smem:$0x3FB6] =	sst s8  }
0x11: {  	[smem:$0x3FB7] =	sst s9;
	s0 =	simm.s32 @!p0 $0x0  }
0x12: {  	s1 =	sld [smem:$0x3F9D];
	s0 =	simm.s32 @p0 $0x1  }
0x13: {  	[smem:$0x3FB8] =	sst s0;
	s0 =	simm.s32 @!p1 $0x0  }
0x14: {  	s2 =	sld [smem:$0x3F9C];
	s0 =	simm.s32 @p1 $0x1  }
0x15: {  	[smem:$0x3FB9] =	sst s0;
	s0 =	simm.s32 @!p2 $0x0  }
0x16: {  	s3 =	sld [smem:$0x3FDB];
	s0 =	simm.s32 @p2 $0x1  }
0x17: {  	s4 =	simm.s32 $0x1BF5;
	[smem:$0x3FBB] =	sst s0  }
0x18: {  	s0 =	sld [smem:$0x3F9E];
	_ =	swait.ge [sflag:s4], $0x0  }
0x19: {  	s7 =	sld [smem:$0x3F9F]  }
0x1a: {  	s8 =	sadd.s32 $0xFFFFE003, lr  }
0x1b: {  	s9 =	sadd.s32 $0xFFFFFEF7, lr;
	s5 =	simm.s32 $0xFFFFFFFF;
	p2 =	slt.u32 s8, $0xFFFFF086  }
0x1c: {  	p1 =	slt.u32 s9, $0xF7A;
	s5 =	simm.s32 @!p2 $0x0  }
0x1d: {  	s5 =	simm.s32 @p1 $0x1;
	p0 =	seq.s32 s7, s2  }
0x1e: {  	s7 =	smul.u32 @!p0 $0xF7A, s2;
	p2 =	seq.s32 @!p0 s5, $0x0  }
0x1f: {  	s9 =	smul.u32 $0xF7A, s1;
	s8 =	simm.s32 @!p0 $0x1BF5;
	p2 =	por !p2, p0  }
0x20: {  	[sflag:s8] =	ssyncset.s32 @!p0 $0xFFFFF086;
	s6 =	sadd.s32 @!p0 s3, s7;
	s7 =	simm.s32 @!p0 $0x108  }
0x21: {  	s3 =	sadd.s32 s3, s9;
	s6 =	sadd.s32 @!p0 $0x88, s6;
	s7 =	simm.s32 @p2 $0x1082  }
0x22: {  	[simem:s7], [sflag:s8] =	dma.local @!p0 [hbm:s6], $0xF7A  }
0x23: {  	s9 =	sor.u32 $0xD0000000, s2;
	s6 =	simm.s32 $0x108;
	_ =	swait.ge @!p0 [sflag:s8], $0x0  }
0x24: {  	s3 =	sadd.s32 $0x88, s3;
	s6 =	simm.s32 @!p1 $0x1082;
	[sflag:s4] =	ssyncset.s32 $0xFFFFF086  }
0x25: {  	[simem:s6], [sflag:s4] =	dma.local [hbm:s3], $0xF7A  }
0x26: {  	[smem:$0x3F9F] =	sst s1;
	(tag) =	ssettag s2;
	_ =	strace s9  }
0x27: {  	s1 =	sld [smem:$0x3FAF]  }
0x28: {  	s2 =	sld [smem:$0x3FB0]  }
0x29: {  	s4 =	sld [smem:$0x3FB2]  }
0x2a: {  	p0 =	seq.s32 s5, $0x0;
	s5 =	sld [smem:$0x3FB3]  }
0x2b: {  	s6 =	sld [smem:$0x3FB4]  }
0x2c: {  	s7 =	sld [smem:$0x3FB5]  }
0x2d: {  	s3 =	simm.s32 $0x108;
	s8 =	sld [smem:$0x3FB6]  }
0x2e: {  	s3 =	simm.s32 @!p0 $0x1082;
	s9 =	sld [smem:$0x3FB7]  }
0x2f: {  	lr =	sadd.s32 s0, s3;
	s0 =	sld [smem:$0x3FAE]  }
0x30: {  	s3 =	sld [smem:$0x3FB1]  }
0x31: {  	[smem:$0x3FBA] =	sst s10  }
0x32: {  	s10 =	sld [smem:$0x3FB8];
	_ =	sdelay $0x3  }
0x33: {  	p0 =	seq.s32 s10, $0x1;
	s10 =	sld [smem:$0x3FBA];
	_ =	sdelay $0x3  }
0x34: {  	[smem:$0x3FBA] =	sst s10  }
0x35: {  	s10 =	sld [smem:$0x3FB9];
	_ =	sdelay $0x3  }
0x36: {  	p1 =	seq.s32 s10, $0x1;
	s10 =	sld [smem:$0x3FBA];
	_ =	sdelay $0x3  }
0x37: {  	[smem:$0x3FBA] =	sst s10  }
0x38: {  	s10 =	sld [smem:$0x3FBB]  }
0x39: {  	_ = 	snop;
	(pc) =	sbr.ind lr, $3  }
0x3a: {  	_ = 	snop  }
0x3b: {  	_ = 	snop  }
0x3c: {  	p2 =	seq.s32 s10, $0x1;
	s10 =	sld [smem:$0x3FBA]  }
0x3d: {  	_ =	shalt  }
0x3e: {  	_ =	shalt  }
0x3f: {  	_ =	shalt  }
0x40: {  	_ =	shalt  }
0x41: {  	_ =	shalt  }
0x42: {  	_ =	shalt  }
0x43: {  	_ =	shalt  }
0x44: {  	_ =	shalt  }
0x45: {  	_ =	shalt  }
0x46: {  	_ =	shalt  }
0x47: {  	_ =	shalt  }
0x48: {  	_ =	shalt  }
0x49: {  	_ =	shalt  }
0x4a: {  	_ =	shalt  }
0x4b: {  	_ =	shalt  }
0x4c: {  	_ =	shalt  }
0x4d: {  	_ =	shalt  }
0x4e: {  	_ =	shalt  }
0x4f: {  	_ =	shalt  }
0x50: {  	_ =	shalt  }
0x51: {  	_ =	shalt  }
0x52: {  	_ =	shalt  }
0x53: {  	_ =	shalt  }
0x54: {  	_ =	shalt  }
0x55: {  	_ =	shalt  }
0x56: {  	_ =	shalt  }
0x57: {  	_ =	shalt  }
0x58: {  	_ =	shalt  }
0x59: {  	_ =	shalt  }
0x5a: {  	_ =	shalt  }
0x5b: {  	_ =	shalt  }
0x5c: {  	_ =	shalt  }
0x5d: {  	_ =	shalt  }
0x5e: {  	_ =	shalt  }
0x5f: {  	_ =	shalt  }
0x60: {  	_ =	shalt  }
0x61: {  	_ =	shalt  }
0x62: {  	_ =	shalt  }
0x63: {  	_ =	shalt  }
0x64: {  	_ =	shalt  }
0x65: {  	_ =	shalt  }
0x66: {  	_ =	shalt  }
0x67: {  	_ =	shalt  }
0x68: {  	_ =	shalt  }
0x69: {  	_ =	shalt  }
0x6a: {  	_ =	shalt  }
0x6b: {  	_ =	shalt  }
0x6c: {  	_ =	shalt  }
0x6d: {  	_ =	shalt  }
0x6e: {  	_ =	shalt  }
0x6f: {  	_ =	shalt  }
0x70: {  	_ =	shalt  }
0x71: {  	_ =	shalt  }
0x72: {  	_ =	shalt  }
0x73: {  	_ =	shalt  }
0x74: {  	_ =	shalt  }
0x75: {  	_ =	shalt  }
0x76: {  	_ =	shalt  }
0x77: {  	_ =	shalt  }
0x78: {  	_ =	shalt  }
0x79: {  	_ =	shalt  }
0x7a: {  	_ =	shalt  }
0x7b: {  	_ =	shalt  }
0x7c: {  	_ =	shalt  }
0x7d: {  	_ =	shalt  }
0x7e: {  	_ =	shalt  }
0x7f: {  	_ =	shalt  }
0x80: {  	_ =	shalt  }
0x81: {  	_ =	shalt  }
0x82: {  	_ =	shalt  }
0x83: {  	_ =	shalt  }
0x84: {  	_ =	shalt  }
0x85: {  	_ =	shalt  }
0x86: {  	_ =	shalt  }
0x87: {  	_ =	shalt  }
.Lfunc_end0:
.L_simem_size_0:
called_computation_lowered:
.L_overlay_start_0:
0x88: {  	s2 =	sld [smem:$0x3FD9]  }
0x89: {  	s3 =	sld [smem:$0x3FFE];
	_ =	sdelay $0x1  }
0x8a: {  	s1 =	srdreg.scid  }
0x8b: {  	s0 =	sand.u32 $0x1, s1  }
0x8c: {  	s18 =	sshll.u32 s0, $0xA;
	s2 =	sadd.s32 s3, s2  }
0x8d: {  	s2 =	sadd.s32 s2, s18  }
0x8e: {  	[smem:$0x3FC6] =	sst s2  }
0x8f: {  	_ = 	snop  }
0x90: {  	s2 =	sld [smem:$0x3FC9]  }
0x91: {  	s19 =	sld [smem:$0x3FC8]  }
0x92: {  	s4 =	sld [smem:$0x3FD0];
	(tm) =	ssettm $0x1  }
0x93: {  	s5 =	sld [smem:$0x3FFB];
	_ =	sdelay $0x3  }
0x94: {  	_ =	strace s5  }
0x95: {  	s5 =	sld [smem:$0x3FFC];
	_ =	sdelay $0x3  }
0x96: {  	_ =	strace s5  }
0x97: {  	s5 =	sld [smem:$0x3FFD];
	_ =	sdelay $0x3  }
0x98: {  	_ =	strace s5  }
0x99: {  	_ =	strace $0x8FFFFFFF  }
0x9a: {  	s20 =	sld [smem:$0x3FDB];
	_ =	sdelay $0x1  }
0x9b: {  	s6 =	simm.s32 $_scs_section_size  }
0x9c: {  	s7 =	simm.s32 $_size__tile_overlayer_lowered;
	s8 =	simm.s32 $_tile_overlayer_lowered  }
0x9d: {  	s23 =	simm.s32 $0x1BFF;
	s22 =	sshll.u32 s8, $0x1;
	s5 =	sadd.s32 s6, s20  }
0x9e: {  	s9 =	simm.s32 $0x0;
	s21 =	sshll.u32 s7, $0x1;
	s7 =	sadd.s32 s22, s5  }
0x9f: {  	[timem:s9], [sflag:s23] =	dma.local [hbm:s7], s21  }
0xa0: {  	_ =	swait.ge [sflag:s23], s21  }
0xa1: {  	s6 =	ssub.s32 $0x0, s21;
	[sflag:s23] =	ssyncset.done $0x0  }
0xa2: {  	[sflag:s23] =	ssyncadd.s32 s6;
	_ =	sdelay $0x1  }
0xa3: {  	s24 =	simm.s32 $0x1B8B  }
0xa4: {  	_ =	swait.ge [sflag:s24], $0x1  }
0xa5: {  	[sflag:s24] =	ssyncset.done $0x0  }
0xa6: {  	s25 =	simm.s32 $0x1B8E;
	[sflag:s24] =	ssyncadd.s32 $0xFFFFFFFF  }
0xa7: {  	s26 =	simm.s32 $execute0_lowered;
	[smem:$0x3FD2] =	sst s25  }
0xa8: {  	s6 =	sshll.u32 s26, $0x1;
	_ =	strace $0x80000046;
	[dreg:$0x1] =	wrdreg $0xFFFFFFFF  }
0xa9: {  	s28 =	simm.s32 $_size_execute0_lowered;
	s5 =	sadd.s32 s5, s6;
	[dreg:$0x0] =	wrdreg $0x0  }
0xaa: {  	s6 =	sshll.u32 s28, $0x1;
	[dreg:$0x2] =	wrdreg s5  }
0xab: {  	[dreg:$0x3] =	wrdreg s6  }
0xac: {  	[dreg:$0x4] =	wrdreg $0xC0  }
0xad: {  	_ =	task [dreg:s9], $0x5FFFF  }
0xae: {  	[dreg:$0x1] =	wrdreg $0xFFFFFFFF  }
0xaf: {  	[dreg:$0x0] =	wrdreg $0x60  }
0xb0: {  	[dreg:$0x2] =	wrdreg s2  }
0xb1: {  	[dreg:$0x3] =	wrdreg s19  }
0xb2: {  	[dreg:$0x4] =	wrdreg s4  }
0xb3: {  	[dreg:$0x5] =	wrdreg $0x9  }
0xb4: {  	_ =	task.clear_ibuf [dreg:s9], $0x6FFFF;
	_ =	strace $0x90000046  }
0xb5: {  	s29 =	simm.s32 $0x9;
	_ =	strace $0x80000048  }
0xb6: {  	_ =	swait.ge [sflag:s29], $0x1  }
0xb7: {  	[sflag:s29] =	ssyncadd.s32 $0xFFFFFFFF  }
0xb8: {  	_ =	strace $0x90000048  }
0xb9: {  	_ =	sfence  }
0xba: {  	s30 =	sld [smem:$0x0];
	_ =	sdelay $0x2  }
0xbb: {  	s31 =	sshll.u32 s1, $0xD;
	s1 =	sshrl.u32 s1, $0x2  }
0xbc: {  	s3 =	sand.u32 $0x4000, s31;
	s1 =	sadd.s32 s1, s30  }
0xbd: {  	s0 =	sor.u32 s3, s0;
	s1 =	sshll.u32 s1, $0x11  }
0xbe: {  	s0 =	sor.u32 s1, s0  }
0xbf: {  	s0 =	sadd.s32 $0x8F2B, s0  }
0xc0: {  	[sflag:s0] =	ssyncadd.remote.s32 $0x1  }
0xc1: {  	_ =	sfence.sel $0xFFFF  }
0xc2: {  	[dreg:$0x0] =	wrdreg $0xFFFFFFFF;
	(pc) =	sbr.abs _section_cstart, $3  }
0xc3: {  	[dreg:$0x1] =	wrdreg $0xFFFFFFFF  }
0xc4: {  	_ =	task.clear_ibuf [dreg:s9], $0x2FFFF;
	_ =	strace $0x9FFFFFFF  }
0xc5: {  	(tm) =	ssettm $0x7FFFFFFF  }
tec
execute0_lowered:
.L_overlay_start_1:
0x0: {  	(tag) =	ssettag $0x1  }
0x1: {  	s3 =	srdreg.scid  }
0x2: {  	s0 =	rddreg [dreg:$0x0];
	s4 =	stileid.u32;
	s3 =	sand.u32 $0x1, s3  }
0x3: {  	s1 =	rddreg [dreg:$0x1];
	s4 =	sshll.u32 s4, $0xA;
	s8 =	sshll.u32 s3, $0x9  }
0x4: {  	s2 =	rddreg [dreg:$0x2];
	s5 =	simm.s32 $0x0;
	s4 =	sor.u32 s8, s4  }
0x5: {  	[smem:$0x7FF] =	sst s5;
	s6 =	sshrl.u32 s4, $0x3;
	s4 =	sadd.s32 s2, s4  }
0x6: {  	_ =	strace $0x80000047;
	s0 =	sadd.s32 s0, s6;
	[dreg:$0x4] =	wrdreg s4  }
0x7: {  	s11 =	sadd.s32 $0x10, s4;
	[dreg:$0x5] =	wrdreg s0  }
0x8: {  	s28 =	simm.s32 $0xDA00;
	s12 =	sadd.s32 $0x20, s4;
	[dreg:$0x6] =	wrdreg s11  }
0x9: {  	s29 =	simm.s32 $0xE200;
	s13 =	sadd.s32 $0x30, s4;
	[dreg:$0x7] =	wrdreg s12  }
0xa: {  	s30 =	simm.s32 $0xEA00;
	s14 =	sadd.s32 $0x40, s4;
	[dreg:$0x8] =	wrdreg s13  }
0xb: {  	s31 =	simm.s32 $0xF200;
	s15 =	sadd.s32 $0x50, s4;
	[dreg:$0x9] =	wrdreg s14  }
0xc: {  	s7 =	simm.s32 $0x0;
	s16 =	sadd.s32 $0x60, s4;
	[dreg:$0xa] =	wrdreg s15  }
0xd: {  	s5 =	simm.s32 $0x4;
	s17 =	sadd.s32 $0x70, s4;
	[dreg:$0xb] =	wrdreg s16  }
0xe: {  	s3 =	ssub.s32 $0x2, s3;
	s18 =	sadd.s32 $0x4000, s4;
	[dreg:$0xc] =	wrdreg s17  }
0xf: {  	s9 =	sshrl.u32 s3, $0x1;
	s19 =	sadd.s32 $0x4010, s4;
	[dreg:$0xd] =	wrdreg s18  }
0x10: {  	s8 =	simm.s32 $0x1A00;
	s20 =	sadd.s32 $0x4020, s4;
	[dreg:$0xe] =	wrdreg s19  }
0x11: {  	s10 =	ssub.s32 s3, s9;
	s21 =	sadd.s32 $0x4030, s4;
	[dreg:$0xf] =	wrdreg s20  }
0x12: {  	s9 =	simm.s32 $0x2200;
	s22 =	sadd.s32 $0x4040, s4;
	[dreg:$0x10] =	wrdreg s21  }
0x13: {  	s2 =	simm.s32 $0x2;
	s23 =	sadd.s32 $0x4050, s4;
	[dreg:$0x11] =	wrdreg s22  }
0x14: {  	s3 =	simm.s32 $0x3;
	s24 =	sadd.s32 $0x4060, s4;
	[dreg:$0x12] =	wrdreg s23  }
0x15: {  	s25 =	sadd.s32 $0x4070, s4;
	s26 =	smax.u32 s10, $0x1;
	[dreg:$0x13] =	wrdreg s24  }
0x16: {  	s10 =	simm.s32 $0x200;
	s4 =	simm.s32 $0xC200;
	[dreg:$0x14] =	wrdreg s25  }
0x17: {  	[dreg:$0x15] =	wrdreg s26;
	s22 =	simm.s32 $0x5;
	s23 =	simm.s32 $0x400  }
0x18: {  	s24 =	simm.s32 $0x7A1400;
	s11 =	simm.s32 $0xA00;
	s12 =	simm.s32 $0x1200  }
0x19: {  	s13 =	simm.s32 $0x2A00;
	s14 =	simm.s32 $0x3200;
	s15 =	simm.s32 $0x3A00  }
0x1a: {  	s16 =	simm.s32 $0x4200;
	s17 =	simm.s32 $0x4A00;
	s18 =	simm.s32 $0x5200  }
0x1b: {  	v1 =	vlaneseq.u32;
	s19 =	simm.s32 $0x5A00;
	s20 =	simm.s32 $0x1;
	s21 =	simm.s32 $0x10200  }
0x1c: {  	v0 =	vmul.u32 $0x80, v1;
	v1 =	vmul.u32 $0x200, v1;
	s25 =	simm.s32 $0xCA00;
	s26 =	simm.s32 $0xD200;
	s0 =	simm.s32 $0xFA00  }
.LBB2_1:
0x1d: {  	[dreg:$0x16] =	wrdreg s7  }
0x1e: {  	s6 =	simm.s32 $0x0;
	s7 =	rddreg [dreg:$0x5]  }
0x1f: {  	[tilespmem:s6], [sflag:$0x5] =	stream.linear.gather [hbm4b:s7+s6], $0x200, $0x38;
	[tilespmem:$0x12200] =	vst v63  }
0x20: {  	_ =	swait.ge [sflag:s22], $0x200  }
0x21: {  	[sflag:s22] =	ssyncset.done $0x0  }
0x22: {  	[sflag:s22] =	ssyncadd.s32 $0xFFFFFE00  }
0x23: {  	v2 =	vld [tilespmem:$0x0];
	_ =	sdelay $0x4  }
0x24: {  	(v2sf) =	vpush v2, $0x0;
	_ =	sdelay $0x3  }
0x25: {  	(v2sf) =	vpush v2, $0x1;
	_ =	sdelay $0x2  }
0x26: {  	(v2sf) =	vpush v2, $0x2;
	_ =	sdelay $0x2  }
0x27: {  	(v2sf) =	vpush v2, $0x3;
	_ =	sdelay $0x4  }
0x28: {  	s7 =	spop (v2sf);
	(v2sf) =	vpush v2, $0x4;
	_ =	sdelay $0x2  }
0x29: {  	s6 =	sand.u32 $0xFFFFF80, s7  }
0x2a: {  	s7 =	spop (v2sf);
	(v2sf) =	vpush v2, $0x5;
	s6 =	sadd.s32 s1, s6  }
0x2b: {  	[tilespmem:s10], [sflag:$0x1] =	stream.strided.gather [hbm4b:s6+s23], $0x800, s24, s23, $0x38;
	[tilespmem:$0x12200] =	vst v63  }
0x2c: {  	s6 =	sand.u32 $0xFFFFF80, s7  }
0x2d: {  	s7 =	spop (v2sf);
	s6 =	sadd.s32 s1, s6  }
0x2e: {  	(v2sf) =	vpush v2, $0x6;
	[tilespmem:s11], [sflag:$0x1] =	stream.strided.gather [hbm4b:s6+s23], $0x800, s24, s23, $0x38;
	[tilespmem:$0x12200] =	vst v63  }
0x2f: {  	s6 =	sand.u32 $0xFFFFF80, s7  }
0x30: {  	s7 =	spop (v2sf);
	s6 =	sadd.s32 s1, s6  }
0x31: {  	[tilespmem:s12], [sflag:$0x1] =	stream.strided.gather [hbm4b:s6+s23], $0x800, s24, s23, $0x38;
	[tilespmem:$0x12200] =	vst v63  }
0x32: {  	(v2sf) =	vpush v2, $0x7;
	s6 =	sand.u32 $0xFFFFF80, s7  }
0x33: {  	s6 =	sadd.s32 s1, s6  }
0x34: {  	[tilespmem:s8], [sflag:$0x1] =	stream.strided.gather [hbm4b:s6+s23], $0x800, s24, s23, $0x38;
	[tilespmem:$0x12200] =	vst v63  }
0x35: {  	s8 =	spop (v2sf)  }
0x36: {  	s6 =	sand.u32 $0xFFFFF80, s8  }
0x37: {  	s6 =	sadd.s32 s1, s6  }
0x38: {  	[tilespmem:s9], [sflag:$0x1] =	stream.strided.gather [hbm4b:s6+s23], $0x800, s24, s23, $0x38;
	[tilespmem:$0x12200] =	vst v63  }
0x39: {  	s9 =	spop (v2sf)  }
0x3a: {  	s6 =	sand.u32 $0xFFFFF80, s9  }
0x3b: {  	s6 =	sadd.s32 s1, s6  }
0x3c: {  	[tilespmem:s13], [sflag:$0x1] =	stream.strided.gather [hbm4b:s6+s23], $0x800, s24, s23, $0x38;
	[tilespmem:$0x12200] =	vst v63  }
0x3d: {  	s13 =	spop (v2sf)  }
0x3e: {  	s6 =	sand.u32 $0xFFFFF80, s13  }
0x3f: {  	s6 =	sadd.s32 s1, s6  }
0x40: {  	[tilespmem:s14], [sflag:$0x1] =	stream.strided.gather [hbm4b:s6+s23], $0x800, s24, s23, $0x38;
	[tilespmem:$0x12200] =	vst v63  }
0x41: {  	s14 =	spop (v2sf)  }
0x42: {  	s6 =	sand.u32 $0xFFFFF80, s14  }
0x43: {  	s6 =	sadd.s32 s1, s6  }
0x44: {  	[tilespmem:s15], [sflag:$0x1] =	stream.strided.gather [hbm4b:s6+s23], $0x800, s24, s23, $0x38;
	[tilespmem:$0x12200] =	vst v63  }
0x45: {  	v2 =	vld [tilespmem:$0x0];
	_ =	sdelay $0x4  }
0x46: {  	(v2sf) =	vpush v2, $0x8;
	_ =	sdelay $0x3  }
0x47: {  	(v2sf) =	vpush v2, $0x9;
	_ =	sdelay $0x1  }
0x48: {  	(v2sf) =	vpush v2, $0xA;
	_ =	sdelay $0x1  }
0x49: {  	(v2sf) =	vpush v2, $0xB;
	_ =	sdelay $0x3  }
0x4a: {  	(v2sf) =	vpush v2, $0xC;
	_ =	sdelay $0x2  }
0x4b: {  	s15 =	spop (v2sf)  }
0x4c: {  	s6 =	sand.u32 $0xFFFFF80, s15  }
0x4d: {  	(v2sf) =	vpush v2, $0xD;
	s6 =	sadd.s32 s1, s6  }
0x4e: {  	[tilespmem:s16], [sflag:$0x2] =	stream.strided.gather [hbm4b:s6+s23], $0x800, s24, s23, $0x38;
	[tilespmem:$0x12200] =	vst v63  }
0x4f: {  	s16 =	spop (v2sf)  }
0x50: {  	s6 =	sand.u32 $0xFFFFF80, s16  }
0x51: {  	(v2sf) =	vpush v2, $0xE;
	s7 =	spop (v2sf);
	s6 =	sadd.s32 s1, s6  }
0x52: {  	[tilespmem:s17], [sflag:$0x2] =	stream.strided.gather [hbm4b:s6+s23], $0x800, s24, s23, $0x38;
	[tilespmem:$0x12200] =	vst v63  }
0x53: {  	s8 =	spop (v2sf);
	(v2sf) =	vpush v2, $0xF;
	s6 =	sand.u32 $0xFFFFF80, s7  }
0x54: {  	s6 =	sadd.s32 s1, s6  }
0x55: {  	[tilespmem:s18], [sflag:$0x2] =	stream.strided.gather [hbm4b:s6+s23], $0x800, s24, s23, $0x38;
	[tilespmem:$0x12200] =	vst v63  }
0x56: {  	s6 =	sand.u32 $0xFFFFF80, s8  }
0x57: {  	s9 =	spop (v2sf);
	s6 =	sadd.s32 s1, s6  }
0x58: {  	[tilespmem:s19], [sflag:$0x2] =	stream.strided.gather [hbm4b:s6+s23], $0x800, s24, s23, $0x38;
	[tilespmem:$0x12200] =	vst v63  }
0x59: {  	s6 =	sand.u32 $0xFFFFF80, s9  }
0x5a: {  	s13 =	simm.s32 $0x6200;
	s6 =	sadd.s32 s1, s6  }
0x5b: {  	[tilespmem:s13], [sflag:$0x2] =	stream.strided.gather [hbm4b:s6+s23], $0x800, s24, s23, $0x38;
	[tilespmem:$0x12200] =	vst v63  }
0x5c: {  	s14 =	spop (v2sf)  }
0x5d: {  	s6 =	sand.u32 $0xFFFFF80, s14  }
0x5e: {  	s15 =	simm.s32 $0x6A00;
	s6 =	sadd.s32 s1, s6  }
0x5f: {  	[tilespmem:s15], [sflag:$0x2] =	stream.strided.gather [hbm4b:s6+s23], $0x800, s24, s23, $0x38;
	[tilespmem:$0x12200] =	vst v63  }
0x60: {  	s16 =	spop (v2sf)  }
0x61: {  	s6 =	sand.u32 $0xFFFFF80, s16  }
0x62: {  	s17 =	simm.s32 $0x7200;
	s6 =	sadd.s32 s1, s6;
	s18 =	spop (v2sf)  }
0x63: {  	[tilespmem:s17], [sflag:$0x2] =	stream.strided.gather [hbm4b:s6+s23], $0x800, s24, s23, $0x38;
	[tilespmem:$0x12200] =	vst v63  }
0x64: {  	s6 =	sand.u32 $0xFFFFF80, s18  }
0x65: {  	s19 =	simm.s32 $0x7A00;
	s6 =	sadd.s32 s1, s6  }
0x66: {  	[tilespmem:s19], [sflag:$0x2] =	stream.strided.gather [hbm4b:s6+s23], $0x800, s24, s23, $0x38;
	[tilespmem:$0x12200] =	vst v63  }
0x67: {  	v2 =	vld [tilespmem:$0x10];
	_ =	sdelay $0x4  }
0x68: {  	(v2sf) =	vpush v2, $0x0  }
0x69: {  	(v2sf) =	vpush v2, $0x1;
	_ =	sdelay $0x1  }
0x6a: {  	(v2sf) =	vpush v2, $0x2;
	_ =	sdelay $0x4  }
0x6b: {  	(v2sf) =	vpush v2, $0x3  }
0x6c: {  	(v2sf) =	vpush v2, $0x4;
	_ =	sdelay $0x5  }
0x6d: {  	s7 =	spop (v2sf);
	(v2sf) =	vpush v2, $0x5  }
0x6e: {  	s9 =	spop (v2sf);
	(v2sf) =	vpush v2, $0x6  }
0x6f: {  	s6 =	sand.u32 $0xFFFFF80, s7  }
0x70: {  	s8 =	simm.s32 $0x8200;
	s6 =	sadd.s32 s1, s6;
	s14 =	spop (v2sf)  }
0x71: {  	(v2sf) =	vpush v2, $0x7;
	[tilespmem:s8], [sflag:$0x3] =	stream.strided.gather [hbm4b:s6+s23], $0x800, s24, s23, $0x38;
	[tilespmem:$0x12200] =	vst v63  }
0x72: {  	s6 =	sand.u32 $0xFFFFF80, s9  }
0x73: {  	s13 =	simm.s32 $0x8A00;
	s6 =	sadd.s32 s1, s6  }
0x74: {  	[tilespmem:s13], [sflag:$0x3] =	stream.strided.gather [hbm4b:s6+s23], $0x800, s24, s23, $0x38;
	[tilespmem:$0x12200] =	vst v63  }
0x75: {  	s16 =	simm.s32 $0x9200;
	s15 =	spop (v2sf);
	s6 =	sand.u32 $0xFFFFF80, s14  }
0x76: {  	s17 =	sand.u32 $0xFFFFF80, s15;
	s18 =	spop (v2sf);
	s6 =	sadd.s32 s1, s6  }
0x77: {  	[tilespmem:s16], [sflag:$0x3] =	stream.strided.gather [hbm4b:s6+s23], $0x800, s24, s23, $0x38;
	[tilespmem:$0x12200] =	vst v63  }
0x78: {  	s19 =	simm.s32 $0x9A00;
	s8 =	sand.u32 $0xFFFFF80, s18;
	s6 =	sadd.s32 s1, s17  }
0x79: {  	[tilespmem:s19], [sflag:$0x3] =	stream.strided.gather [hbm4b:s6+s23], $0x800, s24, s23, $0x38;
	[tilespmem:$0x12200] =	vst v63  }
0x7a: {  	s13 =	simm.s32 $0xA200;
	s6 =	sadd.s32 s1, s8  }
0x7b: {  	[tilespmem:s13], [sflag:$0x3] =	stream.strided.gather [hbm4b:s6+s23], $0x800, s24, s23, $0x38;
	[tilespmem:$0x12200] =	vst v63  }
0x7c: {  	s9 =	spop (v2sf)  }
0x7d: {  	s14 =	sand.u32 $0xFFFFF80, s9;
	s15 =	spop (v2sf)  }
0x7e: {  	s17 =	simm.s32 $0xAA00;
	s6 =	sadd.s32 s1, s14;
	s16 =	sand.u32 $0xFFFFF80, s15  }
0x7f: {  	[tilespmem:s17], [sflag:$0x3] =	stream.strided.gather [hbm4b:s6+s23], $0x800, s24, s23, $0x38;
	[tilespmem:$0x12200] =	vst v63  }
0x80: {  	s19 =	simm.s32 $0xB200;
	s18 =	spop (v2sf);
	s6 =	sadd.s32 s1, s16  }
0x81: {  	[tilespmem:s19], [sflag:$0x3] =	stream.strided.gather [hbm4b:s6+s23], $0x800, s24, s23, $0x38;
	[tilespmem:$0x12200] =	vst v63  }
0x82: {  	s7 =	simm.s32 $0x3;
	s8 =	simm.s32 $0x0;
	s6 =	sand.u32 $0xFFFFF80, s18  }
0x83: {  	s15 =	simm.s32 $0x5200;
	s16 =	simm.s32 $0xBA00;
	s6 =	sadd.s32 s1, s6  }
0x84: {  	[tilespmem:s16], [sflag:$0x3] =	stream.strided.gather [hbm4b:s6+s23], $0x800, s24, s23, $0x38;
	[tilespmem:$0x12200] =	vst v63  }
0x85: {  	s14 =	simm.s32 $0x2200;
	s18 =	simm.s32 $0x4200;
	s6 =	simm.s32 $0x20  }
.LBB2_2:
0x86: {  	_ =	swait.ge [sflag:s20], $0x800  }
0x87: {  	[sflag:s20] =	ssyncset.done $0x0  }
0x88: {  	[sflag:s20] =	ssyncadd.s32 $0xFFFFF800  }
0x89: {  	_ =	swait.ge [sflag:s20], $0x800  }
0x8a: {  	[sflag:s20] =	ssyncset.done $0x0  }
0x8b: {  	[sflag:s20] =	ssyncadd.s32 $0xFFFFF800  }
0x8c: {  	_ =	swait.ge [sflag:s20], $0x800  }
0x8d: {  	[sflag:s20] =	ssyncset.done $0x0  }
0x8e: {  	[sflag:s20] =	ssyncadd.s32 $0xFFFFF800  }
0x8f: {  	_ =	swait.ge [sflag:s20], $0x800  }
0x90: {  	[sflag:s20] =	ssyncset.done $0x0  }
0x91: {  	[sflag:s20] =	ssyncadd.s32 $0xFFFFF800  }
0x92: {  	_ =	swait.ge [sflag:s20], $0x800  }
0x93: {  	[sflag:s20] =	ssyncset.done $0x0  }
0x94: {  	[sflag:s20] =	ssyncadd.s32 $0xFFFFF800  }
0x95: {  	_ =	swait.ge [sflag:s20], $0x800  }
0x96: {  	[sflag:s20] =	ssyncset.done $0x0  }
0x97: {  	[sflag:s20] =	ssyncadd.s32 $0xFFFFF800  }
0x98: {  	_ =	swait.ge [sflag:s20], $0x800  }
0x99: {  	[sflag:s20] =	ssyncset.done $0x0  }
0x9a: {  	[sflag:s20] =	ssyncadd.s32 $0xFFFFF800  }
0x9b: {  	_ =	swait.ge [sflag:s20], $0x800  }
0x9c: {  	[sflag:s20] =	ssyncset.done $0x0  }
0x9d: {  	[sflag:s20] =	ssyncadd.s32 $0xFFFFF800  }
0x9e: {  	v2 =	vld [tilespmem:s6+$0xFFFFFFE0];
	_ =	sdelay $0x4  }
0x9f: {  	(v2sf) =	vpush v2, $0x0;
	_ =	sdelay $0x5  }
0xa0: {  	(v2sf) =	vpush v2, $0x1;
	_ =	sdelay $0x5  }
0xa1: {  	(v2sf) =	vpush v2, $0x2;
	_ =	sdelay $0x2  }
0xa2: {  	s9 =	spop (v2sf)  }
0xa3: {  	s9 =	sand.u32 $0x7F, s9  }
0xa4: {  	v3 =	vor.u32 s9, v0  }
0xa5: {  	(v2sf) =	vpush v2, $0x3;
	_ =	sdelay $0x2  }
0xa6: {  	s9 =	spop (v2sf)  }
0xa7: {  	v4 =	vor.u32 s8, v1;
	s9 =	sand.u32 $0x7F, s9;
	v3 =	vld.idx.msk [tilespmem:v3+s10+$0x0], $0xffff  }
0xa8: {  	v5 =	vor.u32 s9, v0  }
0xa9: {  	(v2sf) =	vpush v2, $0x4;
	_ =	sdelay $0x2  }
0xaa: {  	s9 =	sadd.s32 $0x1, s8;
	s10 =	spop (v2sf);
	[tilespmem:v4+s21+$0x0] =	vst.idx.msk $0xffff, v3  }
0xab: {  	v22 =	vor.u32 s9, v1;
	v3 =	vld.idx.msk [tilespmem:v5+s11+$0x0], $0xffff;
	s11 =	sand.u32 $0x7F, s10  }
0xac: {  	v23 =	vor.u32 s11, v0  }
0xad: {  	(v2sf) =	vpush v2, $0x5;
	_ =	sdelay $0x2  }
0xae: {  	s10 =	sadd.s32 $0x2, s8;
	s11 =	spop (v2sf);
	[tilespmem:v22+s21+$0x0] =	vst.idx.msk $0xffff, v3  }
0xaf: {  	v24 =	vor.u32 s10, v1;
	s11 =	sand.u32 $0x7F, s11;
	v3 =	vld.idx.msk [tilespmem:v23+s12+$0x0], $0xffff  }
0xb0: {  	v25 =	vor.u32 s11, v0  }
0xb1: {  	(v2sf) =	vpush v2, $0x6;
	_ =	sdelay $0x2  }
0xb2: {  	s9 =	sadd.s32 $0x3, s8;
	s10 =	spop (v2sf);
	s12 =	simm.s32 $0x1A00;
	[tilespmem:v24+s21+$0x0] =	vst.idx.msk $0xffff, v3  }
0xb3: {  	v26 =	vor.u32 s9, v1;
	s10 =	sand.u32 $0x7F, s10;
	v3 =	vld.idx.msk [tilespmem:v25+s12+$0x0], $0xffff  }
0xb4: {  	v27 =	vor.u32 s10, v0  }
0xb5: {  	(v2sf) =	vpush v2, $0x7;
	_ =	sdelay $0x2  }
0xb6: {  	s11 =	sadd.s32 $0x4, s8;
	s12 =	spop (v2sf);
	[tilespmem:v26+s21+$0x0] =	vst.idx.msk $0xffff, v3  }
0xb7: {  	v3 =	vor.u32 s11, v1;
	s11 =	sand.u32 $0x7F, s12;
	v2 =	vld.idx.msk [tilespmem:v27+s14+$0x0], $0xffff  }
0xb8: {  	v28 =	vor.u32 s11, v0;
	_ =	sdelay $0x3  }
0xb9: {  	s9 =	sadd.s32 $0x5, s8;
	s10 =	spop (v2sf);
	s12 =	simm.s32 $0x2A00;
	[tilespmem:v3+s21+$0x0] =	vst.idx.msk $0xffff, v2  }
0xba: {  	s11 =	sand.u32 $0x7F, s10;
	v3 =	vor.u32 s9, v1;
	v2 =	vld.idx.msk [tilespmem:v28+s12+$0x0], $0xffff  }
0xbb: {  	v29 =	vor.u32 s11, v0;
	_ =	sdelay $0x3  }
0xbc: {  	s10 =	spop (v2sf);
	s9 =	sadd.s32 $0x6, s8;
	s12 =	simm.s32 $0x3200;
	[tilespmem:v3+s21+$0x0] =	vst.idx.msk $0xffff, v2  }
0xbd: {  	s10 =	sand.u32 $0x7F, s10;
	v3 =	vor.u32 s9, v1;
	v2 =	vld.idx.msk [tilespmem:v29+s12+$0x0], $0xffff  }
0xbe: {  	v30 =	vor.u32 s10, v0;
	_ =	sdelay $0x3  }
0xbf: {  	s11 =	sadd.s32 $0x7, s8;
	s12 =	simm.s32 $0x3A00;
	[tilespmem:v3+s21+$0x0] =	vst.idx.msk $0xffff, v2  }
0xc0: {  	v3 =	vor.u32 s11, v1;
	v2 =	vld.idx.msk [tilespmem:v30+s12+$0x0], $0xffff;
	_ =	sdelay $0x4  }
0xc1: {  	[tilespmem:v3+s21+$0x0] =	vst.idx.msk $0xffff, v2  }
0xc2: {  	v2 =	vld [tilespmem:s6+$0xFFFFFFF0];
	_ =	sdelay $0x4  }
0xc3: {  	(v2sf) =	vpush v2, $0x8;
	_ =	sdelay $0x1  }
0xc4: {  	(v2sf) =	vpush v2, $0x9;
	_ =	sdelay $0x1  }
0xc5: {  	(v2sf) =	vpush v2, $0xA;
	_ =	sdelay $0x2  }
0xc6: {  	(v2sf) =	vpush v2, $0xB;
	_ =	sdelay $0x7  }
0xc7: {  	s11 =	spop (v2sf);
	(v2sf) =	vpush v2, $0xC;
	_ =	sdelay $0x1  }
0xc8: {  	s12 =	spop (v2sf);
	(v2sf) =	vpush v2, $0xD  }
0xc9: {  	s9 =	sand.u32 $0xFFFFF80, s11  }
0xca: {  	s9 =	sadd.s32 s1, s9;
	s10 =	spop (v2sf)  }
0xcb: {  	(v2sf) =	vpush v2, $0xE;
	[tilespmem:s4], [sflag:$0x4] =	stream.strided.gather [hbm4b:s9+s23], $0x800, s24, s23, $0x38;
	[tilespmem:$0x12200] =	vst v63  }
0xcc: {  	s9 =	sand.u32 $0xFFFFF80, s12  }
0xcd: {  	s11 =	spop (v2sf);
	s9 =	sadd.s32 s1, s9  }
0xce: {  	(v2sf) =	vpush v2, $0xF;
	[tilespmem:s25], [sflag:$0x4] =	stream.strided.gather [hbm4b:s9+s23], $0x800, s24, s23, $0x38;
	[tilespmem:$0x12200] =	vst v63  }
0xcf: {  	s9 =	sand.u32 $0xFFFFF80, s10  }
0xd0: {  	s9 =	sadd.s32 s1, s9  }
0xd1: {  	[tilespmem:s26], [sflag:$0x4] =	stream.strided.gather [hbm4b:s9+s23], $0x800, s24, s23, $0x38;
	[tilespmem:$0x12200] =	vst v63  }
0xd2: {  	s9 =	sand.u32 $0xFFFFF80, s11  }
0xd3: {  	s9 =	sadd.s32 s1, s9  }
0xd4: {  	[tilespmem:s28], [sflag:$0x4] =	stream.strided.gather [hbm4b:s9+s23], $0x800, s24, s23, $0x38;
	[tilespmem:$0x12200] =	vst v63  }
0xd5: {  	s12 =	spop (v2sf)  }
0xd6: {  	s9 =	sand.u32 $0xFFFFF80, s12  }
0xd7: {  	s10 =	spop (v2sf);
	s9 =	sadd.s32 s1, s9  }
0xd8: {  	[tilespmem:s29], [sflag:$0x4] =	stream.strided.gather [hbm4b:s9+s23], $0x800, s24, s23, $0x38;
	[tilespmem:$0x12200] =	vst v63  }
0xd9: {  	s9 =	sand.u32 $0xFFFFF80, s10  }
0xda: {  	s11 =	spop (v2sf);
	s9 =	sadd.s32 s1, s9  }
0xdb: {  	[tilespmem:s30], [sflag:$0x4] =	stream.strided.gather [hbm4b:s9+s23], $0x800, s24, s23, $0x38;
	[tilespmem:$0x12200] =	vst v63  }
0xdc: {  	s9 =	sand.u32 $0xFFFFF80, s11  }
0xdd: {  	s12 =	spop (v2sf);
	s9 =	sadd.s32 s1, s9  }
0xde: {  	[tilespmem:s31], [sflag:$0x4] =	stream.strided.gather [hbm4b:s9+s23], $0x800, s24, s23, $0x38;
	[tilespmem:$0x12200] =	vst v63  }
0xdf: {  	s9 =	sand.u32 $0xFFFFF80, s12  }
0xe0: {  	s9 =	sadd.s32 s1, s9  }
0xe1: {  	[tilespmem:s0], [sflag:$0x4] =	stream.strided.gather [hbm4b:s9+s23], $0x800, s24, s23, $0x38;
	[tilespmem:$0x12200] =	vst v63  }
0xe2: {  	_ =	swait.ge [sflag:s2], $0x800  }
0xe3: {  	[sflag:s2] =	ssyncset.done $0x0  }
0xe4: {  	[sflag:s2] =	ssyncadd.s32 $0xFFFFF800  }
0xe5: {  	_ =	swait.ge [sflag:s2], $0x800  }
0xe6: {  	[sflag:s2] =	ssyncset.done $0x0  }
0xe7: {  	[sflag:s2] =	ssyncadd.s32 $0xFFFFF800  }
0xe8: {  	_ =	swait.ge [sflag:s2], $0x800  }
0xe9: {  	[sflag:s2] =	ssyncset.done $0x0  }
0xea: {  	[sflag:s2] =	ssyncadd.s32 $0xFFFFF800  }
0xeb: {  	_ =	swait.ge [sflag:s2], $0x800  }
0xec: {  	[sflag:s2] =	ssyncset.done $0x0  }
0xed: {  	[sflag:s2] =	ssyncadd.s32 $0xFFFFF800  }
0xee: {  	_ =	swait.ge [sflag:s2], $0x800  }
0xef: {  	[sflag:s2] =	ssyncset.done $0x0  }
0xf0: {  	[sflag:s2] =	ssyncadd.s32 $0xFFFFF800  }
0xf1: {  	_ =	swait.ge [sflag:s2], $0x800  }
0xf2: {  	[sflag:s2] =	ssyncset.done $0x0  }
0xf3: {  	[sflag:s2] =	ssyncadd.s32 $0xFFFFF800  }
0xf4: {  	_ =	swait.ge [sflag:s2], $0x800  }
0xf5: {  	[sflag:s2] =	ssyncset.done $0x0  }
0xf6: {  	[sflag:s2] =	ssyncadd.s32 $0xFFFFF800  }
0xf7: {  	_ =	swait.ge [sflag:s2], $0x800  }
0xf8: {  	[sflag:s2] =	ssyncset.done $0x0  }
0xf9: {  	[sflag:s2] =	ssyncadd.s32 $0xFFFFF800  }
0xfa: {  	v2 =	vld [tilespmem:s6+$0xFFFFFFE0];
	_ =	sdelay $0x4  }
0xfb: {  	(v2sf) =	vpush v2, $0x8;
	_ =	sdelay $0x5  }
0xfc: {  	(v2sf) =	vpush v2, $0x9;
	_ =	sdelay $0x5  }
0xfd: {  	(v2sf) =	vpush v2, $0xA;
	_ =	sdelay $0x2  }
0xfe: {  	s10 =	spop (v2sf)  }
0xff: {  	s9 =	sand.u32 $0x7F, s10  }
0x100: {  	v3 =	vor.u32 s9, v0  }
0x101: {  	(v2sf) =	vpush v2, $0xB;
	_ =	sdelay $0x2  }
0x102: {  	s11 =	sadd.s32 $0x8, s8;
	s12 =	spop (v2sf)  }
0x103: {  	v31 =	vor.u32 s11, v1;
	s11 =	sand.u32 $0x7F, s12;
	v3 =	vld.idx.msk [tilespmem:v3+s18+$0x0], $0xffff  }
0x104: {  	v32 =	vor.u32 s11, v0  }
0x105: {  	(v2sf) =	vpush v2, $0xC;
	_ =	sdelay $0x2  }
0x106: {  	s9 =	sadd.s32 $0x9, s8;
	s10 =	spop (v2sf);
	s12 =	simm.s32 $0x4A00;
	[tilespmem:v31+s21+$0x0] =	vst.idx.msk $0xffff, v3  }
0x107: {  	v33 =	vor.u32 s9, v1;
	s10 =	sand.u32 $0x7F, s10;
	v3 =	vld.idx.msk [tilespmem:v32+s12+$0x0], $0xffff  }
0x108: {  	v34 =	vor.u32 s10, v0  }
0x109: {  	(v2sf) =	vpush v2, $0xD;
	_ =	sdelay $0x2  }
0x10a: {  	s11 =	sadd.s32 $0xA, s8;
	s12 =	spop (v2sf);
	[tilespmem:v33+s21+$0x0] =	vst.idx.msk $0xffff, v3  }
0x10b: {  	v35 =	vor.u32 s11, v1;
	s11 =	sand.u32 $0x7F, s12;
	v3 =	vld.idx.msk [tilespmem:v34+s15+$0x0], $0xffff  }
0x10c: {  	v36 =	vor.u32 s11, v0  }
0x10d: {  	(v2sf) =	vpush v2, $0xE;
	_ =	sdelay $0x2  }
0x10e: {  	s9 =	sadd.s32 $0xB, s8;
	s12 =	simm.s32 $0x5A00;
	s10 =	spop (v2sf);
	[tilespmem:v35+s21+$0x0] =	vst.idx.msk $0xffff, v3  }
0x10f: {  	v37 =	vor.u32 s9, v1;
	s11 =	sand.u32 $0x7F, s10;
	v3 =	vld.idx.msk [tilespmem:v36+s12+$0x0], $0xffff  }
0x110: {  	v38 =	vor.u32 s11, v0  }
0x111: {  	(v2sf) =	vpush v2, $0xF;
	_ =	sdelay $0x2  }
0x112: {  	s9 =	sadd.s32 $0xC, s8;
	s10 =	spop (v2sf);
	s12 =	simm.s32 $0x6200;
	[tilespmem:v37+s21+$0x0] =	vst.idx.msk $0xffff, v3  }
0x113: {  	s11 =	sand.u32 $0x7F, s10;
	v3 =	vor.u32 s9, v1;
	v2 =	vld.idx.msk [tilespmem:v38+s12+$0x0], $0xffff  }
0x114: {  	v39 =	vor.u32 s11, v0;
	_ =	sdelay $0x3  }
0x115: {  	s10 =	spop (v2sf);
	s9 =	sadd.s32 $0xD, s8;
	s12 =	simm.s32 $0x6A00;
	[tilespmem:v3+s21+$0x0] =	vst.idx.msk $0xffff, v2  }
0x116: {  	s11 =	sand.u32 $0x7F, s10;
	v3 =	vor.u32 s9, v1;
	v2 =	vld.idx.msk [tilespmem:v39+s12+$0x0], $0xffff  }
0x117: {  	v40 =	vor.u32 s11, v0;
	_ =	sdelay $0x3  }
0x118: {  	s10 =	spop (v2sf);
	s9 =	sadd.s32 $0xE, s8;
	s12 =	simm.s32 $0x7200;
	[tilespmem:v3+s21+$0x0] =	vst.idx.msk $0xffff, v2  }
0x119: {  	s10 =	sand.u32 $0x7F, s10;
	v3 =	vor.u32 s9, v1;
	v2 =	vld.idx.msk [tilespmem:v40+s12+$0x0], $0xffff  }
0x11a: {  	v41 =	vor.u32 s10, v0;
	_ =	sdelay $0x3  }
0x11b: {  	s11 =	sadd.s32 $0xF, s8;
	s12 =	simm.s32 $0x7A00;
	[tilespmem:v3+s21+$0x0] =	vst.idx.msk $0xffff, v2  }
0x11c: {  	v3 =	vor.u32 s11, v1;
	v2 =	vld.idx.msk [tilespmem:v41+s12+$0x0], $0xffff;
	_ =	sdelay $0x3  }
0x11d: {  	s10 =	sadd.s32 $0xFFFFFFFE, s7  }
0x11e: {  	p0 =	sgt.u32 s10, $0x3C;
	[tilespmem:v3+s21+$0x0] =	vst.idx.msk $0xffff, v2  }
0x11f: {  	v2 =	vld @!p0 [tilespmem:s6+$0x0];
	_ =	sdelay $0x4  }
0x120: {  	(v2sf) =	vpush @!p0 v2, $0x0;
	_ =	sdelay $0x3  }
0x121: {  	(v2sf) =	vpush @!p0 v2, $0x1;
	_ =	sdelay $0x3  }
0x122: {  	(v2sf) =	vpush @!p0 v2, $0x2;
	_ =	sdelay $0x3  }
0x123: {  	(v2sf) =	vpush @!p0 v2, $0x3;
	_ =	sdelay $0x2  }
0x124: {  	s9 =	spop @!p0 (v2sf)  }
0x125: {  	s10 =	simm.s32 @!p0 $0x400;
	(v2sf) =	vpush @!p0 v2, $0x4;
	s9 =	sand.u32 @!p0 $0xFFFFF80, s9  }
0x126: {  	s11 =	simm.s32 @!p0 $0x7A1400;
	s12 =	simm.s32 @!p0 $0x200;
	s9 =	sadd.s32 @!p0 s1, s9  }
0x127: {  	[tilespmem:s12], [sflag:$0x1] =	stream.strided.gather @!p0 [hbm4b:s9+s10], $0x800, s11, s10, $0x38;
	[tilespmem:$0x12200] =	vst v63  }
0x128: {  	s9 =	spop @!p0 (v2sf)  }
0x129: {  	(v2sf) =	vpush @!p0 v2, $0x5;
	s9 =	sand.u32 @!p0 $0xFFFFF80, s9  }
0x12a: {  	s12 =	simm.s32 @!p0 $0xA00;
	s9 =	sadd.s32 @!p0 s1, s9  }
0x12b: {  	[tilespmem:s12], [sflag:$0x1] =	stream.strided.gather @!p0 [hbm4b:s9+s10], $0x800, s11, s10, $0x38;
	[tilespmem:$0x12200] =	vst v63  }
0x12c: {  	s9 =	spop @!p0 (v2sf)  }
0x12d: {  	(v2sf) =	vpush @!p0 v2, $0x6;
	s9 =	sand.u32 @!p0 $0xFFFFF80, s9  }
0x12e: {  	s12 =	simm.s32 @!p0 $0x1200;
	s9 =	sadd.s32 @!p0 s1, s9  }
0x12f: {  	[tilespmem:s12], [sflag:$0x1] =	stream.strided.gather @!p0 [hbm4b:s9+s10], $0x800, s11, s10, $0x38;
	[tilespmem:$0x12200] =	vst v63  }
0x130: {  	s9 =	spop @!p0 (v2sf)  }
0x131: {  	(v2sf) =	vpush @!p0 v2, $0x7;
	s9 =	sand.u32 @!p0 $0xFFFFF80, s9  }
0x132: {  	s12 =	simm.s32 @!p0 $0x1A00;
	s9 =	sadd.s32 @!p0 s1, s9  }
0x133: {  	[tilespmem:s12], [sflag:$0x1] =	stream.strided.gather @!p0 [hbm4b:s9+s10], $0x800, s11, s10, $0x38;
	[tilespmem:$0x12200] =	vst v63  }
0x134: {  	s9 =	spop @!p0 (v2sf)  }
0x135: {  	s9 =	sand.u32 @!p0 $0xFFFFF80, s9  }
0x136: {  	s12 =	simm.s32 @!p0 $0x2200;
	s9 =	sadd.s32 @!p0 s1, s9  }
0x137: {  	[tilespmem:s12], [sflag:$0x1] =	stream.strided.gather @!p0 [hbm4b:s9+s10], $0x800, s11, s10, $0x38;
	[tilespmem:$0x12200] =	vst v63  }
0x138: {  	s9 =	spop @!p0 (v2sf)  }
0x139: {  	s9 =	sand.u32 @!p0 $0xFFFFF80, s9  }
0x13a: {  	s12 =	simm.s32 @!p0 $0x2A00;
	s9 =	sadd.s32 @!p0 s1, s9  }
0x13b: {  	[tilespmem:s12], [sflag:$0x1] =	stream.strided.gather @!p0 [hbm4b:s9+s10], $0x800, s11, s10, $0x38;
	[tilespmem:$0x12200] =	vst v63  }
0x13c: {  	s9 =	spop @!p0 (v2sf)  }
0x13d: {  	s9 =	sand.u32 @!p0 $0xFFFFF80, s9  }
0x13e: {  	s12 =	simm.s32 @!p0 $0x3200;
	s9 =	sadd.s32 @!p0 s1, s9  }
0x13f: {  	[tilespmem:s12], [sflag:$0x1] =	stream.strided.gather @!p0 [hbm4b:s9+s10], $0x800, s11, s10, $0x38;
	[tilespmem:$0x12200] =	vst v63  }
0x140: {  	s9 =	spop @!p0 (v2sf)  }
0x141: {  	s9 =	sand.u32 @!p0 $0xFFFFF80, s9  }
0x142: {  	s12 =	simm.s32 @!p0 $0x3A00;
	s9 =	sadd.s32 @!p0 s1, s9  }
0x143: {  	[tilespmem:s12], [sflag:$0x1] =	stream.strided.gather @!p0 [hbm4b:s9+s10], $0x800, s11, s10, $0x38;
	[tilespmem:$0x12200] =	vst v63  }
0x144: {  	_ =	swait.ge [sflag:s3], $0x800  }
0x145: {  	[sflag:s3] =	ssyncset.done $0x0  }
0x146: {  	[sflag:s3] =	ssyncadd.s32 $0xFFFFF800  }
0x147: {  	_ =	swait.ge [sflag:s3], $0x800  }
0x148: {  	[sflag:s3] =	ssyncset.done $0x0  }
0x149: {  	[sflag:s3] =	ssyncadd.s32 $0xFFFFF800  }
0x14a: {  	_ =	swait.ge [sflag:s3], $0x800  }
0x14b: {  	[sflag:s3] =	ssyncset.done $0x0  }
0x14c: {  	[sflag:s3] =	ssyncadd.s32 $0xFFFFF800  }
0x14d: {  	_ =	swait.ge [sflag:s3], $0x800  }
0x14e: {  	[sflag:s3] =	ssyncset.done $0x0  }
0x14f: {  	[sflag:s3] =	ssyncadd.s32 $0xFFFFF800  }
0x150: {  	_ =	swait.ge [sflag:s3], $0x800  }
0x151: {  	[sflag:s3] =	ssyncset.done $0x0  }
0x152: {  	[sflag:s3] =	ssyncadd.s32 $0xFFFFF800  }
0x153: {  	_ =	swait.ge [sflag:s3], $0x800  }
0x154: {  	[sflag:s3] =	ssyncset.done $0x0  }
0x155: {  	[sflag:s3] =	ssyncadd.s32 $0xFFFFF800  }
0x156: {  	_ =	swait.ge [sflag:s3], $0x800  }
0x157: {  	[sflag:s3] =	ssyncset.done $0x0  }
0x158: {  	[sflag:s3] =	ssyncadd.s32 $0xFFFFF800  }
0x159: {  	_ =	swait.ge [sflag:s3], $0x800  }
0x15a: {  	[sflag:s3] =	ssyncset.done $0x0  }
0x15b: {  	[sflag:s3] =	ssyncadd.s32 $0xFFFFF800  }
0x15c: {  	v2 =	vld [tilespmem:s6+$0xFFFFFFF0];
	_ =	sdelay $0x4  }
0x15d: {  	(v2sf) =	vpush v2, $0x0;
	_ =	sdelay $0x5  }
0x15e: {  	(v2sf) =	vpush v2, $0x1;
	_ =	sdelay $0x5  }
0x15f: {  	(v2sf) =	vpush v2, $0x2;
	_ =	sdelay $0x2  }
0x160: {  	s11 =	spop (v2sf)  }
0x161: {  	s9 =	sand.u32 $0x7F, s11  }
0x162: {  	v3 =	vor.u32 s9, v0  }
0x163: {  	(v2sf) =	vpush v2, $0x3;
	_ =	sdelay $0x2  }
0x164: {  	s12 =	simm.s32 $0x8200;
	s10 =	spop (v2sf);
	s9 =	sadd.s32 $0x10, s8  }
0x165: {  	s11 =	sand.u32 $0x7F, s10;
	v42 =	vor.u32 s9, v1;
	v3 =	vld.idx.msk [tilespmem:v3+s12+$0x0], $0xffff  }
0x166: {  	v43 =	vor.u32 s11, v0  }
0x167: {  	(v2sf) =	vpush v2, $0x4;
	_ =	sdelay $0x2  }
0x168: {  	s10 =	spop (v2sf);
	s9 =	sadd.s32 $0x11, s8;
	s12 =	simm.s32 $0x8A00;
	[tilespmem:v42+s21+$0x0] =	vst.idx.msk $0xffff, v3  }
0x169: {  	s11 =	sand.u32 $0x7F, s10;
	v44 =	vor.u32 s9, v1;
	v3 =	vld.idx.msk [tilespmem:v43+s12+$0x0], $0xffff  }
0x16a: {  	v45 =	vor.u32 s11, v0  }
0x16b: {  	(v2sf) =	vpush v2, $0x5;
	_ =	sdelay $0x2  }
0x16c: {  	s10 =	spop (v2sf);
	s9 =	sadd.s32 $0x12, s8;
	s12 =	simm.s32 $0x9200;
	[tilespmem:v44+s21+$0x0] =	vst.idx.msk $0xffff, v3  }
0x16d: {  	s11 =	sand.u32 $0x7F, s10;
	v46 =	vor.u32 s9, v1;
	v3 =	vld.idx.msk [tilespmem:v45+s12+$0x0], $0xffff  }
0x16e: {  	v47 =	vor.u32 s11, v0  }
0x16f: {  	(v2sf) =	vpush v2, $0x6;
	_ =	sdelay $0x2  }
0x170: {  	s9 =	sadd.s32 $0x13, s8;
	s10 =	spop (v2sf);
	s12 =	simm.s32 $0x9A00;
	[tilespmem:v46+s21+$0x0] =	vst.idx.msk $0xffff, v3  }
0x171: {  	v48 =	vor.u32 s9, v1;
	s10 =	sand.u32 $0x7F, s10;
	v3 =	vld.idx.msk [tilespmem:v47+s12+$0x0], $0xffff  }
0x172: {  	v49 =	vor.u32 s10, v0  }
0x173: {  	(v2sf) =	vpush v2, $0x7;
	_ =	sdelay $0x2  }
0x174: {  	s11 =	sadd.s32 $0x14, s8;
	s12 =	spop (v2sf);
	[tilespmem:v48+s21+$0x0] =	vst.idx.msk $0xffff, v3  }
0x175: {  	s10 =	sand.u32 $0x7F, s12;
	v3 =	vor.u32 s11, v1;
	v2 =	vld.idx.msk [tilespmem:v49+s13+$0x0], $0xffff  }
0x176: {  	v50 =	vor.u32 s10, v0;
	_ =	sdelay $0x3  }
0x177: {  	s12 =	spop (v2sf);
	s11 =	sadd.s32 $0x15, s8;
	[tilespmem:v3+s21+$0x0] =	vst.idx.msk $0xffff, v2  }
0x178: {  	s10 =	sand.u32 $0x7F, s12;
	v3 =	vor.u32 s11, v1;
	v2 =	vld.idx.msk [tilespmem:v50+s17+$0x0], $0xffff  }
0x179: {  	v51 =	vor.u32 s10, v0;
	_ =	sdelay $0x3  }
0x17a: {  	s12 =	spop (v2sf);
	s11 =	sadd.s32 $0x16, s8;
	[tilespmem:v3+s21+$0x0] =	vst.idx.msk $0xffff, v2  }
0x17b: {  	s10 =	sand.u32 $0x7F, s12;
	v3 =	vor.u32 s11, v1;
	v2 =	vld.idx.msk [tilespmem:v51+s19+$0x0], $0xffff  }
0x17c: {  	v52 =	vor.u32 s10, v0;
	_ =	sdelay $0x3  }
0x17d: {  	s11 =	sadd.s32 $0x17, s8;
	[tilespmem:v3+s21+$0x0] =	vst.idx.msk $0xffff, v2  }
0x17e: {  	v3 =	vor.u32 s11, v1;
	v2 =	vld.idx.msk [tilespmem:v52+s16+$0x0], $0xffff;
	_ =	sdelay $0x3  }
0x17f: {  	s12 =	sadd.s32 $0xFFFFFFFF, s7  }
0x180: {  	p0 =	sgt.u32 s12, $0x3C;
	[tilespmem:v3+s21+$0x0] =	vst.idx.msk $0xffff, v2  }
0x181: {  	v2 =	vld @!p0 [tilespmem:s6+$0x0];
	_ =	sdelay $0x4  }
0x182: {  	(v2sf) =	vpush @!p0 v2, $0x8;
	_ =	sdelay $0x3  }
0x183: {  	(v2sf) =	vpush @!p0 v2, $0x9;
	_ =	sdelay $0x3  }
0x184: {  	(v2sf) =	vpush @!p0 v2, $0xA;
	_ =	sdelay $0x3  }
0x185: {  	(v2sf) =	vpush @!p0 v2, $0xB;
	_ =	sdelay $0x2  }
0x186: {  	s9 =	spop @!p0 (v2sf)  }
0x187: {  	s10 =	simm.s32 @!p0 $0x400;
	(v2sf) =	vpush @!p0 v2, $0xC;
	s9 =	sand.u32 @!p0 $0xFFFFF80, s9  }
0x188: {  	s12 =	simm.s32 @!p0 $0x4200;
	s11 =	simm.s32 @!p0 $0x7A1400;
	s9 =	sadd.s32 @!p0 s1, s9  }
0x189: {  	[tilespmem:s12], [sflag:$0x2] =	stream.strided.gather @!p0 [hbm4b:s9+s10], $0x800, s11, s10, $0x38;
	[tilespmem:$0x12200] =	vst v63  }
0x18a: {  	s9 =	spop @!p0 (v2sf)  }
0x18b: {  	(v2sf) =	vpush @!p0 v2, $0xD;
	s9 =	sand.u32 @!p0 $0xFFFFF80, s9  }
0x18c: {  	s12 =	simm.s32 @!p0 $0x4A00;
	s9 =	sadd.s32 @!p0 s1, s9  }
0x18d: {  	[tilespmem:s12], [sflag:$0x2] =	stream.strided.gather @!p0 [hbm4b:s9+s10], $0x800, s11, s10, $0x38;
	[tilespmem:$0x12200] =	vst v63  }
0x18e: {  	s9 =	spop @!p0 (v2sf)  }
0x18f: {  	(v2sf) =	vpush @!p0 v2, $0xE;
	s9 =	sand.u32 @!p0 $0xFFFFF80, s9  }
0x190: {  	s12 =	simm.s32 @!p0 $0x5200;
	s9 =	sadd.s32 @!p0 s1, s9  }
0x191: {  	[tilespmem:s12], [sflag:$0x2] =	stream.strided.gather @!p0 [hbm4b:s9+s10], $0x800, s11, s10, $0x38;
	[tilespmem:$0x12200] =	vst v63  }
0x192: {  	s9 =	spop @!p0 (v2sf)  }
0x193: {  	(v2sf) =	vpush @!p0 v2, $0xF;
	s9 =	sand.u32 @!p0 $0xFFFFF80, s9  }
0x194: {  	s12 =	simm.s32 @!p0 $0x5A00;
	s9 =	sadd.s32 @!p0 s1, s9  }
0x195: {  	[tilespmem:s12], [sflag:$0x2] =	stream.strided.gather @!p0 [hbm4b:s9+s10], $0x800, s11, s10, $0x38;
	[tilespmem:$0x12200] =	vst v63  }
0x196: {  	s9 =	spop @!p0 (v2sf)  }
0x197: {  	s9 =	sand.u32 @!p0 $0xFFFFF80, s9  }
0x198: {  	s12 =	simm.s32 @!p0 $0x6200;
	s9 =	sadd.s32 @!p0 s1, s9  }
0x199: {  	[tilespmem:s12], [sflag:$0x2] =	stream.strided.gather @!p0 [hbm4b:s9+s10], $0x800, s11, s10, $0x38;
	[tilespmem:$0x12200] =	vst v63  }
0x19a: {  	s9 =	spop @!p0 (v2sf)  }
0x19b: {  	s9 =	sand.u32 @!p0 $0xFFFFF80, s9  }
0x19c: {  	s12 =	simm.s32 @!p0 $0x6A00;
	s9 =	sadd.s32 @!p0 s1, s9  }
0x19d: {  	[tilespmem:s12], [sflag:$0x2] =	stream.strided.gather @!p0 [hbm4b:s9+s10], $0x800, s11, s10, $0x38;
	[tilespmem:$0x12200] =	vst v63  }
0x19e: {  	s9 =	spop @!p0 (v2sf)  }
0x19f: {  	s9 =	sand.u32 @!p0 $0xFFFFF80, s9  }
0x1a0: {  	s12 =	simm.s32 @!p0 $0x7200;
	s9 =	sadd.s32 @!p0 s1, s9  }
0x1a1: {  	[tilespmem:s12], [sflag:$0x2] =	stream.strided.gather @!p0 [hbm4b:s9+s10], $0x800, s11, s10, $0x38;
	[tilespmem:$0x12200] =	vst v63  }
0x1a2: {  	s9 =	spop @!p0 (v2sf)  }
0x1a3: {  	s9 =	sand.u32 @!p0 $0xFFFFF80, s9  }
0x1a4: {  	s12 =	simm.s32 @!p0 $0x7A00;
	s9 =	sadd.s32 @!p0 s1, s9  }
0x1a5: {  	[tilespmem:s12], [sflag:$0x2] =	stream.strided.gather @!p0 [hbm4b:s9+s10], $0x800, s11, s10, $0x38;
	[tilespmem:$0x12200] =	vst v63  }
0x1a6: {  	_ =	swait.ge [sflag:s5], $0x800  }
0x1a7: {  	[sflag:s5] =	ssyncset.done $0x0  }
0x1a8: {  	[sflag:s5] =	ssyncadd.s32 $0xFFFFF800  }
0x1a9: {  	_ =	swait.ge [sflag:s5], $0x800  }
0x1aa: {  	[sflag:s5] =	ssyncset.done $0x0  }
0x1ab: {  	[sflag:s5] =	ssyncadd.s32 $0xFFFFF800  }
0x1ac: {  	_ =	swait.ge [sflag:s5], $0x800  }
0x1ad: {  	[sflag:s5] =	ssyncset.done $0x0  }
0x1ae: {  	[sflag:s5] =	ssyncadd.s32 $0xFFFFF800  }
0x1af: {  	_ =	swait.ge [sflag:s5], $0x800  }
0x1b0: {  	[sflag:s5] =	ssyncset.done $0x0  }
0x1b1: {  	[sflag:s5] =	ssyncadd.s32 $0xFFFFF800  }
0x1b2: {  	_ =	swait.ge [sflag:s5], $0x800  }
0x1b3: {  	[sflag:s5] =	ssyncset.done $0x0  }
0x1b4: {  	[sflag:s5] =	ssyncadd.s32 $0xFFFFF800  }
0x1b5: {  	_ =	swait.ge [sflag:s5], $0x800  }
0x1b6: {  	[sflag:s5] =	ssyncset.done $0x0  }
0x1b7: {  	[sflag:s5] =	ssyncadd.s32 $0xFFFFF800  }
0x1b8: {  	_ =	swait.ge [sflag:s5], $0x800  }
0x1b9: {  	[sflag:s5] =	ssyncset.done $0x0  }
0x1ba: {  	[sflag:s5] =	ssyncadd.s32 $0xFFFFF800  }
0x1bb: {  	_ =	swait.ge [sflag:s5], $0x800  }
0x1bc: {  	[sflag:s5] =	ssyncset.done $0x0  }
0x1bd: {  	[sflag:s5] =	ssyncadd.s32 $0xFFFFF800  }
0x1be: {  	v2 =	vld [tilespmem:s6+$0xFFFFFFF0];
	_ =	sdelay $0x4  }
0x1bf: {  	(v2sf) =	vpush v2, $0x8;
	_ =	sdelay $0x5  }
0x1c0: {  	(v2sf) =	vpush v2, $0x9;
	_ =	sdelay $0x5  }
0x1c1: {  	(v2sf) =	vpush v2, $0xA;
	_ =	sdelay $0x2  }
0x1c2: {  	s10 =	spop (v2sf)  }
0x1c3: {  	s9 =	sand.u32 $0x7F, s10  }
0x1c4: {  	v3 =	vor.u32 s9, v0  }
0x1c5: {  	(v2sf) =	vpush v2, $0xB;
	_ =	sdelay $0x2  }
0x1c6: {  	s11 =	sadd.s32 $0x18, s8;
	s12 =	spop (v2sf)  }
0x1c7: {  	v53 =	vor.u32 s11, v1;
	s10 =	sand.u32 $0x7F, s12;
	v3 =	vld.idx.msk [tilespmem:v3+s4+$0x0], $0xffff  }
0x1c8: {  	v54 =	vor.u32 s10, v0  }
0x1c9: {  	(v2sf) =	vpush v2, $0xC;
	_ =	sdelay $0x2  }
0x1ca: {  	s11 =	sadd.s32 $0x19, s8;
	s12 =	spop (v2sf);
	[tilespmem:v53+s21+$0x0] =	vst.idx.msk $0xffff, v3  }
0x1cb: {  	v55 =	vor.u32 s11, v1;
	s10 =	sand.u32 $0x7F, s12;
	v3 =	vld.idx.msk [tilespmem:v54+s25+$0x0], $0xffff  }
0x1cc: {  	v56 =	vor.u32 s10, v0  }
0x1cd: {  	(v2sf) =	vpush v2, $0xD;
	_ =	sdelay $0x2  }
0x1ce: {  	s11 =	sadd.s32 $0x1A, s8;
	s12 =	spop (v2sf);
	[tilespmem:v55+s21+$0x0] =	vst.idx.msk $0xffff, v3  }
0x1cf: {  	v57 =	vor.u32 s11, v1;
	s10 =	sand.u32 $0x7F, s12;
	v3 =	vld.idx.msk [tilespmem:v56+s26+$0x0], $0xffff  }
0x1d0: {  	v58 =	vor.u32 s10, v0  }
0x1d1: {  	(v2sf) =	vpush v2, $0xE;
	_ =	sdelay $0x2  }
0x1d2: {  	s11 =	sadd.s32 $0x1B, s8;
	s12 =	spop (v2sf);
	[tilespmem:v57+s21+$0x0] =	vst.idx.msk $0xffff, v3  }
0x1d3: {  	v59 =	vor.u32 s11, v1;
	s10 =	sand.u32 $0x7F, s12;
	v3 =	vld.idx.msk [tilespmem:v58+s28+$0x0], $0xffff  }
0x1d4: {  	v60 =	vor.u32 s10, v0  }
0x1d5: {  	(v2sf) =	vpush v2, $0xF;
	_ =	sdelay $0x2  }
0x1d6: {  	s11 =	sadd.s32 $0x1C, s8;
	s12 =	spop (v2sf);
	[tilespmem:v59+s21+$0x0] =	vst.idx.msk $0xffff, v3  }
0x1d7: {  	s10 =	sand.u32 $0x7F, s12;
	v3 =	vor.u32 s11, v1;
	v2 =	vld.idx.msk [tilespmem:v60+s29+$0x0], $0xffff  }
0x1d8: {  	v61 =	vor.u32 s10, v0;
	_ =	sdelay $0x3  }
0x1d9: {  	s12 =	spop (v2sf);
	s11 =	sadd.s32 $0x1D, s8;
	[tilespmem:v3+s21+$0x0] =	vst.idx.msk $0xffff, v2  }
0x1da: {  	s10 =	sand.u32 $0x7F, s12;
	v3 =	vor.u32 s11, v1;
	v2 =	vld.idx.msk [tilespmem:v61+s30+$0x0], $0xffff  }
0x1db: {  	v62 =	vor.u32 s10, v0;
	_ =	sdelay $0x3  }
0x1dc: {  	s12 =	spop (v2sf);
	s11 =	sadd.s32 $0x1E, s8;
	[tilespmem:v3+s21+$0x0] =	vst.idx.msk $0xffff, v2  }
0x1dd: {  	v3 =	vor.u32 s11, v1;
	s11 =	sand.u32 $0x7F, s12;
	v2 =	vld.idx.msk [tilespmem:v62+s31+$0x0], $0xffff  }
0x1de: {  	v63 =	vor.u32 s11, v0;
	_ =	sdelay $0x3  }
0x1df: {  	s12 =	sadd.s32 $0x1F, s8;
	[tilespmem:v3+s21+$0x0] =	vst.idx.msk $0xffff, v2  }
0x1e0: {  	v3 =	vor.u32 s12, v1;
	v2 =	vld.idx.msk [tilespmem:v63+s0+$0x0], $0xffff;
	_ =	sdelay $0x4  }
0x1e1: {  	p0 =	sgt.u32 s7, $0x3C;
	[tilespmem:v3+s21+$0x0] =	vst.idx.msk $0xffff, v2  }
0x1e2: {  	v2 =	vld @!p0 [tilespmem:s6+$0x10];
	_ =	sdelay $0x4  }
0x1e3: {  	(v2sf) =	vpush @!p0 v2, $0x0;
	_ =	sdelay $0x3  }
0x1e4: {  	(v2sf) =	vpush @!p0 v2, $0x1;
	_ =	sdelay $0x3  }
0x1e5: {  	(v2sf) =	vpush @!p0 v2, $0x2;
	_ =	sdelay $0x3  }
0x1e6: {  	(v2sf) =	vpush @!p0 v2, $0x3;
	_ =	sdelay $0x2  }
0x1e7: {  	s9 =	spop @!p0 (v2sf)  }
0x1e8: {  	s10 =	simm.s32 @!p0 $0x400;
	(v2sf) =	vpush @!p0 v2, $0x4;
	s9 =	sand.u32 @!p0 $0xFFFFF80, s9  }
0x1e9: {  	s11 =	simm.s32 @!p0 $0x7A1400;
	s12 =	simm.s32 @!p0 $0x8200;
	s9 =	sadd.s32 @!p0 s1, s9  }
0x1ea: {  	[tilespmem:s12], [sflag:$0x3] =	stream.strided.gather @!p0 [hbm4b:s9+s10], $0x800, s11, s10, $0x38;
	[tilespmem:$0x12200] =	vst v63  }
0x1eb: {  	s9 =	spop @!p0 (v2sf)  }
0x1ec: {  	(v2sf) =	vpush @!p0 v2, $0x5;
	s9 =	sand.u32 @!p0 $0xFFFFF80, s9  }
0x1ed: {  	s12 =	simm.s32 @!p0 $0x8A00;
	s9 =	sadd.s32 @!p0 s1, s9  }
0x1ee: {  	[tilespmem:s12], [sflag:$0x3] =	stream.strided.gather @!p0 [hbm4b:s9+s10], $0x800, s11, s10, $0x38;
	[tilespmem:$0x12200] =	vst v63  }
0x1ef: {  	s9 =	spop @!p0 (v2sf)  }
0x1f0: {  	(v2sf) =	vpush @!p0 v2, $0x6;
	s9 =	sand.u32 @!p0 $0xFFFFF80, s9  }
0x1f1: {  	s12 =	simm.s32 @!p0 $0x9200;
	s9 =	sadd.s32 @!p0 s1, s9  }
0x1f2: {  	[tilespmem:s12], [sflag:$0x3] =	stream.strided.gather @!p0 [hbm4b:s9+s10], $0x800, s11, s10, $0x38;
	[tilespmem:$0x12200] =	vst v63  }
0x1f3: {  	s9 =	spop @!p0 (v2sf)  }
0x1f4: {  	(v2sf) =	vpush @!p0 v2, $0x7;
	s9 =	sand.u32 @!p0 $0xFFFFF80, s9  }
0x1f5: {  	s12 =	simm.s32 @!p0 $0x9A00;
	s9 =	sadd.s32 @!p0 s1, s9  }
0x1f6: {  	[tilespmem:s12], [sflag:$0x3] =	stream.strided.gather @!p0 [hbm4b:s9+s10], $0x800, s11, s10, $0x38;
	[tilespmem:$0x12200] =	vst v63  }
0x1f7: {  	s9 =	spop @!p0 (v2sf)  }
0x1f8: {  	s9 =	sand.u32 @!p0 $0xFFFFF80, s9  }
0x1f9: {  	s12 =	simm.s32 @!p0 $0xA200;
	s9 =	sadd.s32 @!p0 s1, s9  }
0x1fa: {  	[tilespmem:s12], [sflag:$0x3] =	stream.strided.gather @!p0 [hbm4b:s9+s10], $0x800, s11, s10, $0x38;
	[tilespmem:$0x12200] =	vst v63  }
0x1fb: {  	s9 =	spop @!p0 (v2sf)  }
0x1fc: {  	s9 =	sand.u32 @!p0 $0xFFFFF80, s9  }
0x1fd: {  	s12 =	simm.s32 @!p0 $0xAA00;
	s9 =	sadd.s32 @!p0 s1, s9  }
0x1fe: {  	[tilespmem:s12], [sflag:$0x3] =	stream.strided.gather @!p0 [hbm4b:s9+s10], $0x800, s11, s10, $0x38;
	[tilespmem:$0x12200] =	vst v63  }
0x1ff: {  	s9 =	spop @!p0 (v2sf)  }
0x200: {  	s9 =	sand.u32 @!p0 $0xFFFFF80, s9  }
0x201: {  	s12 =	simm.s32 @!p0 $0xB200;
	s9 =	sadd.s32 @!p0 s1, s9  }
0x202: {  	[tilespmem:s12], [sflag:$0x3] =	stream.strided.gather @!p0 [hbm4b:s9+s10], $0x800, s11, s10, $0x38;
	[tilespmem:$0x12200] =	vst v63  }
0x203: {  	s9 =	spop @!p0 (v2sf)  }
0x204: {  	s9 =	sand.u32 @!p0 $0xFFFFF80, s9  }
0x205: {  	s8 =	sadd.s32 $0x20, s8;
	s12 =	simm.s32 @!p0 $0xBA00;
	s9 =	sadd.s32 @!p0 s1, s9  }
0x206: {  	[tilespmem:s12], [sflag:$0x3] =	stream.strided.gather @!p0 [hbm4b:s9+s10], $0x800, s11, s10, $0x38;
	[tilespmem:$0x12200] =	vst v63  }
0x207: {  	p0 =	sne.s32 s8, $0x200  }
.Ltmp0:
0x208: {  	_ = 	snop;
	(pc) =	sbr.rel @p0 .LBB2_2-.Ltmp0, $3  }
0x209: {  	_ =	sdelay $0x1  }
0x20a: {  	s7 =	sadd.s32 $0x4, s7;
	s6 =	sadd.s32 $0x20, s6  }
0x20b: {  	s12 =	simm.s32 $0x1200;
	s11 =	simm.s32 $0xA00;
	s10 =	simm.s32 $0x200  }
0x20c: {  	s6 =	rddreg [dreg:$0x4];
	s7 =	simm.s32 $0x80  }
0x20d: {  	[hbm4b:s6+s7] =	stream.strided.scatter [tilespmem:s21], [sflag:$0x5], $0x200, s23, s7, $0x38;
	[tilespmem:$0x12200] =	vst v63  }
0x20e: {  	_ =	swait.ge [sflag:s22], $0x200  }
0x20f: {  	[sflag:s22] =	ssyncset.done $0x0  }
0x210: {  	s8 =	simm.s32 $0x10400;
	s13 =	rddreg [dreg:$0x6];
	[sflag:s22] =	ssyncadd.s32 $0xFFFFFE00  }
0x211: {  	[hbm4b:s13+s7] =	stream.strided.scatter [tilespmem:s8], [sflag:$0x5], $0x200, s23, s7, $0x38;
	[tilespmem:$0x12200] =	vst v63  }
0x212: {  	_ =	swait.ge [sflag:s22], $0x200  }
0x213: {  	[sflag:s22] =	ssyncset.done $0x0  }
0x214: {  	s15 =	simm.s32 $0x10600;
	s14 =	rddreg [dreg:$0x7];
	[sflag:s22] =	ssyncadd.s32 $0xFFFFFE00  }
0x215: {  	[hbm4b:s14+s7] =	stream.strided.scatter [tilespmem:s15], [sflag:$0x5], $0x200, s23, s7, $0x38;
	[tilespmem:$0x12200] =	vst v63  }
0x216: {  	_ =	swait.ge [sflag:s22], $0x200  }
0x217: {  	[sflag:s22] =	ssyncset.done $0x0  }
0x218: {  	s17 =	simm.s32 $0x10800;
	s16 =	rddreg [dreg:$0x8];
	[sflag:s22] =	ssyncadd.s32 $0xFFFFFE00  }
0x219: {  	[hbm4b:s16+s7] =	stream.strided.scatter [tilespmem:s17], [sflag:$0x5], $0x200, s23, s7, $0x38;
	[tilespmem:$0x12200] =	vst v63  }
0x21a: {  	_ =	swait.ge [sflag:s22], $0x200  }
0x21b: {  	[sflag:s22] =	ssyncset.done $0x0  }
0x21c: {  	s19 =	simm.s32 $0x10A00;
	s18 =	rddreg [dreg:$0x9];
	[sflag:s22] =	ssyncadd.s32 $0xFFFFFE00  }
0x21d: {  	[hbm4b:s18+s7] =	stream.strided.scatter [tilespmem:s19], [sflag:$0x5], $0x200, s23, s7, $0x38;
	[tilespmem:$0x12200] =	vst v63  }
0x21e: {  	_ =	swait.ge [sflag:s22], $0x200  }
0x21f: {  	[sflag:s22] =	ssyncset.done $0x0  }
0x220: {  	s13 =	simm.s32 $0x10C00;
	s9 =	rddreg [dreg:$0xa];
	[sflag:s22] =	ssyncadd.s32 $0xFFFFFE00  }
0x221: {  	[hbm4b:s9+s7] =	stream.strided.scatter [tilespmem:s13], [sflag:$0x5], $0x200, s23, s7, $0x38;
	[tilespmem:$0x12200] =	vst v63  }
0x222: {  	_ =	swait.ge [sflag:s22], $0x200  }
0x223: {  	[sflag:s22] =	ssyncset.done $0x0  }
0x224: {  	s15 =	simm.s32 $0x10E00;
	s14 =	rddreg [dreg:$0xb];
	[sflag:s22] =	ssyncadd.s32 $0xFFFFFE00  }
0x225: {  	[hbm4b:s14+s7] =	stream.strided.scatter [tilespmem:s15], [sflag:$0x5], $0x200, s23, s7, $0x38;
	[tilespmem:$0x12200] =	vst v63  }
0x226: {  	_ =	swait.ge [sflag:s22], $0x200  }
0x227: {  	[sflag:s22] =	ssyncset.done $0x0  }
0x228: {  	s17 =	simm.s32 $0x11000;
	s16 =	rddreg [dreg:$0xc];
	[sflag:s22] =	ssyncadd.s32 $0xFFFFFE00  }
0x229: {  	[hbm4b:s16+s7] =	stream.strided.scatter [tilespmem:s17], [sflag:$0x5], $0x200, s23, s7, $0x38;
	[tilespmem:$0x12200] =	vst v63  }
0x22a: {  	_ =	swait.ge [sflag:s22], $0x200  }
0x22b: {  	[sflag:s22] =	ssyncset.done $0x0  }
0x22c: {  	s19 =	simm.s32 $0x11200;
	s18 =	rddreg [dreg:$0xd];
	[sflag:s22] =	ssyncadd.s32 $0xFFFFFE00  }
0x22d: {  	[hbm4b:s18+s7] =	stream.strided.scatter [tilespmem:s19], [sflag:$0x5], $0x200, s23, s7, $0x38;
	[tilespmem:$0x12200] =	vst v63  }
0x22e: {  	_ =	swait.ge [sflag:s22], $0x200  }
0x22f: {  	[sflag:s22] =	ssyncset.done $0x0  }
0x230: {  	s13 =	simm.s32 $0x11400;
	s9 =	rddreg [dreg:$0xe];
	[sflag:s22] =	ssyncadd.s32 $0xFFFFFE00  }
0x231: {  	[hbm4b:s9+s7] =	stream.strided.scatter [tilespmem:s13], [sflag:$0x5], $0x200, s23, s7, $0x38;
	[tilespmem:$0x12200] =	vst v63  }
0x232: {  	_ =	swait.ge [sflag:s22], $0x200  }
0x233: {  	[sflag:s22] =	ssyncset.done $0x0  }
0x234: {  	s15 =	simm.s32 $0x11600;
	s14 =	rddreg [dreg:$0xf];
	[sflag:s22] =	ssyncadd.s32 $0xFFFFFE00  }
0x235: {  	[hbm4b:s14+s7] =	stream.strided.scatter [tilespmem:s15], [sflag:$0x5], $0x200, s23, s7, $0x38;
	[tilespmem:$0x12200] =	vst v63  }
0x236: {  	_ =	swait.ge [sflag:s22], $0x200  }
0x237: {  	[sflag:s22] =	ssyncset.done $0x0  }
0x238: {  	s17 =	simm.s32 $0x11800;
	s16 =	rddreg [dreg:$0x10];
	[sflag:s22] =	ssyncadd.s32 $0xFFFFFE00  }
0x239: {  	[hbm4b:s16+s7] =	stream.strided.scatter [tilespmem:s17], [sflag:$0x5], $0x200, s23, s7, $0x38;
	[tilespmem:$0x12200] =	vst v63  }
0x23a: {  	_ =	swait.ge [sflag:s22], $0x200  }
0x23b: {  	[sflag:s22] =	ssyncset.done $0x0  }
0x23c: {  	s19 =	simm.s32 $0x11A00;
	s18 =	rddreg [dreg:$0x11];
	[sflag:s22] =	ssyncadd.s32 $0xFFFFFE00  }
0x23d: {  	[hbm4b:s18+s7] =	stream.strided.scatter [tilespmem:s19], [sflag:$0x5], $0x200, s23, s7, $0x38;
	[tilespmem:$0x12200] =	vst v63  }
0x23e: {  	_ =	swait.ge [sflag:s22], $0x200  }
0x23f: {  	[sflag:s22] =	ssyncset.done $0x0  }
0x240: {  	s13 =	simm.s32 $0x11C00;
	s9 =	rddreg [dreg:$0x12];
	[sflag:s22] =	ssyncadd.s32 $0xFFFFFE00  }
0x241: {  	[hbm4b:s9+s7] =	stream.strided.scatter [tilespmem:s13], [sflag:$0x5], $0x200, s23, s7, $0x38;
	[tilespmem:$0x12200] =	vst v63  }
0x242: {  	_ =	swait.ge [sflag:s22], $0x200  }
0x243: {  	[sflag:s22] =	ssyncset.done $0x0  }
0x244: {  	s15 =	simm.s32 $0x11E00;
	s14 =	rddreg [dreg:$0x13];
	[sflag:s22] =	ssyncadd.s32 $0xFFFFFE00  }
0x245: {  	[hbm4b:s14+s7] =	stream.strided.scatter [tilespmem:s15], [sflag:$0x5], $0x200, s23, s7, $0x38;
	[tilespmem:$0x12200] =	vst v63  }
0x246: {  	_ =	swait.ge [sflag:s22], $0x200  }
0x247: {  	[sflag:s22] =	ssyncset.done $0x0  }
0x248: {  	s17 =	simm.s32 $0x12000;
	s16 =	rddreg [dreg:$0x14];
	[sflag:s22] =	ssyncadd.s32 $0xFFFFFE00  }
0x249: {  	[hbm4b:s16+s7] =	stream.strided.scatter [tilespmem:s17], [sflag:$0x5], $0x200, s23, s7, $0x38;
	[tilespmem:$0x12200] =	vst v63  }
0x24a: {  	_ =	swait.ge [sflag:s22], $0x200  }
0x24b: {  	s18 =	rddreg [dreg:$0x16]  }
0x24c: {  	s19 =	rddreg [dreg:$0x15];
	s7 =	sadd.s32 $0x1, s18  }
0x24d: {  	p0 =	sne.s32 s7, s19  }
.Ltmp1:
0x24e: {  	_ = 	snop;
	(pc) =	sbr.rel @p0 .LBB2_1-.Ltmp1, $4  }
0x24f: {  	s8 =	simm.s32 $0x1A00;
	s9 =	simm.s32 $0x2200  }
0x250: {  	s13 =	simm.s32 $0x2A00;
	s14 =	simm.s32 $0x3200;
	s15 =	simm.s32 $0x3A00  }
0x251: {  	s16 =	simm.s32 $0x4200;
	s17 =	simm.s32 $0x4A00;
	[sflag:s22] =	ssyncset.done $0x0  }
0x252: {  	[sflag:s22] =	ssyncadd.s32 $0xFFFFFE00;
	s18 =	simm.s32 $0x5200;
	s19 =	simm.s32 $0x5A00  }
0x253: {  	_ =	sfence.sel $0x180000  }
0x254: {  	[bflag:$0x0] =	sbarrier.arrive $0xFFFF  }
0x255: {  	_ =	strace $0x90000047  }
0x256: {  	s0 =	stileid.u32;
	[bflag:$0x2] =	sbarrier.arrive $0xFFFF  }
0x257: {  	p0 =	sne.s32 s0, $0x0;
	s0 =	rddreg [dreg:$0x3]  }
0x258: {  	s0 =	sadd.s32 @!p0 $0x100000, s0  }
0x259: {  	[sflag:s0] =	ssyncadd.tile.s32 @!p0 $0x1;
	_ =	shalt  }
.Lfunc_end2:
_tile_overlayer_lowered:
.L_overlay_start_2:
0x25a: {  	(tag) =	ssettag $0x2  }
0x25b: {  	s0 =	rddreg [dreg:$0x0];
	s2 =	stileid.u32  }
0x25c: {  	s1 =	rddreg [dreg:$0x1];
	p0 =	sne.s32 s2, $0x0  }
0x25d: {  	s3 =	rddreg [dreg:$0x2];
	[bflag:$0x3] =	sbarrier.arrive $0xFFFF;
	s2 =	simm.s32 @!p0 $0x1C05  }
0x25e: {  	[timem:s3], [sflag:s2] =	dma.local @!p0 [hbm:s0], s1  }
0x25f: {  	s0 =	simm.s32 @!p0 $0x5  }
0x260: {  	_ =	swait.ge @!p0 [sflag:s0], s1  }
0x261: {  	s1 =	ssub.s32 @!p0 $0x0, s1;
	[sflag:s0] =	ssyncset.done @!p0 $0x0  }
0x262: {  	[sflag:s0] =	ssyncadd.s32 @!p0 s1  }
0x263: {  	[bflag:$0x3] =	sbarrier.arrive $0xFFFF  }
0x264: {  	_ =	shalt  }

</sc_bundles>
